<compile_context>
chip_gen: v7x
topology: tpu7x:2x2x1
jax: 0.10.2.dev20260603
libtpu: 0.0.44.dev20260713+nightly
codegen_flags: <defaults>
</compile_context>

<pallas_src>
import functools

import jax
import jax.numpy as jnp
from jax import lax
from jax.experimental import pallas as pl
from jax.experimental.pallas import tpu as pltpu
from jax.experimental.pallas import tpu_sc as plsc

H = 4
TL = 1024


def _dots_body(x_ref, wk_ref, q_ref, out_ref, copy_ref):
    nh, hd = q_ref.shape[1], q_ref.shape[2]
    x = x_ref[0]
    copy_ref[0] = x
    k = lax.dot_general(x, wk_ref[...], (((1,), (1,)), ((), ())),
                        preferred_element_type=jnp.float32)
    for h in range(nh):
        kh = k[:, h * hd:(h + 1) * hd]
        qh = q_ref[0, h, :].reshape(1, hd)
        dh = lax.dot_general(qh, kh, (((1,), (1,)), ((), ())),
                             preferred_element_type=jnp.float32)
        out_ref[0, h, :] = dh[0]


def _tc_dots(x_lead, Wk, q3, B, Lp1, D):
    n_blk = (Lp1 + TL - 1) // TL
    lpad = n_blk * TL
    return pl.pallas_call(
        _dots_body,
        grid=(B, n_blk),
        in_specs=[
            pl.BlockSpec((1, TL, D), lambda b, t: (b, t, 0)),
            pl.BlockSpec((D, D), lambda b, t: (0, 0)),
            pl.BlockSpec((1, H, D // H), lambda b, t: (b, 0, 0)),
        ],
        out_specs=[
            pl.BlockSpec((1, H, TL), lambda b, t: (b, 0, t)),
            pl.BlockSpec((1, TL, D), lambda b, t: (b, t, 0)),
        ],
        out_shape=[jax.ShapeDtypeStruct((B, H, lpad), jnp.float32),
                   jax.ShapeDtypeStruct((B, lpad, D), jnp.float32)],
    )(x_lead, Wk, q3)


def _make_sc_gather(n_out, D):
    info = plsc.get_sparse_core_info()
    NC, NS = info.num_cores, info.num_subcores
    NW = NC * NS
    per_w = n_out // NW
    C = 32
    n_chunks = per_w // C
    mesh = plsc.VectorSubcoreMesh(core_axis_name="c", subcore_axis_name="s")

    @functools.partial(
        pl.kernel, mesh=mesh,
        out_type=(jax.ShapeDtypeStruct((n_out, D), jnp.float32),
                  jax.ShapeDtypeStruct((n_out, D), jnp.float32)),
        scratch_types=[
            pltpu.VMEM((n_chunks, C), jnp.int32),
            pltpu.VMEM((n_chunks, C), jnp.int32),
            pltpu.VMEM((C, D), jnp.float32),
            pltpu.VMEM((C, D), jnp.float32),
            pltpu.VMEM((C, D), jnp.float32),
            pltpu.VMEM((C, D), jnp.float32),
            pltpu.SemaphoreType.DMA,
            pltpu.SemaphoreType.DMA,
            pltpu.SemaphoreType.DMA,
            pltpu.SemaphoreType.DMA,
            pltpu.SemaphoreType.DMA,
            pltpu.SemaphoreType.DMA,
            pltpu.SemaphoreType.DMA,
            pltpu.SemaphoreType.DMA,
        ],
    )
    def gather(x_hbm, p_hbm, idx_x_hbm, idx_p_hbm, out_x, out_p,
               idx_xv, idx_pv, a0, a1, b0, b1,
               ga0, ga1, gb0, gb1, sa0, sa1, sb0, sb1):
        wid = lax.axis_index("s") * NC + lax.axis_index("c")
        base = wid * per_w
        pltpu.sync_copy(idx_x_hbm.at[wid], idx_xv)
        pltpu.sync_copy(idx_p_hbm.at[wid], idx_pv)
        tabs = [(x_hbm, idx_xv, out_x, (a0, a1), (ga0, ga1), (sa0, sa1)),
                (p_hbm, idx_pv, out_p, (b0, b1), (gb0, gb1), (sb0, sb1))]
        gcp, scp = {}, {}
        for ti, (hbm, idxv, out, bufs, gs, ss) in enumerate(tabs):
            gcp[(ti, 0)] = pltpu.async_copy(hbm.at[idxv.at[0]], bufs[0], gs[0])
        for j in range(n_chunks):
            cur, nxt = j % 2, (j + 1) % 2
            for ti, (hbm, idxv, out, bufs, gs, ss) in enumerate(tabs):
                if j >= 1:
                    scp[(ti, j - 1)].wait()
                if j + 1 < n_chunks:
                    gcp[(ti, j + 1)] = pltpu.async_copy(
                        hbm.at[idxv.at[j + 1]], bufs[nxt], gs[nxt])
                gcp[(ti, j)].wait()
                scp[(ti, j)] = pltpu.async_copy(
                    bufs[cur], out.at[pl.ds(base + j * C, C)], ss[cur])
        for ti in range(2):
            scp[(ti, n_chunks - 1)].wait()

    def run(x_flat, p_flat, idx_x, idx_p):
        return gather(x_flat, p_flat,
                      idx_x.reshape(NW, n_chunks, C),
                      idx_p.reshape(NW, n_chunks, C))

    return run


def kernel(x_lead, x_pos_masked, Wq, Wk):
    B, Lp1, D = x_lead.shape
    L = Lp1 - 1
    hd = D // H
    scale = hd ** (-0.5)
    len_keep = int(L * 0.5)

    score_emb = x_lead[:, :1, :]
    q = score_emb @ Wq.T
    q3 = q.reshape(B, H, hd)

    dots_pad, x_copy = _tc_dots(x_lead, Wk, q3, B, Lp1, D)
    lpad = x_copy.shape[1]
    dots = dots_pad[:, :, 1:L + 1].reshape(B, H, 1, L) * scale
    attn = jax.nn.softmax(dots, axis=-1)
    score_atten = jnp.mean(attn, axis=1)
    x_atten_all = score_atten[:, 0, :]
    ids_sorted = jnp.argsort(-x_atten_all, axis=1)
    ids_keep = ids_sorted[:, :len_keep]

    row_off_x = (jnp.arange(B, dtype=jnp.int32) * lpad + 1)[:, None]
    row_off_p = (jnp.arange(B, dtype=jnp.int32) * L)[:, None]
    idx_x = (ids_keep + row_off_x).reshape(-1)
    idx_p = (ids_keep + row_off_p).reshape(-1)

    gather = _make_sc_gather(B * len_keep, D)
    out_x, out_p = gather(x_copy.reshape(B * lpad, D),
                          x_pos_masked.reshape(B * L, D), idx_x, idx_p)
    return (out_x.reshape(B, len_keep, D), out_p.reshape(B, len_keep, D))

# --- scband reference (transcript-rebuilt; emitter-appended) ---
"""Pipeline reference for scband-token-purification-m-16527034155657 (READ-ONLY COPY).

The authoritative reference and input builder live on the scoring server;
editing this copy changes nothing except your own understanding.
"""

import jax, jax.numpy as jnp
import numpy as np

B, L, D, H = 4, 8192, 768, 4
RATIO = 0.5


def setup_inputs(seed: int = 0) -> dict:
    key = jax.random.key(seed)
    k1, k2, k3, k4 = jax.random.split(key, 4)
    x_lead = jax.random.normal(k1, (B, L + 1, D), dtype=jnp.float32)
    x_pos_masked = jax.random.normal(k2, (B, L, D), dtype=jnp.float32)
    # nn.Linear(dim, dim, bias=False) weights, torch layout [out, in]
    Wq = jax.random.normal(k3, (D, D), dtype=jnp.float32) * 0.02
    Wk = jax.random.normal(k4, (D, D), dtype=jnp.float32) * 0.02
    return {"x_lead": x_lead, "x_pos_masked": x_pos_masked, "Wq": Wq, "Wk": Wk}


def reference(x_lead, x_pos_masked, Wq, Wk):
    head_dim = D // H
    scale = head_dim ** (-0.5)
    # split off score token
    score_emb = x_lead[:, :1, :]            # [B, 1, D]
    x = x_lead[:, 1:, :]                    # [B, L, D]
    # MultiHeadAttention_atten_only (attn weights only), pure_ways='atten'
    q = score_emb @ Wq.T                    # [B, 1, D]
    k = x @ Wk.T                            # [B, L, D]
    q = q.reshape(B, 1, H, head_dim).transpose(0, 2, 1, 3)   # [B, H, 1, hd]
    k = k.reshape(B, L, H, head_dim).transpose(0, 2, 1, 3)   # [B, H, L, hd]
    dots = jnp.einsum('bhid,bhjd->bhij', q, k) * scale       # [B, H, 1, L]
    attn = jax.nn.softmax(dots, axis=-1)
    score_atten = jnp.mean(attn, axis=1)    # [B, 1, L]
    x_atten_all = score_atten[:, 0, :]      # [B, L]
    # sortANDgather, pure_ways='atten': descending argsort, keep top len_keep
    len_keep = int(L * RATIO)
    ids_sorted = jnp.argsort(-x_atten_all, axis=1)
    ids_keep = ids_sorted[:, :len_keep]     # [B, len_keep]
    x_selected = jnp.take_along_axis(x, ids_keep[:, :, None], axis=1)
    x_selected_pos = jnp.take_along_axis(x_pos_masked, ids_keep[:, :, None], axis=1)
    return (x_selected, x_selected_pos)

if __name__ == "__main__":
    import jax
    _d = setup_inputs()
    print(jax.jit(kernel)(*tuple(_d.values())))

</pallas_src>

<mosaic_0001>
#map = affine_map<(d0, d1) -> (0, 0)>
#map1 = affine_map<(d0, d1) -> (0, 0, 0)>
module attributes {stable_mosaic.version = 14 : i64} {
  func.func @gather(%arg0: i32, %arg1: i32, %arg2: memref<36864x768xf32, #tpu.memory_space<hbm>>, %arg3: memref<32768x768xf32, #tpu.memory_space<hbm>>, %arg4: memref<32x16x32xi32, #tpu.memory_space<hbm>>, %arg5: memref<32x16x32xi32, #tpu.memory_space<hbm>>, %arg6: memref<16384x768xf32, #tpu.memory_space<hbm>>, %arg7: memref<16384x768xf32, #tpu.memory_space<hbm>>, %arg8: memref<16x32xi32, #tpu.memory_space<vmem>>, %arg9: memref<16x32xi32, #tpu.memory_space<vmem>>, %arg10: memref<32x768xf32, #tpu.memory_space<vmem>>, %arg11: memref<32x768xf32, #tpu.memory_space<vmem>>, %arg12: memref<32x768xf32, #tpu.memory_space<vmem>>, %arg13: memref<32x768xf32, #tpu.memory_space<vmem>>, %arg14: memref<!tpu.dma_semaphore, #tpu.memory_space<semaphore_mem>>, %arg15: memref<!tpu.dma_semaphore, #tpu.memory_space<semaphore_mem>>, %arg16: memref<!tpu.dma_semaphore, #tpu.memory_space<semaphore_mem>>, %arg17: memref<!tpu.dma_semaphore, #tpu.memory_space<semaphore_mem>>, %arg18: memref<!tpu.dma_semaphore, #tpu.memory_space<semaphore_mem>>, %arg19: memref<!tpu.dma_semaphore, #tpu.memory_space<semaphore_mem>>, %arg20: memref<!tpu.dma_semaphore, #tpu.memory_space<semaphore_mem>>, %arg21: memref<!tpu.dma_semaphore, #tpu.memory_space<semaphore_mem>>) attributes {dimension_semantics = [#tpu.dimension_semantics<core_parallel>, #tpu.dimension_semantics<subcore_parallel>], iteration_bounds = array<i64: 2, 16>, scalar_prefetch = 0 : i64, scratch_operands = 14 : i64, tpu.core_type = #tpu.core_type<sc_vector_subcore>, window_params = [{transform_indices = #map}, {transform_indices = #map}, {transform_indices = #map1}, {transform_indices = #map1}, {transform_indices = #map}, {transform_indices = #map}]} {
    %mul3A = arith.constant 2 : i32
    %mul3A_0 = arith.muli %arg1, %mul3A : i32
    %add3A = arith.addi %mul3A_0, %arg0 : i32
    %mul3A_1 = arith.constant 512 : i32
    %mul3A_2 = arith.muli %add3A, %mul3A_1 : i32
    "tpu.region"() ({
      %run_scoped3A = tpu.sem_alloc : memref<!tpu.dma_semaphore, #tpu.memory_space<semaphore_mem>>
      %dma_start3A_769 = arith.constant 0 : i32
      %dma_start3A_770 = arith.constant 0 : i32
      %dma_start3A_771 = tpu.memref_slice %arg4[%add3A, %dma_start3A_769, %dma_start3A_770] : memref<32x16x32xi32, #tpu.memory_space<hbm>> -> memref<1x16x32xi32, #tpu.memory_space<hbm>>
      %dma_start3A_772 = tpu.memref_squeeze %dma_start3A_771 : memref<1x16x32xi32, #tpu.memory_space<hbm>> -> memref<16x32xi32, #tpu.memory_space<hbm>>
      %dma_start3A_773 = arith.constant 0 : i32
      %dma_start3A_774 = arith.constant 0 : i32
      %dma_start3A_775 = tpu.memref_slice %arg4[%add3A, %dma_start3A_773, %dma_start3A_774] : memref<32x16x32xi32, #tpu.memory_space<hbm>> -> memref<1x16x32xi32, #tpu.memory_space<hbm>>
      %dma_start3A_776 = tpu.memref_squeeze %dma_start3A_775 : memref<1x16x32xi32, #tpu.memory_space<hbm>> -> memref<16x32xi32, #tpu.memory_space<hbm>>
      tpu.enqueue_dma source(%dma_start3A_776 : memref<16x32xi32, #tpu.memory_space<hbm>>) target(%arg8 : memref<16x32xi32, #tpu.memory_space<vmem>>) target_semaphore(%run_scoped3A : memref<!tpu.dma_semaphore, #tpu.memory_space<semaphore_mem>>)
      %dma_wait3A_777 = arith.constant 0 : i32
      %dma_wait3A_778 = arith.constant 0 : i32
      %dma_wait3A_779 = tpu.memref_slice %arg4[%add3A, %dma_wait3A_777, %dma_wait3A_778] : memref<32x16x32xi32, #tpu.memory_space<hbm>> -> memref<1x16x32xi32, #tpu.memory_space<hbm>>
      %dma_wait3A_780 = tpu.memref_squeeze %dma_wait3A_779 : memref<1x16x32xi32, #tpu.memory_space<hbm>> -> memref<16x32xi32, #tpu.memory_space<hbm>>
      %dma_wait3A_781 = arith.constant 0 : i32
      %dma_wait3A_782 = arith.constant 0 : i32
      %dma_wait3A_783 = tpu.memref_slice %arg4[%add3A, %dma_wait3A_781, %dma_wait3A_782] : memref<32x16x32xi32, #tpu.memory_space<hbm>> -> memref<1x16x32xi32, #tpu.memory_space<hbm>>
      %dma_wait3A_784 = tpu.memref_squeeze %dma_wait3A_783 : memref<1x16x32xi32, #tpu.memory_space<hbm>> -> memref<16x32xi32, #tpu.memory_space<hbm>>
      tpu.wait_dma2 semaphore(%run_scoped3A : memref<!tpu.dma_semaphore, #tpu.memory_space<semaphore_mem>>) src(%dma_wait3A_784 : memref<16x32xi32, #tpu.memory_space<hbm>>) dst(%arg8 : memref<16x32xi32, #tpu.memory_space<vmem>>)
      tpu.yield
    }) : () -> ()
    "tpu.region"() ({
      %run_scoped3A = tpu.sem_alloc : memref<!tpu.dma_semaphore, #tpu.memory_space<semaphore_mem>>
      %dma_start3A_769 = arith.constant 0 : i32
      %dma_start3A_770 = arith.constant 0 : i32
      %dma_start3A_771 = tpu.memref_slice %arg5[%add3A, %dma_start3A_769, %dma_start3A_770] : memref<32x16x32xi32, #tpu.memory_space<hbm>> -> memref<1x16x32xi32, #tpu.memory_space<hbm>>
      %dma_start3A_772 = tpu.memref_squeeze %dma_start3A_771 : memref<1x16x32xi32, #tpu.memory_space<hbm>> -> memref<16x32xi32, #tpu.memory_space<hbm>>
      %dma_start3A_773 = arith.constant 0 : i32
      %dma_start3A_774 = arith.constant 0 : i32
      %dma_start3A_775 = tpu.memref_slice %arg5[%add3A, %dma_start3A_773, %dma_start3A_774] : memref<32x16x32xi32, #tpu.memory_space<hbm>> -> memref<1x16x32xi32, #tpu.memory_space<hbm>>
      %dma_start3A_776 = tpu.memref_squeeze %dma_start3A_775 : memref<1x16x32xi32, #tpu.memory_space<hbm>> -> memref<16x32xi32, #tpu.memory_space<hbm>>
      tpu.enqueue_dma source(%dma_start3A_776 : memref<16x32xi32, #tpu.memory_space<hbm>>) target(%arg9 : memref<16x32xi32, #tpu.memory_space<vmem>>) target_semaphore(%run_scoped3A : memref<!tpu.dma_semaphore, #tpu.memory_space<semaphore_mem>>)
      %dma_wait3A_777 = arith.constant 0 : i32
      %dma_wait3A_778 = arith.constant 0 : i32
      %dma_wait3A_779 = tpu.memref_slice %arg5[%add3A, %dma_wait3A_777, %dma_wait3A_778] : memref<32x16x32xi32, #tpu.memory_space<hbm>> -> memref<1x16x32xi32, #tpu.memory_space<hbm>>
      %dma_wait3A_780 = tpu.memref_squeeze %dma_wait3A_779 : memref<1x16x32xi32, #tpu.memory_space<hbm>> -> memref<16x32xi32, #tpu.memory_space<hbm>>
      %dma_wait3A_781 = arith.constant 0 : i32
      %dma_wait3A_782 = arith.constant 0 : i32
      %dma_wait3A_783 = tpu.memref_slice %arg5[%add3A, %dma_wait3A_781, %dma_wait3A_782] : memref<32x16x32xi32, #tpu.memory_space<hbm>> -> memref<1x16x32xi32, #tpu.memory_space<hbm>>
      %dma_wait3A_784 = tpu.memref_squeeze %dma_wait3A_783 : memref<1x16x32xi32, #tpu.memory_space<hbm>> -> memref<16x32xi32, #tpu.memory_space<hbm>>
      tpu.wait_dma2 semaphore(%run_scoped3A : memref<!tpu.dma_semaphore, #tpu.memory_space<semaphore_mem>>) src(%dma_wait3A_784 : memref<16x32xi32, #tpu.memory_space<hbm>>) dst(%arg9 : memref<16x32xi32, #tpu.memory_space<vmem>>)
      tpu.yield
    }) : () -> ()
    %dma_start3A = arith.constant 0 : i32
    %dma_start3A_3 = arith.constant 0 : i32
    %dma_start3A_4 = tpu.memref_slice %arg8[%dma_start3A, %dma_start3A_3] : memref<16x32xi32, #tpu.memory_space<vmem>> -> memref<1x32xi32, #tpu.memory_space<vmem>>
    %dma_start3A_5 = tpu.memref_squeeze %dma_start3A_4 : memref<1x32xi32, #tpu.memory_space<vmem>> -> memref<32xi32, #tpu.memory_space<vmem>>
    %dma_start3A_6 = arith.constant 0 : i32
    %dma_start3A_7 = arith.constant 0 : i32
    %dma_start3A_8 = tpu.memref_slice %arg2[%dma_start3A_6, %dma_start3A_7] : memref<36864x768xf32, #tpu.memory_space<hbm>> -> memref<36864x768xf32, #tpu.memory_space<hbm>>
    tpu.enqueue_indirect_dma source(%dma_start3A_8 : memref<36864x768xf32, #tpu.memory_space<hbm>>) target(%arg10 : memref<32x768xf32, #tpu.memory_space<vmem>>) offsets(%dma_start3A_5 : memref<32xi32, #tpu.memory_space<vmem>>) semaphore(%arg14 : memref<!tpu.dma_semaphore, #tpu.memory_space<semaphore_mem>>)
    %dma_start3A_9 = arith.constant 0 : i32
    %dma_start3A_10 = arith.constant 0 : i32
    %dma_start3A_11 = tpu.memref_slice %arg9[%dma_start3A_9, %dma_start3A_10] : memref<16x32xi32, #tpu.memory_space<vmem>> -> memref<1x32xi32, #tpu.memory_space<vmem>>
    %dma_start3A_12 = tpu.memref_squeeze %dma_start3A_11 : memref<1x32xi32, #tpu.memory_space<vmem>> -> memref<32xi32, #tpu.memory_space<vmem>>
    %dma_start3A_13 = arith.constant 0 : i32
    %dma_start3A_14 = arith.constant 0 : i32
    %dma_start3A_15 = tpu.memref_slice %arg3[%dma_start3A_13, %dma_start3A_14] : memref<32768x768xf32, #tpu.memory_space<hbm>> -> memref<32768x768xf32, #tpu.memory_space<hbm>>
    tpu.enqueue_indirect_dma source(%dma_start3A_15 : memref<32768x768xf32, #tpu.memory_space<hbm>>) target(%arg12 : memref<32x768xf32, #tpu.memory_space<vmem>>) offsets(%dma_start3A_12 : memref<32xi32, #tpu.memory_space<vmem>>) semaphore(%arg16 : memref<!tpu.dma_semaphore, #tpu.memory_space<semaphore_mem>>)
    %dma_start3A_16 = arith.constant 1 : i32
    %dma_start3A_17 = arith.constant 0 : i32
    %dma_start3A_18 = tpu.memref_slice %arg8[%dma_start3A_16, %dma_start3A_17] : memref<16x32xi32, #tpu.memory_space<vmem>> -> memref<1x32xi32, #tpu.memory_space<vmem>>
    %dma_start3A_19 = tpu.memref_squeeze %dma_start3A_18 : memref<1x32xi32, #tpu.memory_space<vmem>> -> memref<32xi32, #tpu.memory_space<vmem>>
    %dma_start3A_20 = arith.constant 0 : i32
    %dma_start3A_21 = arith.constant 0 : i32
    %dma_start3A_22 = tpu.memref_slice %arg2[%dma_start3A_20, %dma_start3A_21] : memref<36864x768xf32, #tpu.memory_space<hbm>> -> memref<36864x768xf32, #tpu.memory_space<hbm>>
    tpu.enqueue_indirect_dma source(%dma_start3A_22 : memref<36864x768xf32, #tpu.memory_space<hbm>>) target(%arg11 : memref<32x768xf32, #tpu.memory_space<vmem>>) offsets(%dma_start3A_19 : memref<32xi32, #tpu.memory_space<vmem>>) semaphore(%arg15 : memref<!tpu.dma_semaphore, #tpu.memory_space<semaphore_mem>>)
    %dma_wait3A = arith.constant 0 : i32
    %dma_wait3A_23 = arith.constant 0 : i32
    %dma_wait3A_24 = tpu.memref_slice %arg8[%dma_wait3A, %dma_wait3A_23] : memref<16x32xi32, #tpu.memory_space<vmem>> -> memref<1x32xi32, #tpu.memory_space<vmem>>
    %dma_wait3A_25 = tpu.memref_squeeze %dma_wait3A_24 : memref<1x32xi32, #tpu.memory_space<vmem>> -> memref<32xi32, #tpu.memory_space<vmem>>
    %dma_wait3A_26 = arith.constant 0 : i32
    %dma_wait3A_27 = arith.constant 0 : i32
    %dma_wait3A_28 = tpu.memref_slice %arg2[%dma_wait3A_26, %dma_wait3A_27] : memref<36864x768xf32, #tpu.memory_space<hbm>> -> memref<36864x768xf32, #tpu.memory_space<hbm>>
    tpu.wait_indirect_dma semaphore(%arg14 : memref<!tpu.dma_semaphore, #tpu.memory_space<semaphore_mem>>) src(%dma_wait3A_28 : memref<36864x768xf32, #tpu.memory_space<hbm>>) dst(%arg10 : memref<32x768xf32, #tpu.memory_space<vmem>>)
    %add3A_29 = arith.constant 0 : i32
    %add3A_30 = arith.addi %mul3A_2, %add3A_29 : i32
    %dma_start3A_31 = arith.constant 0 : i32
    %dma_start3A_32 = tpu.memref_slice %arg6[%add3A_30, %dma_start3A_31] : memref<16384x768xf32, #tpu.memory_space<hbm>> -> memref<32x768xf32, #tpu.memory_space<hbm>>
    %dma_start3A_33 = arith.constant 0 : i32
    %dma_start3A_34 = tpu.memref_slice %arg6[%add3A_30, %dma_start3A_33] : memref<16384x768xf32, #tpu.memory_space<hbm>> -> memref<32x768xf32, #tpu.memory_space<hbm>>
    tpu.enqueue_dma source(%arg10 : memref<32x768xf32, #tpu.memory_space<vmem>>) target(%dma_start3A_34 : memref<32x768xf32, #tpu.memory_space<hbm>>) target_semaphore(%arg18 : memref<!tpu.dma_semaphore, #tpu.memory_space<semaphore_mem>>)
    %dma_start3A_35 = arith.constant 1 : i32
    %dma_start3A_36 = arith.constant 0 : i32
    %dma_start3A_37 = tpu.memref_slice %arg9[%dma_start3A_35, %dma_start3A_36] : memref<16x32xi32, #tpu.memory_space<vmem>> -> memref<1x32xi32, #tpu.memory_space<vmem>>
    %dma_start3A_38 = tpu.memref_squeeze %dma_start3A_37 : memref<1x32xi32, #tpu.memory_space<vmem>> -> memref<32xi32, #tpu.memory_space<vmem>>
    %dma_start3A_39 = arith.constant 0 : i32
    %dma_start3A_40 = arith.constant 0 : i32
    %dma_start3A_41 = tpu.memref_slice %arg3[%dma_start3A_39, %dma_start3A_40] : memref<32768x768xf32, #tpu.memory_space<hbm>> -> memref<32768x768xf32, #tpu.memory_space<hbm>>
    tpu.enqueue_indirect_dma source(%dma_start3A_41 : memref<32768x768xf32, #tpu.memory_space<hbm>>) target(%arg13 : memref<32x768xf32, #tpu.memory_space<vmem>>) offsets(%dma_start3A_38 : memref<32xi32, #tpu.memory_space<vmem>>) semaphore(%arg17 : memref<!tpu.dma_semaphore, #tpu.memory_space<semaphore_mem>>)
    %dma_wait3A_42 = arith.constant 0 : i32
    %dma_wait3A_43 = arith.constant 0 : i32
    %dma_wait3A_44 = tpu.memref_slice %arg9[%dma_wait3A_42, %dma_wait3A_43] : memref<16x32xi32, #tpu.memory_space<vmem>> -> memref<1x32xi32, #tpu.memory_space<vmem>>
    %dma_wait3A_45 = tpu.memref_squeeze %dma_wait3A_44 : memref<1x32xi32, #tpu.memory_space<vmem>> -> memref<32xi32, #tpu.memory_space<vmem>>
    %dma_wait3A_46 = arith.constant 0 : i32
    %dma_wait3A_47 = arith.constant 0 : i32
    %dma_wait3A_48 = tpu.memref_slice %arg3[%dma_wait3A_46, %dma_wait3A_47] : memref<32768x768xf32, #tpu.memory_space<hbm>> -> memref<32768x768xf32, #tpu.memory_space<hbm>>
    tpu.wait_indirect_dma semaphore(%arg16 : memref<!tpu.dma_semaphore, #tpu.memory_space<semaphore_mem>>) src(%dma_wait3A_48 : memref<32768x768xf32, #tpu.memory_space<hbm>>) dst(%arg12 : memref<32x768xf32, #tpu.memory_space<vmem>>)
    %add3A_49 = arith.constant 0 : i32
    %add3A_50 = arith.addi %mul3A_2, %add3A_49 : i32
    %dma_start3A_51 = arith.constant 0 : i32
    %dma_start3A_52 = tpu.memref_slice %arg7[%add3A_50, %dma_start3A_51] : memref<16384x768xf32, #tpu.memory_space<hbm>> -> memref<32x768xf32, #tpu.memory_space<hbm>>
    %dma_start3A_53 = arith.constant 0 : i32
    %dma_start3A_54 = tpu.memref_slice %arg7[%add3A_50, %dma_start3A_53] : memref<16384x768xf32, #tpu.memory_space<hbm>> -> memref<32x768xf32, #tpu.memory_space<hbm>>
    tpu.enqueue_dma source(%arg12 : memref<32x768xf32, #tpu.memory_space<vmem>>) target(%dma_start3A_54 : memref<32x768xf32, #tpu.memory_space<hbm>>) target_semaphore(%arg20 : memref<!tpu.dma_semaphore, #tpu.memory_space<semaphore_mem>>)
    %dma_wait3A_55 = arith.constant 0 : i32
    %dma_wait3A_56 = tpu.memref_slice %arg6[%add3A_30, %dma_wait3A_55] : memref<16384x768xf32, #tpu.memory_space<hbm>> -> memref<32x768xf32, #tpu.memory_space<hbm>>
    %dma_wait3A_57 = arith.constant 0 : i32
    %dma_wait3A_58 = tpu.memref_slice %arg6[%add3A_30, %dma_wait3A_57] : memref<16384x768xf32, #tpu.memory_space<hbm>> -> memref<32x768xf32, #tpu.memory_space<hbm>>
    tpu.wait_dma2 semaphore(%arg18 : memref<!tpu.dma_semaphore, #tpu.memory_space<semaphore_mem>>) src(%arg10 : memref<32x768xf32, #tpu.memory_space<vmem>>) dst(%dma_wait3A_58 : memref<32x768xf32, #tpu.memory_space<hbm>>)
    %dma_start3A_59 = arith.constant 2 : i32
    %dma_start3A_60 = arith.constant 0 : i32
    %dma_start3A_61 = tpu.memref_slice %arg8[%dma_start3A_59, %dma_start3A_60] : memref<16x32xi32, #tpu.memory_space<vmem>> -> memref<1x32xi32, #tpu.memory_space<vmem>>
    %dma_start3A_62 = tpu.memref_squeeze %dma_start3A_61 : memref<1x32xi32, #tpu.memory_space<vmem>> -> memref<32xi32, #tpu.memory_space<vmem>>
    %dma_start3A_63 = arith.constant 0 : i32
    %dma_start3A_64 = arith.constant 0 : i32
    %dma_start3A_65 = tpu.memref_slice %arg2[%dma_start3A_63, %dma_start3A_64] : memref<36864x768xf32, #tpu.memory_space<hbm>> -> memref<36864x768xf32, #tpu.memory_space<hbm>>
    tpu.enqueue_indirect_dma source(%dma_start3A_65 : memref<36864x768xf32, #tpu.memory_space<hbm>>) target(%arg10 : memref<32x768xf32, #tpu.memory_space<vmem>>) offsets(%dma_start3A_62 : memref<32xi32, #tpu.memory_space<vmem>>) semaphore(%arg14 : memref<!tpu.dma_semaphore, #tpu.memory_space<semaphore_mem>>)
    %dma_wait3A_66 = arith.constant 1 : i32
    %dma_wait3A_67 = arith.constant 0 : i32
    %dma_wait3A_68 = tpu.memref_slice %arg8[%dma_wait3A_66, %dma_wait3A_67] : memref<16x32xi32, #tpu.memory_space<vmem>> -> memref<1x32xi32, #tpu.memory_space<vmem>>
    %dma_wait3A_69 = tpu.memref_squeeze %dma_wait3A_68 : memref<1x32xi32, #tpu.memory_space<vmem>> -> memref<32xi32, #tpu.memory_space<vmem>>
    %dma_wait3A_70 = arith.constant 0 : i32
    %dma_wait3A_71 = arith.constant 0 : i32
    %dma_wait3A_72 = tpu.memref_slice %arg2[%dma_wait3A_70, %dma_wait3A_71] : memref<36864x768xf32, #tpu.memory_space<hbm>> -> memref<36864x768xf32, #tpu.memory_space<hbm>>
    tpu.wait_indirect_dma semaphore(%arg15 : memref<!tpu.dma_semaphore, #tpu.memory_space<semaphore_mem>>) src(%dma_wait3A_72 : memref<36864x768xf32, #tpu.memory_space<hbm>>) dst(%arg11 : memref<32x768xf32, #tpu.memory_space<vmem>>)
    %add3A_73 = arith.constant 32 : i32
    %add3A_74 = arith.addi %mul3A_2, %add3A_73 : i32
    %dma_start3A_75 = arith.constant 0 : i32
    %dma_start3A_76 = tpu.memref_slice %arg6[%add3A_74, %dma_start3A_75] : memref<16384x768xf32, #tpu.memory_space<hbm>> -> memref<32x768xf32, #tpu.memory_space<hbm>>
    %dma_start3A_77 = arith.constant 0 : i32
    %dma_start3A_78 = tpu.memref_slice %arg6[%add3A_74, %dma_start3A_77] : memref<16384x768xf32, #tpu.memory_space<hbm>> -> memref<32x768xf32, #tpu.memory_space<hbm>>
    tpu.enqueue_dma source(%arg11 : memref<32x768xf32, #tpu.memory_space<vmem>>) target(%dma_start3A_78 : memref<32x768xf32, #tpu.memory_space<hbm>>) target_semaphore(%arg19 : memref<!tpu.dma_semaphore, #tpu.memory_space<semaphore_mem>>)
    %dma_wait3A_79 = arith.constant 0 : i32
    %dma_wait3A_80 = tpu.memref_slice %arg7[%add3A_50, %dma_wait3A_79] : memref<16384x768xf32, #tpu.memory_space<hbm>> -> memref<32x768xf32, #tpu.memory_space<hbm>>
    %dma_wait3A_81 = arith.constant 0 : i32
    %dma_wait3A_82 = tpu.memref_slice %arg7[%add3A_50, %dma_wait3A_81] : memref<16384x768xf32, #tpu.memory_space<hbm>> -> memref<32x768xf32, #tpu.memory_space<hbm>>
    tpu.wait_dma2 semaphore(%arg20 : memref<!tpu.dma_semaphore, #tpu.memory_space<semaphore_mem>>) src(%arg12 : memref<32x768xf32, #tpu.memory_space<vmem>>) dst(%dma_wait3A_82 : memref<32x768xf32, #tpu.memory_space<hbm>>)
    %dma_start3A_83 = arith.constant 2 : i32
    %dma_start3A_84 = arith.constant 0 : i32
    %dma_start3A_85 = tpu.memref_slice %arg9[%dma_start3A_83, %dma_start3A_84] : memref<16x32xi32, #tpu.memory_space<vmem>> -> memref<1x32xi32, #tpu.memory_space<vmem>>
    %dma_start3A_86 = tpu.memref_squeeze %dma_start3A_85 : memref<1x32xi32, #tpu.memory_space<vmem>> -> memref<32xi32, #tpu.memory_space<vmem>>
    %dma_start3A_87 = arith.constant 0 : i32
    %dma_start3A_88 = arith.constant 0 : i32
    %dma_start3A_89 = tpu.memref_slice %arg3[%dma_start3A_87, %dma_start3A_88] : memref<32768x768xf32, #tpu.memory_space<hbm>> -> memref<32768x768xf32, #tpu.memory_space<hbm>>
    tpu.enqueue_indirect_dma source(%dma_start3A_89 : memref<32768x768xf32, #tpu.memory_space<hbm>>) target(%arg12 : memref<32x768xf32, #tpu.memory_space<vmem>>) offsets(%dma_start3A_86 : memref<32xi32, #tpu.memory_space<vmem>>) semaphore(%arg16 : memref<!tpu.dma_semaphore, #tpu.memory_space<semaphore_mem>>)
    %dma_wait3A_90 = arith.constant 1 : i32
    %dma_wait3A_91 = arith.constant 0 : i32
    %dma_wait3A_92 = tpu.memref_slice %arg9[%dma_wait3A_90, %dma_wait3A_91] : memref<16x32xi32, #tpu.memory_space<vmem>> -> memref<1x32xi32, #tpu.memory_space<vmem>>
    %dma_wait3A_93 = tpu.memref_squeeze %dma_wait3A_92 : memref<1x32xi32, #tpu.memory_space<vmem>> -> memref<32xi32, #tpu.memory_space<vmem>>
    %dma_wait3A_94 = arith.constant 0 : i32
    %dma_wait3A_95 = arith.constant 0 : i32
    %dma_wait3A_96 = tpu.memref_slice %arg3[%dma_wait3A_94, %dma_wait3A_95] : memref<32768x768xf32, #tpu.memory_space<hbm>> -> memref<32768x768xf32, #tpu.memory_space<hbm>>
    tpu.wait_indirect_dma semaphore(%arg17 : memref<!tpu.dma_semaphore, #tpu.memory_space<semaphore_mem>>) src(%dma_wait3A_96 : memref<32768x768xf32, #tpu.memory_space<hbm>>) dst(%arg13 : memref<32x768xf32, #tpu.memory_space<vmem>>)
    %add3A_97 = arith.constant 32 : i32
    %add3A_98 = arith.addi %mul3A_2, %add3A_97 : i32
    %dma_start3A_99 = arith.constant 0 : i32
    %dma_start3A_100 = tpu.memref_slice %arg7[%add3A_98, %dma_start3A_99] : memref<16384x768xf32, #tpu.memory_space<hbm>> -> memref<32x768xf32, #tpu.memory_space<hbm>>
    %dma_start3A_101 = arith.constant 0 : i32
    %dma_start3A_102 = tpu.memref_slice %arg7[%add3A_98, %dma_start3A_101] : memref<16384x768xf32, #tpu.memory_space<hbm>> -> memref<32x768xf32, #tpu.memory_space<hbm>>
    tpu.enqueue_dma source(%arg13 : memref<32x768xf32, #tpu.memory_space<vmem>>) target(%dma_start3A_102 : memref<32x768xf32, #tpu.memory_space<hbm>>) target_semaphore(%arg21 : memref<!tpu.dma_semaphore, #tpu.memory_space<semaphore_mem>>)
    %dma_wait3A_103 = arith.constant 0 : i32
    %dma_wait3A_104 = tpu.memref_slice %arg6[%add3A_74, %dma_wait3A_103] : memref<16384x768xf32, #tpu.memory_space<hbm>> -> memref<32x768xf32, #tpu.memory_space<hbm>>
    %dma_wait3A_105 = arith.constant 0 : i32
    %dma_wait3A_106 = tpu.memref_slice %arg6[%add3A_74, %dma_wait3A_105] : memref<16384x768xf32, #tpu.memory_space<hbm>> -> memref<32x768xf32, #tpu.memory_space<hbm>>
    tpu.wait_dma2 semaphore(%arg19 : memref<!tpu.dma_semaphore, #tpu.memory_space<semaphore_mem>>) src(%arg11 : memref<32x768xf32, #tpu.memory_space<vmem>>) dst(%dma_wait3A_106 : memref<32x768xf32, #tpu.memory_space<hbm>>)
    %dma_start3A_107 = arith.constant 3 : i32
    %dma_start3A_108 = arith.constant 0 : i32
    %dma_start3A_109 = tpu.memref_slice %arg8[%dma_start3A_107, %dma_start3A_108] : memref<16x32xi32, #tpu.memory_space<vmem>> -> memref<1x32xi32, #tpu.memory_space<vmem>>
    %dma_start3A_110 = tpu.memref_squeeze %dma_start3A_109 : memref<1x32xi32, #tpu.memory_space<vmem>> -> memref<32xi32, #tpu.memory_space<vmem>>
    %dma_start3A_111 = arith.constant 0 : i32
    %dma_start3A_112 = arith.constant 0 : i32
    %dma_start3A_113 = tpu.memref_slice %arg2[%dma_start3A_111, %dma_start3A_112] : memref<36864x768xf32, #tpu.memory_space<hbm>> -> memref<36864x768xf32, #tpu.memory_space<hbm>>
    tpu.enqueue_indirect_dma source(%dma_start3A_113 : memref<36864x768xf32, #tpu.memory_space<hbm>>) target(%arg11 : memref<32x768xf32, #tpu.memory_space<vmem>>) offsets(%dma_start3A_110 : memref<32xi32, #tpu.memory_space<vmem>>) semaphore(%arg15 : memref<!tpu.dma_semaphore, #tpu.memory_space<semaphore_mem>>)
    %dma_wait3A_114 = arith.constant 2 : i32
    %dma_wait3A_115 = arith.constant 0 : i32
    %dma_wait3A_116 = tpu.memref_slice %arg8[%dma_wait3A_114, %dma_wait3A_115] : memref<16x32xi32, #tpu.memory_space<vmem>> -> memref<1x32xi32, #tpu.memory_space<vmem>>
    %dma_wait3A_117 = tpu.memref_squeeze %dma_wait3A_116 : memref<1x32xi32, #tpu.memory_space<vmem>> -> memref<32xi32, #tpu.memory_space<vmem>>
    %dma_wait3A_118 = arith.constant 0 : i32
    %dma_wait3A_119 = arith.constant 0 : i32
    %dma_wait3A_120 = tpu.memref_slice %arg2[%dma_wait3A_118, %dma_wait3A_119] : memref<36864x768xf32, #tpu.memory_space<hbm>> -> memref<36864x768xf32, #tpu.memory_space<hbm>>
    tpu.wait_indirect_dma semaphore(%arg14 : memref<!tpu.dma_semaphore, #tpu.memory_space<semaphore_mem>>) src(%dma_wait3A_120 : memref<36864x768xf32, #tpu.memory_space<hbm>>) dst(%arg10 : memref<32x768xf32, #tpu.memory_space<vmem>>)
    %add3A_121 = arith.constant 64 : i32
    %add3A_122 = arith.addi %mul3A_2, %add3A_121 : i32
    %dma_start3A_123 = arith.constant 0 : i32
    %dma_start3A_124 = tpu.memref_slice %arg6[%add3A_122, %dma_start3A_123] : memref<16384x768xf32, #tpu.memory_space<hbm>> -> memref<32x768xf32, #tpu.memory_space<hbm>>
    %dma_start3A_125 = arith.constant 0 : i32
    %dma_start3A_126 = tpu.memref_slice %arg6[%add3A_122, %dma_start3A_125] : memref<16384x768xf32, #tpu.memory_space<hbm>> -> memref<32x768xf32, #tpu.memory_space<hbm>>
    tpu.enqueue_dma source(%arg10 : memref<32x768xf32, #tpu.memory_space<vmem>>) target(%dma_start3A_126 : memref<32x768xf32, #tpu.memory_space<hbm>>) target_semaphore(%arg18 : memref<!tpu.dma_semaphore, #tpu.memory_space<semaphore_mem>>)
    %dma_wait3A_127 = arith.constant 0 : i32
    %dma_wait3A_128 = tpu.memref_slice %arg7[%add3A_98, %dma_wait3A_127] : memref<16384x768xf32, #tpu.memory_space<hbm>> -> memref<32x768xf32, #tpu.memory_space<hbm>>
    %dma_wait3A_129 = arith.constant 0 : i32
    %dma_wait3A_130 = tpu.memref_slice %arg7[%add3A_98, %dma_wait3A_129] : memref<16384x768xf32, #tpu.memory_space<hbm>> -> memref<32x768xf32, #tpu.memory_space<hbm>>
    tpu.wait_dma2 semaphore(%arg21 : memref<!tpu.dma_semaphore, #tpu.memory_space<semaphore_mem>>) src(%arg13 : memref<32x768xf32, #tpu.memory_space<vmem>>) dst(%dma_wait3A_130 : memref<32x768xf32, #tpu.memory_space<hbm>>)
    %dma_start3A_131 = arith.constant 3 : i32
    %dma_start3A_132 = arith.constant 0 : i32
    %dma_start3A_133 = tpu.memref_slice %arg9[%dma_start3A_131, %dma_start3A_132] : memref<16x32xi32, #tpu.memory_space<vmem>> -> memref<1x32xi32, #tpu.memory_space<vmem>>
    %dma_start3A_134 = tpu.memref_squeeze %dma_start3A_133 : memref<1x32xi32, #tpu.memory_space<vmem>> -> memref<32xi32, #tpu.memory_space<vmem>>
    %dma_start3A_135 = arith.constant 0 : i32
    %dma_start3A_136 = arith.constant 0 : i32
    %dma_start3A_137 = tpu.memref_slice %arg3[%dma_start3A_135, %dma_start3A_136] : memref<32768x768xf32, #tpu.memory_space<hbm>> -> memref<32768x768xf32, #tpu.memory_space<hbm>>
    tpu.enqueue_indirect_dma source(%dma_start3A_137 : memref<32768x768xf32, #tpu.memory_space<hbm>>) target(%arg13 : memref<32x768xf32, #tpu.memory_space<vmem>>) offsets(%dma_start3A_134 : memref<32xi32, #tpu.memory_space<vmem>>) semaphore(%arg17 : memref<!tpu.dma_semaphore, #tpu.memory_space<semaphore_mem>>)
    %dma_wait3A_138 = arith.constant 2 : i32
    %dma_wait3A_139 = arith.constant 0 : i32
    %dma_wait3A_140 = tpu.memref_slice %arg9[%dma_wait3A_138, %dma_wait3A_139] : memref<16x32xi32, #tpu.memory_space<vmem>> -> memref<1x32xi32, #tpu.memory_space<vmem>>
    %dma_wait3A_141 = tpu.memref_squeeze %dma_wait3A_140 : memref<1x32xi32, #tpu.memory_space<vmem>> -> memref<32xi32, #tpu.memory_space<vmem>>
    %dma_wait3A_142 = arith.constant 0 : i32
    %dma_wait3A_143 = arith.constant 0 : i32
    %dma_wait3A_144 = tpu.memref_slice %arg3[%dma_wait3A_142, %dma_wait3A_143] : memref<32768x768xf32, #tpu.memory_space<hbm>> -> memref<32768x768xf32, #tpu.memory_space<hbm>>
    tpu.wait_indirect_dma semaphore(%arg16 : memref<!tpu.dma_semaphore, #tpu.memory_space<semaphore_mem>>) src(%dma_wait3A_144 : memref<32768x768xf32, #tpu.memory_space<hbm>>) dst(%arg12 : memref<32x768xf32, #tpu.memory_space<vmem>>)
    %add3A_145 = arith.constant 64 : i32
    %add3A_146 = arith.addi %mul3A_2, %add3A_145 : i32
    %dma_start3A_147 = arith.constant 0 : i32
    %dma_start3A_148 = tpu.memref_slice %arg7[%add3A_146, %dma_start3A_147] : memref<16384x768xf32, #tpu.memory_space<hbm>> -> memref<32x768xf32, #tpu.memory_space<hbm>>
    %dma_start3A_149 = arith.constant 0 : i32
    %dma_start3A_150 = tpu.memref_slice %arg7[%add3A_146, %dma_start3A_149] : memref<16384x768xf32, #tpu.memory_space<hbm>> -> memref<32x768xf32, #tpu.memory_space<hbm>>
    tpu.enqueue_dma source(%arg12 : memref<32x768xf32, #tpu.memory_space<vmem>>) target(%dma_start3A_150 : memref<32x768xf32, #tpu.memory_space<hbm>>) target_semaphore(%arg20 : memref<!tpu.dma_semaphore, #tpu.memory_space<semaphore_mem>>)
    %dma_wait3A_151 = arith.constant 0 : i32
    %dma_wait3A_152 = tpu.memref_slice %arg6[%add3A_122, %dma_wait3A_151] : memref<16384x768xf32, #tpu.memory_space<hbm>> -> memref<32x768xf32, #tpu.memory_space<hbm>>
    %dma_wait3A_153 = arith.constant 0 : i32
    %dma_wait3A_154 = tpu.memref_slice %arg6[%add3A_122, %dma_wait3A_153] : memref<16384x768xf32, #tpu.memory_space<hbm>> -> memref<32x768xf32, #tpu.memory_space<hbm>>
    tpu.wait_dma2 semaphore(%arg18 : memref<!tpu.dma_semaphore, #tpu.memory_space<semaphore_mem>>) src(%arg10 : memref<32x768xf32, #tpu.memory_space<vmem>>) dst(%dma_wait3A_154 : memref<32x768xf32, #tpu.memory_space<hbm>>)
    %dma_start3A_155 = arith.constant 4 : i32
    %dma_start3A_156 = arith.constant 0 : i32
    %dma_start3A_157 = tpu.memref_slice %arg8[%dma_start3A_155, %dma_start3A_156] : memref<16x32xi32, #tpu.memory_space<vmem>> -> memref<1x32xi32, #tpu.memory_space<vmem>>
    %dma_start3A_158 = tpu.memref_squeeze %dma_start3A_157 : memref<1x32xi32, #tpu.memory_space<vmem>> -> memref<32xi32, #tpu.memory_space<vmem>>
    %dma_start3A_159 = arith.constant 0 : i32
    %dma_start3A_160 = arith.constant 0 : i32
    %dma_start3A_161 = tpu.memref_slice %arg2[%dma_start3A_159, %dma_start3A_160] : memref<36864x768xf32, #tpu.memory_space<hbm>> -> memref<36864x768xf32, #tpu.memory_space<hbm>>
    tpu.enqueue_indirect_dma source(%dma_start3A_161 : memref<36864x768xf32, #tpu.memory_space<hbm>>) target(%arg10 : memref<32x768xf32, #tpu.memory_space<vmem>>) offsets(%dma_start3A_158 : memref<32xi32, #tpu.memory_space<vmem>>) semaphore(%arg14 : memref<!tpu.dma_semaphore, #tpu.memory_space<semaphore_mem>>)
    %dma_wait3A_162 = arith.constant 3 : i32
    %dma_wait3A_163 = arith.constant 0 : i32
    %dma_wait3A_164 = tpu.memref_slice %arg8[%dma_wait3A_162, %dma_wait3A_163] : memref<16x32xi32, #tpu.memory_space<vmem>> -> memref<1x32xi32, #tpu.memory_space<vmem>>
    %dma_wait3A_165 = tpu.memref_squeeze %dma_wait3A_164 : memref<1x32xi32, #tpu.memory_space<vmem>> -> memref<32xi32, #tpu.memory_space<vmem>>
    %dma_wait3A_166 = arith.constant 0 : i32
    %dma_wait3A_167 = arith.constant 0 : i32
    %dma_wait3A_168 = tpu.memref_slice %arg2[%dma_wait3A_166, %dma_wait3A_167] : memref<36864x768xf32, #tpu.memory_space<hbm>> -> memref<36864x768xf32, #tpu.memory_space<hbm>>
    tpu.wait_indirect_dma semaphore(%arg15 : memref<!tpu.dma_semaphore, #tpu.memory_space<semaphore_mem>>) src(%dma_wait3A_168 : memref<36864x768xf32, #tpu.memory_space<hbm>>) dst(%arg11 : memref<32x768xf32, #tpu.memory_space<vmem>>)
    %add3A_169 = arith.constant 96 : i32
    %add3A_170 = arith.addi %mul3A_2, %add3A_169 : i32
    %dma_start3A_171 = arith.constant 0 : i32
    %dma_start3A_172 = tpu.memref_slice %arg6[%add3A_170, %dma_start3A_171] : memref<16384x768xf32, #tpu.memory_space<hbm>> -> memref<32x768xf32, #tpu.memory_space<hbm>>
    %dma_start3A_173 = arith.constant 0 : i32
    %dma_start3A_174 = tpu.memref_slice %arg6[%add3A_170, %dma_start3A_173] : memref<16384x768xf32, #tpu.memory_space<hbm>> -> memref<32x768xf32, #tpu.memory_space<hbm>>
    tpu.enqueue_dma source(%arg11 : memref<32x768xf32, #tpu.memory_space<vmem>>) target(%dma_start3A_174 : memref<32x768xf32, #tpu.memory_space<hbm>>) target_semaphore(%arg19 : memref<!tpu.dma_semaphore, #tpu.memory_space<semaphore_mem>>)
    %dma_wait3A_175 = arith.constant 0 : i32
    %dma_wait3A_176 = tpu.memref_slice %arg7[%add3A_146, %dma_wait3A_175] : memref<16384x768xf32, #tpu.memory_space<hbm>> -> memref<32x768xf32, #tpu.memory_space<hbm>>
    %dma_wait3A_177 = arith.constant 0 : i32
    %dma_wait3A_178 = tpu.memref_slice %arg7[%add3A_146, %dma_wait3A_177] : memref<16384x768xf32, #tpu.memory_space<hbm>> -> memref<32x768xf32, #tpu.memory_space<hbm>>
    tpu.wait_dma2 semaphore(%arg20 : memref<!tpu.dma_semaphore, #tpu.memory_space<semaphore_mem>>) src(%arg12 : memref<32x768xf32, #tpu.memory_space<vmem>>) dst(%dma_wait3A_178 : memref<32x768xf32, #tpu.memory_space<hbm>>)
    %dma_start3A_179 = arith.constant 4 : i32
    %dma_start3A_180 = arith.constant 0 : i32
    %dma_start3A_181 = tpu.memref_slice %arg9[%dma_start3A_179, %dma_start3A_180] : memref<16x32xi32, #tpu.memory_space<vmem>> -> memref<1x32xi32, #tpu.memory_space<vmem>>
    %dma_start3A_182 = tpu.memref_squeeze %dma_start3A_181 : memref<1x32xi32, #tpu.memory_space<vmem>> -> memref<32xi32, #tpu.memory_space<vmem>>
    %dma_start3A_183 = arith.constant 0 : i32
    %dma_start3A_184 = arith.constant 0 : i32
    %dma_start3A_185 = tpu.memref_slice %arg3[%dma_start3A_183, %dma_start3A_184] : memref<32768x768xf32, #tpu.memory_space<hbm>> -> memref<32768x768xf32, #tpu.memory_space<hbm>>
    tpu.enqueue_indirect_dma source(%dma_start3A_185 : memref<32768x768xf32, #tpu.memory_space<hbm>>) target(%arg12 : memref<32x768xf32, #tpu.memory_space<vmem>>) offsets(%dma_start3A_182 : memref<32xi32, #tpu.memory_space<vmem>>) semaphore(%arg16 : memref<!tpu.dma_semaphore, #tpu.memory_space<semaphore_mem>>)
    %dma_wait3A_186 = arith.constant 3 : i32
    %dma_wait3A_187 = arith.constant 0 : i32
    %dma_wait3A_188 = tpu.memref_slice %arg9[%dma_wait3A_186, %dma_wait3A_187] : memref<16x32xi32, #tpu.memory_space<vmem>> -> memref<1x32xi32, #tpu.memory_space<vmem>>
    %dma_wait3A_189 = tpu.memref_squeeze %dma_wait3A_188 : memref<1x32xi32, #tpu.memory_space<vmem>> -> memref<32xi32, #tpu.memory_space<vmem>>
    %dma_wait3A_190 = arith.constant 0 : i32
    %dma_wait3A_191 = arith.constant 0 : i32
    %dma_wait3A_192 = tpu.memref_slice %arg3[%dma_wait3A_190, %dma_wait3A_191] : memref<32768x768xf32, #tpu.memory_space<hbm>> -> memref<32768x768xf32, #tpu.memory_space<hbm>>
    tpu.wait_indirect_dma semaphore(%arg17 : memref<!tpu.dma_semaphore, #tpu.memory_space<semaphore_mem>>) src(%dma_wait3A_192 : memref<32768x768xf32, #tpu.memory_space<hbm>>) dst(%arg13 : memref<32x768xf32, #tpu.memory_space<vmem>>)
    %add3A_193 = arith.constant 96 : i32
    %add3A_194 = arith.addi %mul3A_2, %add3A_193 : i32
    %dma_start3A_195 = arith.constant 0 : i32
    %dma_start3A_196 = tpu.memref_slice %arg7[%add3A_194, %dma_start3A_195] : memref<16384x768xf32, #tpu.memory_space<hbm>> -> memref<32x768xf32, #tpu.memory_space<hbm>>
    %dma_start3A_197 = arith.constant 0 : i32
    %dma_start3A_198 = tpu.memref_slice %arg7[%add3A_194, %dma_start3A_197] : memref<16384x768xf32, #tpu.memory_space<hbm>> -> memref<32x768xf32, #tpu.memory_space<hbm>>
    tpu.enqueue_dma source(%arg13 : memref<32x768xf32, #tpu.memory_space<vmem>>) target(%dma_start3A_198 : memref<32x768xf32, #tpu.memory_space<hbm>>) target_semaphore(%arg21 : memref<!tpu.dma_semaphore, #tpu.memory_space<semaphore_mem>>)
    %dma_wait3A_199 = arith.constant 0 : i32
    %dma_wait3A_200 = tpu.memref_slice %arg6[%add3A_170, %dma_wait3A_199] : memref<16384x768xf32, #tpu.memory_space<hbm>> -> memref<32x768xf32, #tpu.memory_space<hbm>>
    %dma_wait3A_201 = arith.constant 0 : i32
    %dma_wait3A_202 = tpu.memref_slice %arg6[%add3A_170, %dma_wait3A_201] : memref<16384x768xf32, #tpu.memory_space<hbm>> -> memref<32x768xf32, #tpu.memory_space<hbm>>
    tpu.wait_dma2 semaphore(%arg19 : memref<!tpu.dma_semaphore, #tpu.memory_space<semaphore_mem>>) src(%arg11 : memref<32x768xf32, #tpu.memory_space<vmem>>) dst(%dma_wait3A_202 : memref<32x768xf32, #tpu.memory_space<hbm>>)
    %dma_start3A_203 = arith.constant 5 : i32
    %dma_start3A_204 = arith.constant 0 : i32
    %dma_start3A_205 = tpu.memref_slice %arg8[%dma_start3A_203, %dma_start3A_204] : memref<16x32xi32, #tpu.memory_space<vmem>> -> memref<1x32xi32, #tpu.memory_space<vmem>>
    %dma_start3A_206 = tpu.memref_squeeze %dma_start3A_205 : memref<1x32xi32, #tpu.memory_space<vmem>> -> memref<32xi32, #tpu.memory_space<vmem>>
    %dma_start3A_207 = arith.constant 0 : i32
    %dma_start3A_208 = arith.constant 0 : i32
    %dma_start3A_209 = tpu.memref_slice %arg2[%dma_start3A_207, %dma_start3A_208] : memref<36864x768xf32, #tpu.memory_space<hbm>> -> memref<36864x768xf32, #tpu.memory_space<hbm>>
    tpu.enqueue_indirect_dma source(%dma_start3A_209 : memref<36864x768xf32, #tpu.memory_space<hbm>>) target(%arg11 : memref<32x768xf32, #tpu.memory_space<vmem>>) offsets(%dma_start3A_206 : memref<32xi32, #tpu.memory_space<vmem>>) semaphore(%arg15 : memref<!tpu.dma_semaphore, #tpu.memory_space<semaphore_mem>>)
    %dma_wait3A_210 = arith.constant 4 : i32
    %dma_wait3A_211 = arith.constant 0 : i32
    %dma_wait3A_212 = tpu.memref_slice %arg8[%dma_wait3A_210, %dma_wait3A_211] : memref<16x32xi32, #tpu.memory_space<vmem>> -> memref<1x32xi32, #tpu.memory_space<vmem>>
    %dma_wait3A_213 = tpu.memref_squeeze %dma_wait3A_212 : memref<1x32xi32, #tpu.memory_space<vmem>> -> memref<32xi32, #tpu.memory_space<vmem>>
    %dma_wait3A_214 = arith.constant 0 : i32
    %dma_wait3A_215 = arith.constant 0 : i32
    %dma_wait3A_216 = tpu.memref_slice %arg2[%dma_wait3A_214, %dma_wait3A_215] : memref<36864x768xf32, #tpu.memory_space<hbm>> -> memref<36864x768xf32, #tpu.memory_space<hbm>>
    tpu.wait_indirect_dma semaphore(%arg14 : memref<!tpu.dma_semaphore, #tpu.memory_space<semaphore_mem>>) src(%dma_wait3A_216 : memref<36864x768xf32, #tpu.memory_space<hbm>>) dst(%arg10 : memref<32x768xf32, #tpu.memory_space<vmem>>)
    %add3A_217 = arith.constant 128 : i32
    %add3A_218 = arith.addi %mul3A_2, %add3A_217 : i32
    %dma_start3A_219 = arith.constant 0 : i32
    %dma_start3A_220 = tpu.memref_slice %arg6[%add3A_218, %dma_start3A_219] : memref<16384x768xf32, #tpu.memory_space<hbm>> -> memref<32x768xf32, #tpu.memory_space<hbm>>
    %dma_start3A_221 = arith.constant 0 : i32
    %dma_start3A_222 = tpu.memref_slice %arg6[%add3A_218, %dma_start3A_221] : memref<16384x768xf32, #tpu.memory_space<hbm>> -> memref<32x768xf32, #tpu.memory_space<hbm>>
    tpu.enqueue_dma source(%arg10 : memref<32x768xf32, #tpu.memory_space<vmem>>) target(%dma_start3A_222 : memref<32x768xf32, #tpu.memory_space<hbm>>) target_semaphore(%arg18 : memref<!tpu.dma_semaphore, #tpu.memory_space<semaphore_mem>>)
    %dma_wait3A_223 = arith.constant 0 : i32
    %dma_wait3A_224 = tpu.memref_slice %arg7[%add3A_194, %dma_wait3A_223] : memref<16384x768xf32, #tpu.memory_space<hbm>> -> memref<32x768xf32, #tpu.memory_space<hbm>>
    %dma_wait3A_225 = arith.constant 0 : i32
    %dma_wait3A_226 = tpu.memref_slice %arg7[%add3A_194, %dma_wait3A_225] : memref<16384x768xf32, #tpu.memory_space<hbm>> -> memref<32x768xf32, #tpu.memory_space<hbm>>
    tpu.wait_dma2 semaphore(%arg21 : memref<!tpu.dma_semaphore, #tpu.memory_space<semaphore_mem>>) src(%arg13 : memref<32x768xf32, #tpu.memory_space<vmem>>) dst(%dma_wait3A_226 : memref<32x768xf32, #tpu.memory_space<hbm>>)
    %dma_start3A_227 = arith.constant 5 : i32
    %dma_start3A_228 = arith.constant 0 : i32
    %dma_start3A_229 = tpu.memref_slice %arg9[%dma_start3A_227, %dma_start3A_228] : memref<16x32xi32, #tpu.memory_space<vmem>> -> memref<1x32xi32, #tpu.memory_space<vmem>>
    %dma_start3A_230 = tpu.memref_squeeze %dma_start3A_229 : memref<1x32xi32, #tpu.memory_space<vmem>> -> memref<32xi32, #tpu.memory_space<vmem>>
    %dma_start3A_231 = arith.constant 0 : i32
    %dma_start3A_232 = arith.constant 0 : i32
    %dma_start3A_233 = tpu.memref_slice %arg3[%dma_start3A_231, %dma_start3A_232] : memref<32768x768xf32, #tpu.memory_space<hbm>> -> memref<32768x768xf32, #tpu.memory_space<hbm>>
    tpu.enqueue_indirect_dma source(%dma_start3A_233 : memref<32768x768xf32, #tpu.memory_space<hbm>>) target(%arg13 : memref<32x768xf32, #tpu.memory_space<vmem>>) offsets(%dma_start3A_230 : memref<32xi32, #tpu.memory_space<vmem>>) semaphore(%arg17 : memref<!tpu.dma_semaphore, #tpu.memory_space<semaphore_mem>>)
    %dma_wait3A_234 = arith.constant 4 : i32
    %dma_wait3A_235 = arith.constant 0 : i32
    %dma_wait3A_236 = tpu.memref_slice %arg9[%dma_wait3A_234, %dma_wait3A_235] : memref<16x32xi32, #tpu.memory_space<vmem>> -> memref<1x32xi32, #tpu.memory_space<vmem>>
    %dma_wait3A_237 = tpu.memref_squeeze %dma_wait3A_236 : memref<1x32xi32, #tpu.memory_space<vmem>> -> memref<32xi32, #tpu.memory_space<vmem>>
    %dma_wait3A_238 = arith.constant 0 : i32
    %dma_wait3A_239 = arith.constant 0 : i32
    %dma_wait3A_240 = tpu.memref_slice %arg3[%dma_wait3A_238, %dma_wait3A_239] : memref<32768x768xf32, #tpu.memory_space<hbm>> -> memref<32768x768xf32, #tpu.memory_space<hbm>>
    tpu.wait_indirect_dma semaphore(%arg16 : memref<!tpu.dma_semaphore, #tpu.memory_space<semaphore_mem>>) src(%dma_wait3A_240 : memref<32768x768xf32, #tpu.memory_space<hbm>>) dst(%arg12 : memref<32x768xf32, #tpu.memory_space<vmem>>)
    %add3A_241 = arith.constant 128 : i32
    %add3A_242 = arith.addi %mul3A_2, %add3A_241 : i32
    %dma_start3A_243 = arith.constant 0 : i32
    %dma_start3A_244 = tpu.memref_slice %arg7[%add3A_242, %dma_start3A_243] : memref<16384x768xf32, #tpu.memory_space<hbm>> -> memref<32x768xf32, #tpu.memory_space<hbm>>
    %dma_start3A_245 = arith.constant 0 : i32
    %dma_start3A_246 = tpu.memref_slice %arg7[%add3A_242, %dma_start3A_245] : memref<16384x768xf32, #tpu.memory_space<hbm>> -> memref<32x768xf32, #tpu.memory_space<hbm>>
    tpu.enqueue_dma source(%arg12 : memref<32x768xf32, #tpu.memory_space<vmem>>) target(%dma_start3A_246 : memref<32x768xf32, #tpu.memory_space<hbm>>) target_semaphore(%arg20 : memref<!tpu.dma_semaphore, #tpu.memory_space<semaphore_mem>>)
    %dma_wait3A_247 = arith.constant 0 : i32
    %dma_wait3A_248 = tpu.memref_slice %arg6[%add3A_218, %dma_wait3A_247] : memref<16384x768xf32, #tpu.memory_space<hbm>> -> memref<32x768xf32, #tpu.memory_space<hbm>>
    %dma_wait3A_249 = arith.constant 0 : i32
    %dma_wait3A_250 = tpu.memref_slice %arg6[%add3A_218, %dma_wait3A_249] : memref<16384x768xf32, #tpu.memory_space<hbm>> -> memref<32x768xf32, #tpu.memory_space<hbm>>
    tpu.wait_dma2 semaphore(%arg18 : memref<!tpu.dma_semaphore, #tpu.memory_space<semaphore_mem>>) src(%arg10 : memref<32x768xf32, #tpu.memory_space<vmem>>) dst(%dma_wait3A_250 : memref<32x768xf32, #tpu.memory_space<hbm>>)
    %dma_start3A_251 = arith.constant 6 : i32
    %dma_start3A_252 = arith.constant 0 : i32
    %dma_start3A_253 = tpu.memref_slice %arg8[%dma_start3A_251, %dma_start3A_252] : memref<16x32xi32, #tpu.memory_space<vmem>> -> memref<1x32xi32, #tpu.memory_space<vmem>>
    %dma_start3A_254 = tpu.memref_squeeze %dma_start3A_253 : memref<1x32xi32, #tpu.memory_space<vmem>> -> memref<32xi32, #tpu.memory_space<vmem>>
    %dma_start3A_255 = arith.constant 0 : i32
    %dma_start3A_256 = arith.constant 0 : i32
    %dma_start3A_257 = tpu.memref_slice %arg2[%dma_start3A_255, %dma_start3A_256] : memref<36864x768xf32, #tpu.memory_space<hbm>> -> memref<36864x768xf32, #tpu.memory_space<hbm>>
    tpu.enqueue_indirect_dma source(%dma_start3A_257 : memref<36864x768xf32, #tpu.memory_space<hbm>>) target(%arg10 : memref<32x768xf32, #tpu.memory_space<vmem>>) offsets(%dma_start3A_254 : memref<32xi32, #tpu.memory_space<vmem>>) semaphore(%arg14 : memref<!tpu.dma_semaphore, #tpu.memory_space<semaphore_mem>>)
    %dma_wait3A_258 = arith.constant 5 : i32
    %dma_wait3A_259 = arith.constant 0 : i32
    %dma_wait3A_260 = tpu.memref_slice %arg8[%dma_wait3A_258, %dma_wait3A_259] : memref<16x32xi32, #tpu.memory_space<vmem>> -> memref<1x32xi32, #tpu.memory_space<vmem>>
    %dma_wait3A_261 = tpu.memref_squeeze %dma_wait3A_260 : memref<1x32xi32, #tpu.memory_space<vmem>> -> memref<32xi32, #tpu.memory_space<vmem>>
    %dma_wait3A_262 = arith.constant 0 : i32
    %dma_wait3A_263 = arith.constant 0 : i32
    %dma_wait3A_264 = tpu.memref_slice %arg2[%dma_wait3A_262, %dma_wait3A_263] : memref<36864x768xf32, #tpu.memory_space<hbm>> -> memref<36864x768xf32, #tpu.memory_space<hbm>>
    tpu.wait_indirect_dma semaphore(%arg15 : memref<!tpu.dma_semaphore, #tpu.memory_space<semaphore_mem>>) src(%dma_wait3A_264 : memref<36864x768xf32, #tpu.memory_space<hbm>>) dst(%arg11 : memref<32x768xf32, #tpu.memory_space<vmem>>)
    %add3A_265 = arith.constant 160 : i32
    %add3A_266 = arith.addi %mul3A_2, %add3A_265 : i32
    %dma_start3A_267 = arith.constant 0 : i32
    %dma_start3A_268 = tpu.memref_slice %arg6[%add3A_266, %dma_start3A_267] : memref<16384x768xf32, #tpu.memory_space<hbm>> -> memref<32x768xf32, #tpu.memory_space<hbm>>
    %dma_start3A_269 = arith.constant 0 : i32
    %dma_start3A_270 = tpu.memref_slice %arg6[%add3A_266, %dma_start3A_269] : memref<16384x768xf32, #tpu.memory_space<hbm>> -> memref<32x768xf32, #tpu.memory_space<hbm>>
    tpu.enqueue_dma source(%arg11 : memref<32x768xf32, #tpu.memory_space<vmem>>) target(%dma_start3A_270 : memref<32x768xf32, #tpu.memory_space<hbm>>) target_semaphore(%arg19 : memref<!tpu.dma_semaphore, #tpu.memory_space<semaphore_mem>>)
    %dma_wait3A_271 = arith.constant 0 : i32
    %dma_wait3A_272 = tpu.memref_slice %arg7[%add3A_242, %dma_wait3A_271] : memref<16384x768xf32, #tpu.memory_space<hbm>> -> memref<32x768xf32, #tpu.memory_space<hbm>>
    %dma_wait3A_273 = arith.constant 0 : i32
    %dma_wait3A_274 = tpu.memref_slice %arg7[%add3A_242, %dma_wait3A_273] : memref<16384x768xf32, #tpu.memory_space<hbm>> -> memref<32x768xf32, #tpu.memory_space<hbm>>
    tpu.wait_dma2 semaphore(%arg20 : memref<!tpu.dma_semaphore, #tpu.memory_space<semaphore_mem>>) src(%arg12 : memref<32x768xf32, #tpu.memory_space<vmem>>) dst(%dma_wait3A_274 : memref<32x768xf32, #tpu.memory_space<hbm>>)
    %dma_start3A_275 = arith.constant 6 : i32
    %dma_start3A_276 = arith.constant 0 : i32
    %dma_start3A_277 = tpu.memref_slice %arg9[%dma_start3A_275, %dma_start3A_276] : memref<16x32xi32, #tpu.memory_space<vmem>> -> memref<1x32xi32, #tpu.memory_space<vmem>>
    %dma_start3A_278 = tpu.memref_squeeze %dma_start3A_277 : memref<1x32xi32, #tpu.memory_space<vmem>> -> memref<32xi32, #tpu.memory_space<vmem>>
    %dma_start3A_279 = arith.constant 0 : i32
    %dma_start3A_280 = arith.constant 0 : i32
    %dma_start3A_281 = tpu.memref_slice %arg3[%dma_start3A_279, %dma_start3A_280] : memref<32768x768xf32, #tpu.memory_space<hbm>> -> memref<32768x768xf32, #tpu.memory_space<hbm>>
    tpu.enqueue_indirect_dma source(%dma_start3A_281 : memref<32768x768xf32, #tpu.memory_space<hbm>>) target(%arg12 : memref<32x768xf32, #tpu.memory_space<vmem>>) offsets(%dma_start3A_278 : memref<32xi32, #tpu.memory_space<vmem>>) semaphore(%arg16 : memref<!tpu.dma_semaphore, #tpu.memory_space<semaphore_mem>>)
    %dma_wait3A_282 = arith.constant 5 : i32
    %dma_wait3A_283 = arith.constant 0 : i32
    %dma_wait3A_284 = tpu.memref_slice %arg9[%dma_wait3A_282, %dma_wait3A_283] : memref<16x32xi32, #tpu.memory_space<vmem>> -> memref<1x32xi32, #tpu.memory_space<vmem>>
    %dma_wait3A_285 = tpu.memref_squeeze %dma_wait3A_284 : memref<1x32xi32, #tpu.memory_space<vmem>> -> memref<32xi32, #tpu.memory_space<vmem>>
    %dma_wait3A_286 = arith.constant 0 : i32
    %dma_wait3A_287 = arith.constant 0 : i32
    %dma_wait3A_288 = tpu.memref_slice %arg3[%dma_wait3A_286, %dma_wait3A_287] : memref<32768x768xf32, #tpu.memory_space<hbm>> -> memref<32768x768xf32, #tpu.memory_space<hbm>>
    tpu.wait_indirect_dma semaphore(%arg17 : memref<!tpu.dma_semaphore, #tpu.memory_space<semaphore_mem>>) src(%dma_wait3A_288 : memref<32768x768xf32, #tpu.memory_space<hbm>>) dst(%arg13 : memref<32x768xf32, #tpu.memory_space<vmem>>)
    %add3A_289 = arith.constant 160 : i32
    %add3A_290 = arith.addi %mul3A_2, %add3A_289 : i32
    %dma_start3A_291 = arith.constant 0 : i32
    %dma_start3A_292 = tpu.memref_slice %arg7[%add3A_290, %dma_start3A_291] : memref<16384x768xf32, #tpu.memory_space<hbm>> -> memref<32x768xf32, #tpu.memory_space<hbm>>
    %dma_start3A_293 = arith.constant 0 : i32
    %dma_start3A_294 = tpu.memref_slice %arg7[%add3A_290, %dma_start3A_293] : memref<16384x768xf32, #tpu.memory_space<hbm>> -> memref<32x768xf32, #tpu.memory_space<hbm>>
    tpu.enqueue_dma source(%arg13 : memref<32x768xf32, #tpu.memory_space<vmem>>) target(%dma_start3A_294 : memref<32x768xf32, #tpu.memory_space<hbm>>) target_semaphore(%arg21 : memref<!tpu.dma_semaphore, #tpu.memory_space<semaphore_mem>>)
    %dma_wait3A_295 = arith.constant 0 : i32
    %dma_wait3A_296 = tpu.memref_slice %arg6[%add3A_266, %dma_wait3A_295] : memref<16384x768xf32, #tpu.memory_space<hbm>> -> memref<32x768xf32, #tpu.memory_space<hbm>>
    %dma_wait3A_297 = arith.constant 0 : i32
    %dma_wait3A_298 = tpu.memref_slice %arg6[%add3A_266, %dma_wait3A_297] : memref<16384x768xf32, #tpu.memory_space<hbm>> -> memref<32x768xf32, #tpu.memory_space<hbm>>
    tpu.wait_dma2 semaphore(%arg19 : memref<!tpu.dma_semaphore, #tpu.memory_space<semaphore_mem>>) src(%arg11 : memref<32x768xf32, #tpu.memory_space<vmem>>) dst(%dma_wait3A_298 : memref<32x768xf32, #tpu.memory_space<hbm>>)
    %dma_start3A_299 = arith.constant 7 : i32
    %dma_start3A_300 = arith.constant 0 : i32
    %dma_start3A_301 = tpu.memref_slice %arg8[%dma_start3A_299, %dma_start3A_300] : memref<16x32xi32, #tpu.memory_space<vmem>> -> memref<1x32xi32, #tpu.memory_space<vmem>>
    %dma_start3A_302 = tpu.memref_squeeze %dma_start3A_301 : memref<1x32xi32, #tpu.memory_space<vmem>> -> memref<32xi32, #tpu.memory_space<vmem>>
    %dma_start3A_303 = arith.constant 0 : i32
    %dma_start3A_304 = arith.constant 0 : i32
    %dma_start3A_305 = tpu.memref_slice %arg2[%dma_start3A_303, %dma_start3A_304] : memref<36864x768xf32, #tpu.memory_space<hbm>> -> memref<36864x768xf32, #tpu.memory_space<hbm>>
    tpu.enqueue_indirect_dma source(%dma_start3A_305 : memref<36864x768xf32, #tpu.memory_space<hbm>>) target(%arg11 : memref<32x768xf32, #tpu.memory_space<vmem>>) offsets(%dma_start3A_302 : memref<32xi32, #tpu.memory_space<vmem>>) semaphore(%arg15 : memref<!tpu.dma_semaphore, #tpu.memory_space<semaphore_mem>>)
    %dma_wait3A_306 = arith.constant 6 : i32
    %dma_wait3A_307 = arith.constant 0 : i32
    %dma_wait3A_308 = tpu.memref_slice %arg8[%dma_wait3A_306, %dma_wait3A_307] : memref<16x32xi32, #tpu.memory_space<vmem>> -> memref<1x32xi32, #tpu.memory_space<vmem>>
    %dma_wait3A_309 = tpu.memref_squeeze %dma_wait3A_308 : memref<1x32xi32, #tpu.memory_space<vmem>> -> memref<32xi32, #tpu.memory_space<vmem>>
    %dma_wait3A_310 = arith.constant 0 : i32
    %dma_wait3A_311 = arith.constant 0 : i32
    %dma_wait3A_312 = tpu.memref_slice %arg2[%dma_wait3A_310, %dma_wait3A_311] : memref<36864x768xf32, #tpu.memory_space<hbm>> -> memref<36864x768xf32, #tpu.memory_space<hbm>>
    tpu.wait_indirect_dma semaphore(%arg14 : memref<!tpu.dma_semaphore, #tpu.memory_space<semaphore_mem>>) src(%dma_wait3A_312 : memref<36864x768xf32, #tpu.memory_space<hbm>>) dst(%arg10 : memref<32x768xf32, #tpu.memory_space<vmem>>)
    %add3A_313 = arith.constant 192 : i32
    %add3A_314 = arith.addi %mul3A_2, %add3A_313 : i32
    %dma_start3A_315 = arith.constant 0 : i32
    %dma_start3A_316 = tpu.memref_slice %arg6[%add3A_314, %dma_start3A_315] : memref<16384x768xf32, #tpu.memory_space<hbm>> -> memref<32x768xf32, #tpu.memory_space<hbm>>
    %dma_start3A_317 = arith.constant 0 : i32
    %dma_start3A_318 = tpu.memref_slice %arg6[%add3A_314, %dma_start3A_317] : memref<16384x768xf32, #tpu.memory_space<hbm>> -> memref<32x768xf32, #tpu.memory_space<hbm>>
    tpu.enqueue_dma source(%arg10 : memref<32x768xf32, #tpu.memory_space<vmem>>) target(%dma_start3A_318 : memref<32x768xf32, #tpu.memory_space<hbm>>) target_semaphore(%arg18 : memref<!tpu.dma_semaphore, #tpu.memory_space<semaphore_mem>>)
    %dma_wait3A_319 = arith.constant 0 : i32
    %dma_wait3A_320 = tpu.memref_slice %arg7[%add3A_290, %dma_wait3A_319] : memref<16384x768xf32, #tpu.memory_space<hbm>> -> memref<32x768xf32, #tpu.memory_space<hbm>>
    %dma_wait3A_321 = arith.constant 0 : i32
    %dma_wait3A_322 = tpu.memref_slice %arg7[%add3A_290, %dma_wait3A_321] : memref<16384x768xf32, #tpu.memory_space<hbm>> -> memref<32x768xf32, #tpu.memory_space<hbm>>
    tpu.wait_dma2 semaphore(%arg21 : memref<!tpu.dma_semaphore, #tpu.memory_space<semaphore_mem>>) src(%arg13 : memref<32x768xf32, #tpu.memory_space<vmem>>) dst(%dma_wait3A_322 : memref<32x768xf32, #tpu.memory_space<hbm>>)
    %dma_start3A_323 = arith.constant 7 : i32
    %dma_start3A_324 = arith.constant 0 : i32
    %dma_start3A_325 = tpu.memref_slice %arg9[%dma_start3A_323, %dma_start3A_324] : memref<16x32xi32, #tpu.memory_space<vmem>> -> memref<1x32xi32, #tpu.memory_space<vmem>>
    %dma_start3A_326 = tpu.memref_squeeze %dma_start3A_325 : memref<1x32xi32, #tpu.memory_space<vmem>> -> memref<32xi32, #tpu.memory_space<vmem>>
    %dma_start3A_327 = arith.constant 0 : i32
    %dma_start3A_328 = arith.constant 0 : i32
    %dma_start3A_329 = tpu.memref_slice %arg3[%dma_start3A_327, %dma_start3A_328] : memref<32768x768xf32, #tpu.memory_space<hbm>> -> memref<32768x768xf32, #tpu.memory_space<hbm>>
    tpu.enqueue_indirect_dma source(%dma_start3A_329 : memref<32768x768xf32, #tpu.memory_space<hbm>>) target(%arg13 : memref<32x768xf32, #tpu.memory_space<vmem>>) offsets(%dma_start3A_326 : memref<32xi32, #tpu.memory_space<vmem>>) semaphore(%arg17 : memref<!tpu.dma_semaphore, #tpu.memory_space<semaphore_mem>>)
    %dma_wait3A_330 = arith.constant 6 : i32
    %dma_wait3A_331 = arith.constant 0 : i32
    %dma_wait3A_332 = tpu.memref_slice %arg9[%dma_wait3A_330, %dma_wait3A_331] : memref<16x32xi32, #tpu.memory_space<vmem>> -> memref<1x32xi32, #tpu.memory_space<vmem>>
    %dma_wait3A_333 = tpu.memref_squeeze %dma_wait3A_332 : memref<1x32xi32, #tpu.memory_space<vmem>> -> memref<32xi32, #tpu.memory_space<vmem>>
    %dma_wait3A_334 = arith.constant 0 : i32
    %dma_wait3A_335 = arith.constant 0 : i32
    %dma_wait3A_336 = tpu.memref_slice %arg3[%dma_wait3A_334, %dma_wait3A_335] : memref<32768x768xf32, #tpu.memory_space<hbm>> -> memref<32768x768xf32, #tpu.memory_space<hbm>>
    tpu.wait_indirect_dma semaphore(%arg16 : memref<!tpu.dma_semaphore, #tpu.memory_space<semaphore_mem>>) src(%dma_wait3A_336 : memref<32768x768xf32, #tpu.memory_space<hbm>>) dst(%arg12 : memref<32x768xf32, #tpu.memory_space<vmem>>)
    %add3A_337 = arith.constant 192 : i32
    %add3A_338 = arith.addi %mul3A_2, %add3A_337 : i32
    %dma_start3A_339 = arith.constant 0 : i32
    %dma_start3A_340 = tpu.memref_slice %arg7[%add3A_338, %dma_start3A_339] : memref<16384x768xf32, #tpu.memory_space<hbm>> -> memref<32x768xf32, #tpu.memory_space<hbm>>
    %dma_start3A_341 = arith.constant 0 : i32
    %dma_start3A_342 = tpu.memref_slice %arg7[%add3A_338, %dma_start3A_341] : memref<16384x768xf32, #tpu.memory_space<hbm>> -> memref<32x768xf32, #tpu.memory_space<hbm>>
    tpu.enqueue_dma source(%arg12 : memref<32x768xf32, #tpu.memory_space<vmem>>) target(%dma_start3A_342 : memref<32x768xf32, #tpu.memory_space<hbm>>) target_semaphore(%arg20 : memref<!tpu.dma_semaphore, #tpu.memory_space<semaphore_mem>>)
    %dma_wait3A_343 = arith.constant 0 : i32
    %dma_wait3A_344 = tpu.memref_slice %arg6[%add3A_314, %dma_wait3A_343] : memref<16384x768xf32, #tpu.memory_space<hbm>> -> memref<32x768xf32, #tpu.memory_space<hbm>>
    %dma_wait3A_345 = arith.constant 0 : i32
    %dma_wait3A_346 = tpu.memref_slice %arg6[%add3A_314, %dma_wait3A_345] : memref<16384x768xf32, #tpu.memory_space<hbm>> -> memref<32x768xf32, #tpu.memory_space<hbm>>
    tpu.wait_dma2 semaphore(%arg18 : memref<!tpu.dma_semaphore, #tpu.memory_space<semaphore_mem>>) src(%arg10 : memref<32x768xf32, #tpu.memory_space<vmem>>) dst(%dma_wait3A_346 : memref<32x768xf32, #tpu.memory_space<hbm>>)
    %dma_start3A_347 = arith.constant 8 : i32
    %dma_start3A_348 = arith.constant 0 : i32
    %dma_start3A_349 = tpu.memref_slice %arg8[%dma_start3A_347, %dma_start3A_348] : memref<16x32xi32, #tpu.memory_space<vmem>> -> memref<1x32xi32, #tpu.memory_space<vmem>>
    %dma_start3A_350 = tpu.memref_squeeze %dma_start3A_349 : memref<1x32xi32, #tpu.memory_space<vmem>> -> memref<32xi32, #tpu.memory_space<vmem>>
    %dma_start3A_351 = arith.constant 0 : i32
    %dma_start3A_352 = arith.constant 0 : i32
    %dma_start3A_353 = tpu.memref_slice %arg2[%dma_start3A_351, %dma_start3A_352] : memref<36864x768xf32, #tpu.memory_space<hbm>> -> memref<36864x768xf32, #tpu.memory_space<hbm>>
    tpu.enqueue_indirect_dma source(%dma_start3A_353 : memref<36864x768xf32, #tpu.memory_space<hbm>>) target(%arg10 : memref<32x768xf32, #tpu.memory_space<vmem>>) offsets(%dma_start3A_350 : memref<32xi32, #tpu.memory_space<vmem>>) semaphore(%arg14 : memref<!tpu.dma_semaphore, #tpu.memory_space<semaphore_mem>>)
    %dma_wait3A_354 = arith.constant 7 : i32
    %dma_wait3A_355 = arith.constant 0 : i32
    %dma_wait3A_356 = tpu.memref_slice %arg8[%dma_wait3A_354, %dma_wait3A_355] : memref<16x32xi32, #tpu.memory_space<vmem>> -> memref<1x32xi32, #tpu.memory_space<vmem>>
    %dma_wait3A_357 = tpu.memref_squeeze %dma_wait3A_356 : memref<1x32xi32, #tpu.memory_space<vmem>> -> memref<32xi32, #tpu.memory_space<vmem>>
    %dma_wait3A_358 = arith.constant 0 : i32
    %dma_wait3A_359 = arith.constant 0 : i32
    %dma_wait3A_360 = tpu.memref_slice %arg2[%dma_wait3A_358, %dma_wait3A_359] : memref<36864x768xf32, #tpu.memory_space<hbm>> -> memref<36864x768xf32, #tpu.memory_space<hbm>>
    tpu.wait_indirect_dma semaphore(%arg15 : memref<!tpu.dma_semaphore, #tpu.memory_space<semaphore_mem>>) src(%dma_wait3A_360 : memref<36864x768xf32, #tpu.memory_space<hbm>>) dst(%arg11 : memref<32x768xf32, #tpu.memory_space<vmem>>)
    %add3A_361 = arith.constant 224 : i32
    %add3A_362 = arith.addi %mul3A_2, %add3A_361 : i32
    %dma_start3A_363 = arith.constant 0 : i32
    %dma_start3A_364 = tpu.memref_slice %arg6[%add3A_362, %dma_start3A_363] : memref<16384x768xf32, #tpu.memory_space<hbm>> -> memref<32x768xf32, #tpu.memory_space<hbm>>
    %dma_start3A_365 = arith.constant 0 : i32
    %dma_start3A_366 = tpu.memref_slice %arg6[%add3A_362, %dma_start3A_365] : memref<16384x768xf32, #tpu.memory_space<hbm>> -> memref<32x768xf32, #tpu.memory_space<hbm>>
    tpu.enqueue_dma source(%arg11 : memref<32x768xf32, #tpu.memory_space<vmem>>) target(%dma_start3A_366 : memref<32x768xf32, #tpu.memory_space<hbm>>) target_semaphore(%arg19 : memref<!tpu.dma_semaphore, #tpu.memory_space<semaphore_mem>>)
    %dma_wait3A_367 = arith.constant 0 : i32
    %dma_wait3A_368 = tpu.memref_slice %arg7[%add3A_338, %dma_wait3A_367] : memref<16384x768xf32, #tpu.memory_space<hbm>> -> memref<32x768xf32, #tpu.memory_space<hbm>>
    %dma_wait3A_369 = arith.constant 0 : i32
    %dma_wait3A_370 = tpu.memref_slice %arg7[%add3A_338, %dma_wait3A_369] : memref<16384x768xf32, #tpu.memory_space<hbm>> -> memref<32x768xf32, #tpu.memory_space<hbm>>
    tpu.wait_dma2 semaphore(%arg20 : memref<!tpu.dma_semaphore, #tpu.memory_space<semaphore_mem>>) src(%arg12 : memref<32x768xf32, #tpu.memory_space<vmem>>) dst(%dma_wait3A_370 : memref<32x768xf32, #tpu.memory_space<hbm>>)
    %dma_start3A_371 = arith.constant 8 : i32
    %dma_start3A_372 = arith.constant 0 : i32
    %dma_start3A_373 = tpu.memref_slice %arg9[%dma_start3A_371, %dma_start3A_372] : memref<16x32xi32, #tpu.memory_space<vmem>> -> memref<1x32xi32, #tpu.memory_space<vmem>>
    %dma_start3A_374 = tpu.memref_squeeze %dma_start3A_373 : memref<1x32xi32, #tpu.memory_space<vmem>> -> memref<32xi32, #tpu.memory_space<vmem>>
    %dma_start3A_375 = arith.constant 0 : i32
    %dma_start3A_376 = arith.constant 0 : i32
    %dma_start3A_377 = tpu.memref_slice %arg3[%dma_start3A_375, %dma_start3A_376] : memref<32768x768xf32, #tpu.memory_space<hbm>> -> memref<32768x768xf32, #tpu.memory_space<hbm>>
    tpu.enqueue_indirect_dma source(%dma_start3A_377 : memref<32768x768xf32, #tpu.memory_space<hbm>>) target(%arg12 : memref<32x768xf32, #tpu.memory_space<vmem>>) offsets(%dma_start3A_374 : memref<32xi32, #tpu.memory_space<vmem>>) semaphore(%arg16 : memref<!tpu.dma_semaphore, #tpu.memory_space<semaphore_mem>>)
    %dma_wait3A_378 = arith.constant 7 : i32
    %dma_wait3A_379 = arith.constant 0 : i32
    %dma_wait3A_380 = tpu.memref_slice %arg9[%dma_wait3A_378, %dma_wait3A_379] : memref<16x32xi32, #tpu.memory_space<vmem>> -> memref<1x32xi32, #tpu.memory_space<vmem>>
    %dma_wait3A_381 = tpu.memref_squeeze %dma_wait3A_380 : memref<1x32xi32, #tpu.memory_space<vmem>> -> memref<32xi32, #tpu.memory_space<vmem>>
    %dma_wait3A_382 = arith.constant 0 : i32
    %dma_wait3A_383 = arith.constant 0 : i32
    %dma_wait3A_384 = tpu.memref_slice %arg3[%dma_wait3A_382, %dma_wait3A_383] : memref<32768x768xf32, #tpu.memory_space<hbm>> -> memref<32768x768xf32, #tpu.memory_space<hbm>>
    tpu.wait_indirect_dma semaphore(%arg17 : memref<!tpu.dma_semaphore, #tpu.memory_space<semaphore_mem>>) src(%dma_wait3A_384 : memref<32768x768xf32, #tpu.memory_space<hbm>>) dst(%arg13 : memref<32x768xf32, #tpu.memory_space<vmem>>)
    %add3A_385 = arith.constant 224 : i32
    %add3A_386 = arith.addi %mul3A_2, %add3A_385 : i32
    %dma_start3A_387 = arith.constant 0 : i32
    %dma_start3A_388 = tpu.memref_slice %arg7[%add3A_386, %dma_start3A_387] : memref<16384x768xf32, #tpu.memory_space<hbm>> -> memref<32x768xf32, #tpu.memory_space<hbm>>
    %dma_start3A_389 = arith.constant 0 : i32
    %dma_start3A_390 = tpu.memref_slice %arg7[%add3A_386, %dma_start3A_389] : memref<16384x768xf32, #tpu.memory_space<hbm>> -> memref<32x768xf32, #tpu.memory_space<hbm>>
    tpu.enqueue_dma source(%arg13 : memref<32x768xf32, #tpu.memory_space<vmem>>) target(%dma_start3A_390 : memref<32x768xf32, #tpu.memory_space<hbm>>) target_semaphore(%arg21 : memref<!tpu.dma_semaphore, #tpu.memory_space<semaphore_mem>>)
    %dma_wait3A_391 = arith.constant 0 : i32
    %dma_wait3A_392 = tpu.memref_slice %arg6[%add3A_362, %dma_wait3A_391] : memref<16384x768xf32, #tpu.memory_space<hbm>> -> memref<32x768xf32, #tpu.memory_space<hbm>>
    %dma_wait3A_393 = arith.constant 0 : i32
    %dma_wait3A_394 = tpu.memref_slice %arg6[%add3A_362, %dma_wait3A_393] : memref<16384x768xf32, #tpu.memory_space<hbm>> -> memref<32x768xf32, #tpu.memory_space<hbm>>
    tpu.wait_dma2 semaphore(%arg19 : memref<!tpu.dma_semaphore, #tpu.memory_space<semaphore_mem>>) src(%arg11 : memref<32x768xf32, #tpu.memory_space<vmem>>) dst(%dma_wait3A_394 : memref<32x768xf32, #tpu.memory_space<hbm>>)
    %dma_start3A_395 = arith.constant 9 : i32
    %dma_start3A_396 = arith.constant 0 : i32
    %dma_start3A_397 = tpu.memref_slice %arg8[%dma_start3A_395, %dma_start3A_396] : memref<16x32xi32, #tpu.memory_space<vmem>> -> memref<1x32xi32, #tpu.memory_space<vmem>>
    %dma_start3A_398 = tpu.memref_squeeze %dma_start3A_397 : memref<1x32xi32, #tpu.memory_space<vmem>> -> memref<32xi32, #tpu.memory_space<vmem>>
    %dma_start3A_399 = arith.constant 0 : i32
    %dma_start3A_400 = arith.constant 0 : i32
    %dma_start3A_401 = tpu.memref_slice %arg2[%dma_start3A_399, %dma_start3A_400] : memref<36864x768xf32, #tpu.memory_space<hbm>> -> memref<36864x768xf32, #tpu.memory_space<hbm>>
    tpu.enqueue_indirect_dma source(%dma_start3A_401 : memref<36864x768xf32, #tpu.memory_space<hbm>>) target(%arg11 : memref<32x768xf32, #tpu.memory_space<vmem>>) offsets(%dma_start3A_398 : memref<32xi32, #tpu.memory_space<vmem>>) semaphore(%arg15 : memref<!tpu.dma_semaphore, #tpu.memory_space<semaphore_mem>>)
    %dma_wait3A_402 = arith.constant 8 : i32
    %dma_wait3A_403 = arith.constant 0 : i32
    %dma_wait3A_404 = tpu.memref_slice %arg8[%dma_wait3A_402, %dma_wait3A_403] : memref<16x32xi32, #tpu.memory_space<vmem>> -> memref<1x32xi32, #tpu.memory_space<vmem>>
    %dma_wait3A_405 = tpu.memref_squeeze %dma_wait3A_404 : memref<1x32xi32, #tpu.memory_space<vmem>> -> memref<32xi32, #tpu.memory_space<vmem>>
    %dma_wait3A_406 = arith.constant 0 : i32
    %dma_wait3A_407 = arith.constant 0 : i32
    %dma_wait3A_408 = tpu.memref_slice %arg2[%dma_wait3A_406, %dma_wait3A_407] : memref<36864x768xf32, #tpu.memory_space<hbm>> -> memref<36864x768xf32, #tpu.memory_space<hbm>>
    tpu.wait_indirect_dma semaphore(%arg14 : memref<!tpu.dma_semaphore, #tpu.memory_space<semaphore_mem>>) src(%dma_wait3A_408 : memref<36864x768xf32, #tpu.memory_space<hbm>>) dst(%arg10 : memref<32x768xf32, #tpu.memory_space<vmem>>)
    %add3A_409 = arith.constant 256 : i32
    %add3A_410 = arith.addi %mul3A_2, %add3A_409 : i32
    %dma_start3A_411 = arith.constant 0 : i32
    %dma_start3A_412 = tpu.memref_slice %arg6[%add3A_410, %dma_start3A_411] : memref<16384x768xf32, #tpu.memory_space<hbm>> -> memref<32x768xf32, #tpu.memory_space<hbm>>
    %dma_start3A_413 = arith.constant 0 : i32
    %dma_start3A_414 = tpu.memref_slice %arg6[%add3A_410, %dma_start3A_413] : memref<16384x768xf32, #tpu.memory_space<hbm>> -> memref<32x768xf32, #tpu.memory_space<hbm>>
    tpu.enqueue_dma source(%arg10 : memref<32x768xf32, #tpu.memory_space<vmem>>) target(%dma_start3A_414 : memref<32x768xf32, #tpu.memory_space<hbm>>) target_semaphore(%arg18 : memref<!tpu.dma_semaphore, #tpu.memory_space<semaphore_mem>>)
    %dma_wait3A_415 = arith.constant 0 : i32
    %dma_wait3A_416 = tpu.memref_slice %arg7[%add3A_386, %dma_wait3A_415] : memref<16384x768xf32, #tpu.memory_space<hbm>> -> memref<32x768xf32, #tpu.memory_space<hbm>>
    %dma_wait3A_417 = arith.constant 0 : i32
    %dma_wait3A_418 = tpu.memref_slice %arg7[%add3A_386, %dma_wait3A_417] : memref<16384x768xf32, #tpu.memory_space<hbm>> -> memref<32x768xf32, #tpu.memory_space<hbm>>
    tpu.wait_dma2 semaphore(%arg21 : memref<!tpu.dma_semaphore, #tpu.memory_space<semaphore_mem>>) src(%arg13 : memref<32x768xf32, #tpu.memory_space<vmem>>) dst(%dma_wait3A_418 : memref<32x768xf32, #tpu.memory_space<hbm>>)
    %dma_start3A_419 = arith.constant 9 : i32
    %dma_start3A_420 = arith.constant 0 : i32
    %dma_start3A_421 = tpu.memref_slice %arg9[%dma_start3A_419, %dma_start3A_420] : memref<16x32xi32, #tpu.memory_space<vmem>> -> memref<1x32xi32, #tpu.memory_space<vmem>>
    %dma_start3A_422 = tpu.memref_squeeze %dma_start3A_421 : memref<1x32xi32, #tpu.memory_space<vmem>> -> memref<32xi32, #tpu.memory_space<vmem>>
    %dma_start3A_423 = arith.constant 0 : i32
    %dma_start3A_424 = arith.constant 0 : i32
    %dma_start3A_425 = tpu.memref_slice %arg3[%dma_start3A_423, %dma_start3A_424] : memref<32768x768xf32, #tpu.memory_space<hbm>> -> memref<32768x768xf32, #tpu.memory_space<hbm>>
    tpu.enqueue_indirect_dma source(%dma_start3A_425 : memref<32768x768xf32, #tpu.memory_space<hbm>>) target(%arg13 : memref<32x768xf32, #tpu.memory_space<vmem>>) offsets(%dma_start3A_422 : memref<32xi32, #tpu.memory_space<vmem>>) semaphore(%arg17 : memref<!tpu.dma_semaphore, #tpu.memory_space<semaphore_mem>>)
    %dma_wait3A_426 = arith.constant 8 : i32
    %dma_wait3A_427 = arith.constant 0 : i32
    %dma_wait3A_428 = tpu.memref_slice %arg9[%dma_wait3A_426, %dma_wait3A_427] : memref<16x32xi32, #tpu.memory_space<vmem>> -> memref<1x32xi32, #tpu.memory_space<vmem>>
    %dma_wait3A_429 = tpu.memref_squeeze %dma_wait3A_428 : memref<1x32xi32, #tpu.memory_space<vmem>> -> memref<32xi32, #tpu.memory_space<vmem>>
    %dma_wait3A_430 = arith.constant 0 : i32
    %dma_wait3A_431 = arith.constant 0 : i32
    %dma_wait3A_432 = tpu.memref_slice %arg3[%dma_wait3A_430, %dma_wait3A_431] : memref<32768x768xf32, #tpu.memory_space<hbm>> -> memref<32768x768xf32, #tpu.memory_space<hbm>>
    tpu.wait_indirect_dma semaphore(%arg16 : memref<!tpu.dma_semaphore, #tpu.memory_space<semaphore_mem>>) src(%dma_wait3A_432 : memref<32768x768xf32, #tpu.memory_space<hbm>>) dst(%arg12 : memref<32x768xf32, #tpu.memory_space<vmem>>)
    %add3A_433 = arith.constant 256 : i32
    %add3A_434 = arith.addi %mul3A_2, %add3A_433 : i32
    %dma_start3A_435 = arith.constant 0 : i32
    %dma_start3A_436 = tpu.memref_slice %arg7[%add3A_434, %dma_start3A_435] : memref<16384x768xf32, #tpu.memory_space<hbm>> -> memref<32x768xf32, #tpu.memory_space<hbm>>
    %dma_start3A_437 = arith.constant 0 : i32
    %dma_start3A_438 = tpu.memref_slice %arg7[%add3A_434, %dma_start3A_437] : memref<16384x768xf32, #tpu.memory_space<hbm>> -> memref<32x768xf32, #tpu.memory_space<hbm>>
    tpu.enqueue_dma source(%arg12 : memref<32x768xf32, #tpu.memory_space<vmem>>) target(%dma_start3A_438 : memref<32x768xf32, #tpu.memory_space<hbm>>) target_semaphore(%arg20 : memref<!tpu.dma_semaphore, #tpu.memory_space<semaphore_mem>>)
    %dma_wait3A_439 = arith.constant 0 : i32
    %dma_wait3A_440 = tpu.memref_slice %arg6[%add3A_410, %dma_wait3A_439] : memref<16384x768xf32, #tpu.memory_space<hbm>> -> memref<32x768xf32, #tpu.memory_space<hbm>>
    %dma_wait3A_441 = arith.constant 0 : i32
    %dma_wait3A_442 = tpu.memref_slice %arg6[%add3A_410, %dma_wait3A_441] : memref<16384x768xf32, #tpu.memory_space<hbm>> -> memref<32x768xf32, #tpu.memory_space<hbm>>
    tpu.wait_dma2 semaphore(%arg18 : memref<!tpu.dma_semaphore, #tpu.memory_space<semaphore_mem>>) src(%arg10 : memref<32x768xf32, #tpu.memory_space<vmem>>) dst(%dma_wait3A_442 : memref<32x768xf32, #tpu.memory_space<hbm>>)
    %dma_start3A_443 = arith.constant 10 : i32
    %dma_start3A_444 = arith.constant 0 : i32
    %dma_start3A_445 = tpu.memref_slice %arg8[%dma_start3A_443, %dma_start3A_444] : memref<16x32xi32, #tpu.memory_space<vmem>> -> memref<1x32xi32, #tpu.memory_space<vmem>>
    %dma_start3A_446 = tpu.memref_squeeze %dma_start3A_445 : memref<1x32xi32, #tpu.memory_space<vmem>> -> memref<32xi32, #tpu.memory_space<vmem>>
    %dma_start3A_447 = arith.constant 0 : i32
    %dma_start3A_448 = arith.constant 0 : i32
    %dma_start3A_449 = tpu.memref_slice %arg2[%dma_start3A_447, %dma_start3A_448] : memref<36864x768xf32, #tpu.memory_space<hbm>> -> memref<36864x768xf32, #tpu.memory_space<hbm>>
    tpu.enqueue_indirect_dma source(%dma_start3A_449 : memref<36864x768xf32, #tpu.memory_space<hbm>>) target(%arg10 : memref<32x768xf32, #tpu.memory_space<vmem>>) offsets(%dma_start3A_446 : memref<32xi32, #tpu.memory_space<vmem>>) semaphore(%arg14 : memref<!tpu.dma_semaphore, #tpu.memory_space<semaphore_mem>>)
    %dma_wait3A_450 = arith.constant 9 : i32
    %dma_wait3A_451 = arith.constant 0 : i32
    %dma_wait3A_452 = tpu.memref_slice %arg8[%dma_wait3A_450, %dma_wait3A_451] : memref<16x32xi32, #tpu.memory_space<vmem>> -> memref<1x32xi32, #tpu.memory_space<vmem>>
    %dma_wait3A_453 = tpu.memref_squeeze %dma_wait3A_452 : memref<1x32xi32, #tpu.memory_space<vmem>> -> memref<32xi32, #tpu.memory_space<vmem>>
    %dma_wait3A_454 = arith.constant 0 : i32
    %dma_wait3A_455 = arith.constant 0 : i32
    %dma_wait3A_456 = tpu.memref_slice %arg2[%dma_wait3A_454, %dma_wait3A_455] : memref<36864x768xf32, #tpu.memory_space<hbm>> -> memref<36864x768xf32, #tpu.memory_space<hbm>>
    tpu.wait_indirect_dma semaphore(%arg15 : memref<!tpu.dma_semaphore, #tpu.memory_space<semaphore_mem>>) src(%dma_wait3A_456 : memref<36864x768xf32, #tpu.memory_space<hbm>>) dst(%arg11 : memref<32x768xf32, #tpu.memory_space<vmem>>)
    %add3A_457 = arith.constant 288 : i32
    %add3A_458 = arith.addi %mul3A_2, %add3A_457 : i32
    %dma_start3A_459 = arith.constant 0 : i32
    %dma_start3A_460 = tpu.memref_slice %arg6[%add3A_458, %dma_start3A_459] : memref<16384x768xf32, #tpu.memory_space<hbm>> -> memref<32x768xf32, #tpu.memory_space<hbm>>
    %dma_start3A_461 = arith.constant 0 : i32
    %dma_start3A_462 = tpu.memref_slice %arg6[%add3A_458, %dma_start3A_461] : memref<16384x768xf32, #tpu.memory_space<hbm>> -> memref<32x768xf32, #tpu.memory_space<hbm>>
    tpu.enqueue_dma source(%arg11 : memref<32x768xf32, #tpu.memory_space<vmem>>) target(%dma_start3A_462 : memref<32x768xf32, #tpu.memory_space<hbm>>) target_semaphore(%arg19 : memref<!tpu.dma_semaphore, #tpu.memory_space<semaphore_mem>>)
    %dma_wait3A_463 = arith.constant 0 : i32
    %dma_wait3A_464 = tpu.memref_slice %arg7[%add3A_434, %dma_wait3A_463] : memref<16384x768xf32, #tpu.memory_space<hbm>> -> memref<32x768xf32, #tpu.memory_space<hbm>>
    %dma_wait3A_465 = arith.constant 0 : i32
    %dma_wait3A_466 = tpu.memref_slice %arg7[%add3A_434, %dma_wait3A_465] : memref<16384x768xf32, #tpu.memory_space<hbm>> -> memref<32x768xf32, #tpu.memory_space<hbm>>
    tpu.wait_dma2 semaphore(%arg20 : memref<!tpu.dma_semaphore, #tpu.memory_space<semaphore_mem>>) src(%arg12 : memref<32x768xf32, #tpu.memory_space<vmem>>) dst(%dma_wait3A_466 : memref<32x768xf32, #tpu.memory_space<hbm>>)
    %dma_start3A_467 = arith.constant 10 : i32
    %dma_start3A_468 = arith.constant 0 : i32
    %dma_start3A_469 = tpu.memref_slice %arg9[%dma_start3A_467, %dma_start3A_468] : memref<16x32xi32, #tpu.memory_space<vmem>> -> memref<1x32xi32, #tpu.memory_space<vmem>>
    %dma_start3A_470 = tpu.memref_squeeze %dma_start3A_469 : memref<1x32xi32, #tpu.memory_space<vmem>> -> memref<32xi32, #tpu.memory_space<vmem>>
    %dma_start3A_471 = arith.constant 0 : i32
    %dma_start3A_472 = arith.constant 0 : i32
    %dma_start3A_473 = tpu.memref_slice %arg3[%dma_start3A_471, %dma_start3A_472] : memref<32768x768xf32, #tpu.memory_space<hbm>> -> memref<32768x768xf32, #tpu.memory_space<hbm>>
    tpu.enqueue_indirect_dma source(%dma_start3A_473 : memref<32768x768xf32, #tpu.memory_space<hbm>>) target(%arg12 : memref<32x768xf32, #tpu.memory_space<vmem>>) offsets(%dma_start3A_470 : memref<32xi32, #tpu.memory_space<vmem>>) semaphore(%arg16 : memref<!tpu.dma_semaphore, #tpu.memory_space<semaphore_mem>>)
    %dma_wait3A_474 = arith.constant 9 : i32
    %dma_wait3A_475 = arith.constant 0 : i32
    %dma_wait3A_476 = tpu.memref_slice %arg9[%dma_wait3A_474, %dma_wait3A_475] : memref<16x32xi32, #tpu.memory_space<vmem>> -> memref<1x32xi32, #tpu.memory_space<vmem>>
    %dma_wait3A_477 = tpu.memref_squeeze %dma_wait3A_476 : memref<1x32xi32, #tpu.memory_space<vmem>> -> memref<32xi32, #tpu.memory_space<vmem>>
    %dma_wait3A_478 = arith.constant 0 : i32
    %dma_wait3A_479 = arith.constant 0 : i32
    %dma_wait3A_480 = tpu.memref_slice %arg3[%dma_wait3A_478, %dma_wait3A_479] : memref<32768x768xf32, #tpu.memory_space<hbm>> -> memref<32768x768xf32, #tpu.memory_space<hbm>>
    tpu.wait_indirect_dma semaphore(%arg17 : memref<!tpu.dma_semaphore, #tpu.memory_space<semaphore_mem>>) src(%dma_wait3A_480 : memref<32768x768xf32, #tpu.memory_space<hbm>>) dst(%arg13 : memref<32x768xf32, #tpu.memory_space<vmem>>)
    %add3A_481 = arith.constant 288 : i32
    %add3A_482 = arith.addi %mul3A_2, %add3A_481 : i32
    %dma_start3A_483 = arith.constant 0 : i32
    %dma_start3A_484 = tpu.memref_slice %arg7[%add3A_482, %dma_start3A_483] : memref<16384x768xf32, #tpu.memory_space<hbm>> -> memref<32x768xf32, #tpu.memory_space<hbm>>
    %dma_start3A_485 = arith.constant 0 : i32
    %dma_start3A_486 = tpu.memref_slice %arg7[%add3A_482, %dma_start3A_485] : memref<16384x768xf32, #tpu.memory_space<hbm>> -> memref<32x768xf32, #tpu.memory_space<hbm>>
    tpu.enqueue_dma source(%arg13 : memref<32x768xf32, #tpu.memory_space<vmem>>) target(%dma_start3A_486 : memref<32x768xf32, #tpu.memory_space<hbm>>) target_semaphore(%arg21 : memref<!tpu.dma_semaphore, #tpu.memory_space<semaphore_mem>>)
    %dma_wait3A_487 = arith.constant 0 : i32
    %dma_wait3A_488 = tpu.memref_slice %arg6[%add3A_458, %dma_wait3A_487] : memref<16384x768xf32, #tpu.memory_space<hbm>> -> memref<32x768xf32, #tpu.memory_space<hbm>>
    %dma_wait3A_489 = arith.constant 0 : i32
    %dma_wait3A_490 = tpu.memref_slice %arg6[%add3A_458, %dma_wait3A_489] : memref<16384x768xf32, #tpu.memory_space<hbm>> -> memref<32x768xf32, #tpu.memory_space<hbm>>
    tpu.wait_dma2 semaphore(%arg19 : memref<!tpu.dma_semaphore, #tpu.memory_space<semaphore_mem>>) src(%arg11 : memref<32x768xf32, #tpu.memory_space<vmem>>) dst(%dma_wait3A_490 : memref<32x768xf32, #tpu.memory_space<hbm>>)
    %dma_start3A_491 = arith.constant 11 : i32
    %dma_start3A_492 = arith.constant 0 : i32
    %dma_start3A_493 = tpu.memref_slice %arg8[%dma_start3A_491, %dma_start3A_492] : memref<16x32xi32, #tpu.memory_space<vmem>> -> memref<1x32xi32, #tpu.memory_space<vmem>>
    %dma_start3A_494 = tpu.memref_squeeze %dma_start3A_493 : memref<1x32xi32, #tpu.memory_space<vmem>> -> memref<32xi32, #tpu.memory_space<vmem>>
    %dma_start3A_495 = arith.constant 0 : i32
    %dma_start3A_496 = arith.constant 0 : i32
    %dma_start3A_497 = tpu.memref_slice %arg2[%dma_start3A_495, %dma_start3A_496] : memref<36864x768xf32, #tpu.memory_space<hbm>> -> memref<36864x768xf32, #tpu.memory_space<hbm>>
    tpu.enqueue_indirect_dma source(%dma_start3A_497 : memref<36864x768xf32, #tpu.memory_space<hbm>>) target(%arg11 : memref<32x768xf32, #tpu.memory_space<vmem>>) offsets(%dma_start3A_494 : memref<32xi32, #tpu.memory_space<vmem>>) semaphore(%arg15 : memref<!tpu.dma_semaphore, #tpu.memory_space<semaphore_mem>>)
    %dma_wait3A_498 = arith.constant 10 : i32
    %dma_wait3A_499 = arith.constant 0 : i32
    %dma_wait3A_500 = tpu.memref_slice %arg8[%dma_wait3A_498, %dma_wait3A_499] : memref<16x32xi32, #tpu.memory_space<vmem>> -> memref<1x32xi32, #tpu.memory_space<vmem>>
    %dma_wait3A_501 = tpu.memref_squeeze %dma_wait3A_500 : memref<1x32xi32, #tpu.memory_space<vmem>> -> memref<32xi32, #tpu.memory_space<vmem>>
    %dma_wait3A_502 = arith.constant 0 : i32
    %dma_wait3A_503 = arith.constant 0 : i32
    %dma_wait3A_504 = tpu.memref_slice %arg2[%dma_wait3A_502, %dma_wait3A_503] : memref<36864x768xf32, #tpu.memory_space<hbm>> -> memref<36864x768xf32, #tpu.memory_space<hbm>>
    tpu.wait_indirect_dma semaphore(%arg14 : memref<!tpu.dma_semaphore, #tpu.memory_space<semaphore_mem>>) src(%dma_wait3A_504 : memref<36864x768xf32, #tpu.memory_space<hbm>>) dst(%arg10 : memref<32x768xf32, #tpu.memory_space<vmem>>)
    %add3A_505 = arith.constant 320 : i32
    %add3A_506 = arith.addi %mul3A_2, %add3A_505 : i32
    %dma_start3A_507 = arith.constant 0 : i32
    %dma_start3A_508 = tpu.memref_slice %arg6[%add3A_506, %dma_start3A_507] : memref<16384x768xf32, #tpu.memory_space<hbm>> -> memref<32x768xf32, #tpu.memory_space<hbm>>
    %dma_start3A_509 = arith.constant 0 : i32
    %dma_start3A_510 = tpu.memref_slice %arg6[%add3A_506, %dma_start3A_509] : memref<16384x768xf32, #tpu.memory_space<hbm>> -> memref<32x768xf32, #tpu.memory_space<hbm>>
    tpu.enqueue_dma source(%arg10 : memref<32x768xf32, #tpu.memory_space<vmem>>) target(%dma_start3A_510 : memref<32x768xf32, #tpu.memory_space<hbm>>) target_semaphore(%arg18 : memref<!tpu.dma_semaphore, #tpu.memory_space<semaphore_mem>>)
    %dma_wait3A_511 = arith.constant 0 : i32
    %dma_wait3A_512 = tpu.memref_slice %arg7[%add3A_482, %dma_wait3A_511] : memref<16384x768xf32, #tpu.memory_space<hbm>> -> memref<32x768xf32, #tpu.memory_space<hbm>>
    %dma_wait3A_513 = arith.constant 0 : i32
    %dma_wait3A_514 = tpu.memref_slice %arg7[%add3A_482, %dma_wait3A_513] : memref<16384x768xf32, #tpu.memory_space<hbm>> -> memref<32x768xf32, #tpu.memory_space<hbm>>
    tpu.wait_dma2 semaphore(%arg21 : memref<!tpu.dma_semaphore, #tpu.memory_space<semaphore_mem>>) src(%arg13 : memref<32x768xf32, #tpu.memory_space<vmem>>) dst(%dma_wait3A_514 : memref<32x768xf32, #tpu.memory_space<hbm>>)
    %dma_start3A_515 = arith.constant 11 : i32
    %dma_start3A_516 = arith.constant 0 : i32
    %dma_start3A_517 = tpu.memref_slice %arg9[%dma_start3A_515, %dma_start3A_516] : memref<16x32xi32, #tpu.memory_space<vmem>> -> memref<1x32xi32, #tpu.memory_space<vmem>>
    %dma_start3A_518 = tpu.memref_squeeze %dma_start3A_517 : memref<1x32xi32, #tpu.memory_space<vmem>> -> memref<32xi32, #tpu.memory_space<vmem>>
    %dma_start3A_519 = arith.constant 0 : i32
    %dma_start3A_520 = arith.constant 0 : i32
    %dma_start3A_521 = tpu.memref_slice %arg3[%dma_start3A_519, %dma_start3A_520] : memref<32768x768xf32, #tpu.memory_space<hbm>> -> memref<32768x768xf32, #tpu.memory_space<hbm>>
    tpu.enqueue_indirect_dma source(%dma_start3A_521 : memref<32768x768xf32, #tpu.memory_space<hbm>>) target(%arg13 : memref<32x768xf32, #tpu.memory_space<vmem>>) offsets(%dma_start3A_518 : memref<32xi32, #tpu.memory_space<vmem>>) semaphore(%arg17 : memref<!tpu.dma_semaphore, #tpu.memory_space<semaphore_mem>>)
    %dma_wait3A_522 = arith.constant 10 : i32
    %dma_wait3A_523 = arith.constant 0 : i32
    %dma_wait3A_524 = tpu.memref_slice %arg9[%dma_wait3A_522, %dma_wait3A_523] : memref<16x32xi32, #tpu.memory_space<vmem>> -> memref<1x32xi32, #tpu.memory_space<vmem>>
    %dma_wait3A_525 = tpu.memref_squeeze %dma_wait3A_524 : memref<1x32xi32, #tpu.memory_space<vmem>> -> memref<32xi32, #tpu.memory_space<vmem>>
    %dma_wait3A_526 = arith.constant 0 : i32
    %dma_wait3A_527 = arith.constant 0 : i32
    %dma_wait3A_528 = tpu.memref_slice %arg3[%dma_wait3A_526, %dma_wait3A_527] : memref<32768x768xf32, #tpu.memory_space<hbm>> -> memref<32768x768xf32, #tpu.memory_space<hbm>>
    tpu.wait_indirect_dma semaphore(%arg16 : memref<!tpu.dma_semaphore, #tpu.memory_space<semaphore_mem>>) src(%dma_wait3A_528 : memref<32768x768xf32, #tpu.memory_space<hbm>>) dst(%arg12 : memref<32x768xf32, #tpu.memory_space<vmem>>)
    %add3A_529 = arith.constant 320 : i32
    %add3A_530 = arith.addi %mul3A_2, %add3A_529 : i32
    %dma_start3A_531 = arith.constant 0 : i32
    %dma_start3A_532 = tpu.memref_slice %arg7[%add3A_530, %dma_start3A_531] : memref<16384x768xf32, #tpu.memory_space<hbm>> -> memref<32x768xf32, #tpu.memory_space<hbm>>
    %dma_start3A_533 = arith.constant 0 : i32
    %dma_start3A_534 = tpu.memref_slice %arg7[%add3A_530, %dma_start3A_533] : memref<16384x768xf32, #tpu.memory_space<hbm>> -> memref<32x768xf32, #tpu.memory_space<hbm>>
    tpu.enqueue_dma source(%arg12 : memref<32x768xf32, #tpu.memory_space<vmem>>) target(%dma_start3A_534 : memref<32x768xf32, #tpu.memory_space<hbm>>) target_semaphore(%arg20 : memref<!tpu.dma_semaphore, #tpu.memory_space<semaphore_mem>>)
    %dma_wait3A_535 = arith.constant 0 : i32
    %dma_wait3A_536 = tpu.memref_slice %arg6[%add3A_506, %dma_wait3A_535] : memref<16384x768xf32, #tpu.memory_space<hbm>> -> memref<32x768xf32, #tpu.memory_space<hbm>>
    %dma_wait3A_537 = arith.constant 0 : i32
    %dma_wait3A_538 = tpu.memref_slice %arg6[%add3A_506, %dma_wait3A_537] : memref<16384x768xf32, #tpu.memory_space<hbm>> -> memref<32x768xf32, #tpu.memory_space<hbm>>
    tpu.wait_dma2 semaphore(%arg18 : memref<!tpu.dma_semaphore, #tpu.memory_space<semaphore_mem>>) src(%arg10 : memref<32x768xf32, #tpu.memory_space<vmem>>) dst(%dma_wait3A_538 : memref<32x768xf32, #tpu.memory_space<hbm>>)
    %dma_start3A_539 = arith.constant 12 : i32
    %dma_start3A_540 = arith.constant 0 : i32
    %dma_start3A_541 = tpu.memref_slice %arg8[%dma_start3A_539, %dma_start3A_540] : memref<16x32xi32, #tpu.memory_space<vmem>> -> memref<1x32xi32, #tpu.memory_space<vmem>>
    %dma_start3A_542 = tpu.memref_squeeze %dma_start3A_541 : memref<1x32xi32, #tpu.memory_space<vmem>> -> memref<32xi32, #tpu.memory_space<vmem>>
    %dma_start3A_543 = arith.constant 0 : i32
    %dma_start3A_544 = arith.constant 0 : i32
    %dma_start3A_545 = tpu.memref_slice %arg2[%dma_start3A_543, %dma_start3A_544] : memref<36864x768xf32, #tpu.memory_space<hbm>> -> memref<36864x768xf32, #tpu.memory_space<hbm>>
    tpu.enqueue_indirect_dma source(%dma_start3A_545 : memref<36864x768xf32, #tpu.memory_space<hbm>>) target(%arg10 : memref<32x768xf32, #tpu.memory_space<vmem>>) offsets(%dma_start3A_542 : memref<32xi32, #tpu.memory_space<vmem>>) semaphore(%arg14 : memref<!tpu.dma_semaphore, #tpu.memory_space<semaphore_mem>>)
    %dma_wait3A_546 = arith.constant 11 : i32
    %dma_wait3A_547 = arith.constant 0 : i32
    %dma_wait3A_548 = tpu.memref_slice %arg8[%dma_wait3A_546, %dma_wait3A_547] : memref<16x32xi32, #tpu.memory_space<vmem>> -> memref<1x32xi32, #tpu.memory_space<vmem>>
    %dma_wait3A_549 = tpu.memref_squeeze %dma_wait3A_548 : memref<1x32xi32, #tpu.memory_space<vmem>> -> memref<32xi32, #tpu.memory_space<vmem>>
    %dma_wait3A_550 = arith.constant 0 : i32
    %dma_wait3A_551 = arith.constant 0 : i32
    %dma_wait3A_552 = tpu.memref_slice %arg2[%dma_wait3A_550, %dma_wait3A_551] : memref<36864x768xf32, #tpu.memory_space<hbm>> -> memref<36864x768xf32, #tpu.memory_space<hbm>>
    tpu.wait_indirect_dma semaphore(%arg15 : memref<!tpu.dma_semaphore, #tpu.memory_space<semaphore_mem>>) src(%dma_wait3A_552 : memref<36864x768xf32, #tpu.memory_space<hbm>>) dst(%arg11 : memref<32x768xf32, #tpu.memory_space<vmem>>)
    %add3A_553 = arith.constant 352 : i32
    %add3A_554 = arith.addi %mul3A_2, %add3A_553 : i32
    %dma_start3A_555 = arith.constant 0 : i32
    %dma_start3A_556 = tpu.memref_slice %arg6[%add3A_554, %dma_start3A_555] : memref<16384x768xf32, #tpu.memory_space<hbm>> -> memref<32x768xf32, #tpu.memory_space<hbm>>
    %dma_start3A_557 = arith.constant 0 : i32
    %dma_start3A_558 = tpu.memref_slice %arg6[%add3A_554, %dma_start3A_557] : memref<16384x768xf32, #tpu.memory_space<hbm>> -> memref<32x768xf32, #tpu.memory_space<hbm>>
    tpu.enqueue_dma source(%arg11 : memref<32x768xf32, #tpu.memory_space<vmem>>) target(%dma_start3A_558 : memref<32x768xf32, #tpu.memory_space<hbm>>) target_semaphore(%arg19 : memref<!tpu.dma_semaphore, #tpu.memory_space<semaphore_mem>>)
    %dma_wait3A_559 = arith.constant 0 : i32
    %dma_wait3A_560 = tpu.memref_slice %arg7[%add3A_530, %dma_wait3A_559] : memref<16384x768xf32, #tpu.memory_space<hbm>> -> memref<32x768xf32, #tpu.memory_space<hbm>>
    %dma_wait3A_561 = arith.constant 0 : i32
    %dma_wait3A_562 = tpu.memref_slice %arg7[%add3A_530, %dma_wait3A_561] : memref<16384x768xf32, #tpu.memory_space<hbm>> -> memref<32x768xf32, #tpu.memory_space<hbm>>
    tpu.wait_dma2 semaphore(%arg20 : memref<!tpu.dma_semaphore, #tpu.memory_space<semaphore_mem>>) src(%arg12 : memref<32x768xf32, #tpu.memory_space<vmem>>) dst(%dma_wait3A_562 : memref<32x768xf32, #tpu.memory_space<hbm>>)
    %dma_start3A_563 = arith.constant 12 : i32
    %dma_start3A_564 = arith.constant 0 : i32
    %dma_start3A_565 = tpu.memref_slice %arg9[%dma_start3A_563, %dma_start3A_564] : memref<16x32xi32, #tpu.memory_space<vmem>> -> memref<1x32xi32, #tpu.memory_space<vmem>>
    %dma_start3A_566 = tpu.memref_squeeze %dma_start3A_565 : memref<1x32xi32, #tpu.memory_space<vmem>> -> memref<32xi32, #tpu.memory_space<vmem>>
    %dma_start3A_567 = arith.constant 0 : i32
    %dma_start3A_568 = arith.constant 0 : i32
    %dma_start3A_569 = tpu.memref_slice %arg3[%dma_start3A_567, %dma_start3A_568] : memref<32768x768xf32, #tpu.memory_space<hbm>> -> memref<32768x768xf32, #tpu.memory_space<hbm>>
    tpu.enqueue_indirect_dma source(%dma_start3A_569 : memref<32768x768xf32, #tpu.memory_space<hbm>>) target(%arg12 : memref<32x768xf32, #tpu.memory_space<vmem>>) offsets(%dma_start3A_566 : memref<32xi32, #tpu.memory_space<vmem>>) semaphore(%arg16 : memref<!tpu.dma_semaphore, #tpu.memory_space<semaphore_mem>>)
    %dma_wait3A_570 = arith.constant 11 : i32
    %dma_wait3A_571 = arith.constant 0 : i32
    %dma_wait3A_572 = tpu.memref_slice %arg9[%dma_wait3A_570, %dma_wait3A_571] : memref<16x32xi32, #tpu.memory_space<vmem>> -> memref<1x32xi32, #tpu.memory_space<vmem>>
    %dma_wait3A_573 = tpu.memref_squeeze %dma_wait3A_572 : memref<1x32xi32, #tpu.memory_space<vmem>> -> memref<32xi32, #tpu.memory_space<vmem>>
    %dma_wait3A_574 = arith.constant 0 : i32
    %dma_wait3A_575 = arith.constant 0 : i32
    %dma_wait3A_576 = tpu.memref_slice %arg3[%dma_wait3A_574, %dma_wait3A_575] : memref<32768x768xf32, #tpu.memory_space<hbm>> -> memref<32768x768xf32, #tpu.memory_space<hbm>>
    tpu.wait_indirect_dma semaphore(%arg17 : memref<!tpu.dma_semaphore, #tpu.memory_space<semaphore_mem>>) src(%dma_wait3A_576 : memref<32768x768xf32, #tpu.memory_space<hbm>>) dst(%arg13 : memref<32x768xf32, #tpu.memory_space<vmem>>)
    %add3A_577 = arith.constant 352 : i32
    %add3A_578 = arith.addi %mul3A_2, %add3A_577 : i32
    %dma_start3A_579 = arith.constant 0 : i32
    %dma_start3A_580 = tpu.memref_slice %arg7[%add3A_578, %dma_start3A_579] : memref<16384x768xf32, #tpu.memory_space<hbm>> -> memref<32x768xf32, #tpu.memory_space<hbm>>
    %dma_start3A_581 = arith.constant 0 : i32
    %dma_start3A_582 = tpu.memref_slice %arg7[%add3A_578, %dma_start3A_581] : memref<16384x768xf32, #tpu.memory_space<hbm>> -> memref<32x768xf32, #tpu.memory_space<hbm>>
    tpu.enqueue_dma source(%arg13 : memref<32x768xf32, #tpu.memory_space<vmem>>) target(%dma_start3A_582 : memref<32x768xf32, #tpu.memory_space<hbm>>) target_semaphore(%arg21 : memref<!tpu.dma_semaphore, #tpu.memory_space<semaphore_mem>>)
    %dma_wait3A_583 = arith.constant 0 : i32
    %dma_wait3A_584 = tpu.memref_slice %arg6[%add3A_554, %dma_wait3A_583] : memref<16384x768xf32, #tpu.memory_space<hbm>> -> memref<32x768xf32, #tpu.memory_space<hbm>>
    %dma_wait3A_585 = arith.constant 0 : i32
    %dma_wait3A_586 = tpu.memref_slice %arg6[%add3A_554, %dma_wait3A_585] : memref<16384x768xf32, #tpu.memory_space<hbm>> -> memref<32x768xf32, #tpu.memory_space<hbm>>
    tpu.wait_dma2 semaphore(%arg19 : memref<!tpu.dma_semaphore, #tpu.memory_space<semaphore_mem>>) src(%arg11 : memref<32x768xf32, #tpu.memory_space<vmem>>) dst(%dma_wait3A_586 : memref<32x768xf32, #tpu.memory_space<hbm>>)
    %dma_start3A_587 = arith.constant 13 : i32
    %dma_start3A_588 = arith.constant 0 : i32
    %dma_start3A_589 = tpu.memref_slice %arg8[%dma_start3A_587, %dma_start3A_588] : memref<16x32xi32, #tpu.memory_space<vmem>> -> memref<1x32xi32, #tpu.memory_space<vmem>>
    %dma_start3A_590 = tpu.memref_squeeze %dma_start3A_589 : memref<1x32xi32, #tpu.memory_space<vmem>> -> memref<32xi32, #tpu.memory_space<vmem>>
    %dma_start3A_591 = arith.constant 0 : i32
    %dma_start3A_592 = arith.constant 0 : i32
    %dma_start3A_593 = tpu.memref_slice %arg2[%dma_start3A_591, %dma_start3A_592] : memref<36864x768xf32, #tpu.memory_space<hbm>> -> memref<36864x768xf32, #tpu.memory_space<hbm>>
    tpu.enqueue_indirect_dma source(%dma_start3A_593 : memref<36864x768xf32, #tpu.memory_space<hbm>>) target(%arg11 : memref<32x768xf32, #tpu.memory_space<vmem>>) offsets(%dma_start3A_590 : memref<32xi32, #tpu.memory_space<vmem>>) semaphore(%arg15 : memref<!tpu.dma_semaphore, #tpu.memory_space<semaphore_mem>>)
    %dma_wait3A_594 = arith.constant 12 : i32
    %dma_wait3A_595 = arith.constant 0 : i32
    %dma_wait3A_596 = tpu.memref_slice %arg8[%dma_wait3A_594, %dma_wait3A_595] : memref<16x32xi32, #tpu.memory_space<vmem>> -> memref<1x32xi32, #tpu.memory_space<vmem>>
    %dma_wait3A_597 = tpu.memref_squeeze %dma_wait3A_596 : memref<1x32xi32, #tpu.memory_space<vmem>> -> memref<32xi32, #tpu.memory_space<vmem>>
    %dma_wait3A_598 = arith.constant 0 : i32
    %dma_wait3A_599 = arith.constant 0 : i32
    %dma_wait3A_600 = tpu.memref_slice %arg2[%dma_wait3A_598, %dma_wait3A_599] : memref<36864x768xf32, #tpu.memory_space<hbm>> -> memref<36864x768xf32, #tpu.memory_space<hbm>>
    tpu.wait_indirect_dma semaphore(%arg14 : memref<!tpu.dma_semaphore, #tpu.memory_space<semaphore_mem>>) src(%dma_wait3A_600 : memref<36864x768xf32, #tpu.memory_space<hbm>>) dst(%arg10 : memref<32x768xf32, #tpu.memory_space<vmem>>)
    %add3A_601 = arith.constant 384 : i32
    %add3A_602 = arith.addi %mul3A_2, %add3A_601 : i32
    %dma_start3A_603 = arith.constant 0 : i32
    %dma_start3A_604 = tpu.memref_slice %arg6[%add3A_602, %dma_start3A_603] : memref<16384x768xf32, #tpu.memory_space<hbm>> -> memref<32x768xf32, #tpu.memory_space<hbm>>
    %dma_start3A_605 = arith.constant 0 : i32
    %dma_start3A_606 = tpu.memref_slice %arg6[%add3A_602, %dma_start3A_605] : memref<16384x768xf32, #tpu.memory_space<hbm>> -> memref<32x768xf32, #tpu.memory_space<hbm>>
    tpu.enqueue_dma source(%arg10 : memref<32x768xf32, #tpu.memory_space<vmem>>) target(%dma_start3A_606 : memref<32x768xf32, #tpu.memory_space<hbm>>) target_semaphore(%arg18 : memref<!tpu.dma_semaphore, #tpu.memory_space<semaphore_mem>>)
    %dma_wait3A_607 = arith.constant 0 : i32
    %dma_wait3A_608 = tpu.memref_slice %arg7[%add3A_578, %dma_wait3A_607] : memref<16384x768xf32, #tpu.memory_space<hbm>> -> memref<32x768xf32, #tpu.memory_space<hbm>>
    %dma_wait3A_609 = arith.constant 0 : i32
    %dma_wait3A_610 = tpu.memref_slice %arg7[%add3A_578, %dma_wait3A_609] : memref<16384x768xf32, #tpu.memory_space<hbm>> -> memref<32x768xf32, #tpu.memory_space<hbm>>
    tpu.wait_dma2 semaphore(%arg21 : memref<!tpu.dma_semaphore, #tpu.memory_space<semaphore_mem>>) src(%arg13 : memref<32x768xf32, #tpu.memory_space<vmem>>) dst(%dma_wait3A_610 : memref<32x768xf32, #tpu.memory_space<hbm>>)
    %dma_start3A_611 = arith.constant 13 : i32
    %dma_start3A_612 = arith.constant 0 : i32
    %dma_start3A_613 = tpu.memref_slice %arg9[%dma_start3A_611, %dma_start3A_612] : memref<16x32xi32, #tpu.memory_space<vmem>> -> memref<1x32xi32, #tpu.memory_space<vmem>>
    %dma_start3A_614 = tpu.memref_squeeze %dma_start3A_613 : memref<1x32xi32, #tpu.memory_space<vmem>> -> memref<32xi32, #tpu.memory_space<vmem>>
    %dma_start3A_615 = arith.constant 0 : i32
    %dma_start3A_616 = arith.constant 0 : i32
    %dma_start3A_617 = tpu.memref_slice %arg3[%dma_start3A_615, %dma_start3A_616] : memref<32768x768xf32, #tpu.memory_space<hbm>> -> memref<32768x768xf32, #tpu.memory_space<hbm>>
    tpu.enqueue_indirect_dma source(%dma_start3A_617 : memref<32768x768xf32, #tpu.memory_space<hbm>>) target(%arg13 : memref<32x768xf32, #tpu.memory_space<vmem>>) offsets(%dma_start3A_614 : memref<32xi32, #tpu.memory_space<vmem>>) semaphore(%arg17 : memref<!tpu.dma_semaphore, #tpu.memory_space<semaphore_mem>>)
    %dma_wait3A_618 = arith.constant 12 : i32
    %dma_wait3A_619 = arith.constant 0 : i32
    %dma_wait3A_620 = tpu.memref_slice %arg9[%dma_wait3A_618, %dma_wait3A_619] : memref<16x32xi32, #tpu.memory_space<vmem>> -> memref<1x32xi32, #tpu.memory_space<vmem>>
    %dma_wait3A_621 = tpu.memref_squeeze %dma_wait3A_620 : memref<1x32xi32, #tpu.memory_space<vmem>> -> memref<32xi32, #tpu.memory_space<vmem>>
    %dma_wait3A_622 = arith.constant 0 : i32
    %dma_wait3A_623 = arith.constant 0 : i32
    %dma_wait3A_624 = tpu.memref_slice %arg3[%dma_wait3A_622, %dma_wait3A_623] : memref<32768x768xf32, #tpu.memory_space<hbm>> -> memref<32768x768xf32, #tpu.memory_space<hbm>>
    tpu.wait_indirect_dma semaphore(%arg16 : memref<!tpu.dma_semaphore, #tpu.memory_space<semaphore_mem>>) src(%dma_wait3A_624 : memref<32768x768xf32, #tpu.memory_space<hbm>>) dst(%arg12 : memref<32x768xf32, #tpu.memory_space<vmem>>)
    %add3A_625 = arith.constant 384 : i32
    %add3A_626 = arith.addi %mul3A_2, %add3A_625 : i32
    %dma_start3A_627 = arith.constant 0 : i32
    %dma_start3A_628 = tpu.memref_slice %arg7[%add3A_626, %dma_start3A_627] : memref<16384x768xf32, #tpu.memory_space<hbm>> -> memref<32x768xf32, #tpu.memory_space<hbm>>
    %dma_start3A_629 = arith.constant 0 : i32
    %dma_start3A_630 = tpu.memref_slice %arg7[%add3A_626, %dma_start3A_629] : memref<16384x768xf32, #tpu.memory_space<hbm>> -> memref<32x768xf32, #tpu.memory_space<hbm>>
    tpu.enqueue_dma source(%arg12 : memref<32x768xf32, #tpu.memory_space<vmem>>) target(%dma_start3A_630 : memref<32x768xf32, #tpu.memory_space<hbm>>) target_semaphore(%arg20 : memref<!tpu.dma_semaphore, #tpu.memory_space<semaphore_mem>>)
    %dma_wait3A_631 = arith.constant 0 : i32
    %dma_wait3A_632 = tpu.memref_slice %arg6[%add3A_602, %dma_wait3A_631] : memref<16384x768xf32, #tpu.memory_space<hbm>> -> memref<32x768xf32, #tpu.memory_space<hbm>>
    %dma_wait3A_633 = arith.constant 0 : i32
    %dma_wait3A_634 = tpu.memref_slice %arg6[%add3A_602, %dma_wait3A_633] : memref<16384x768xf32, #tpu.memory_space<hbm>> -> memref<32x768xf32, #tpu.memory_space<hbm>>
    tpu.wait_dma2 semaphore(%arg18 : memref<!tpu.dma_semaphore, #tpu.memory_space<semaphore_mem>>) src(%arg10 : memref<32x768xf32, #tpu.memory_space<vmem>>) dst(%dma_wait3A_634 : memref<32x768xf32, #tpu.memory_space<hbm>>)
    %dma_start3A_635 = arith.constant 14 : i32
    %dma_start3A_636 = arith.constant 0 : i32
    %dma_start3A_637 = tpu.memref_slice %arg8[%dma_start3A_635, %dma_start3A_636] : memref<16x32xi32, #tpu.memory_space<vmem>> -> memref<1x32xi32, #tpu.memory_space<vmem>>
    %dma_start3A_638 = tpu.memref_squeeze %dma_start3A_637 : memref<1x32xi32, #tpu.memory_space<vmem>> -> memref<32xi32, #tpu.memory_space<vmem>>
    %dma_start3A_639 = arith.constant 0 : i32
    %dma_start3A_640 = arith.constant 0 : i32
    %dma_start3A_641 = tpu.memref_slice %arg2[%dma_start3A_639, %dma_start3A_640] : memref<36864x768xf32, #tpu.memory_space<hbm>> -> memref<36864x768xf32, #tpu.memory_space<hbm>>
    tpu.enqueue_indirect_dma source(%dma_start3A_641 : memref<36864x768xf32, #tpu.memory_space<hbm>>) target(%arg10 : memref<32x768xf32, #tpu.memory_space<vmem>>) offsets(%dma_start3A_638 : memref<32xi32, #tpu.memory_space<vmem>>) semaphore(%arg14 : memref<!tpu.dma_semaphore, #tpu.memory_space<semaphore_mem>>)
    %dma_wait3A_642 = arith.constant 13 : i32
    %dma_wait3A_643 = arith.constant 0 : i32
    %dma_wait3A_644 = tpu.memref_slice %arg8[%dma_wait3A_642, %dma_wait3A_643] : memref<16x32xi32, #tpu.memory_space<vmem>> -> memref<1x32xi32, #tpu.memory_space<vmem>>
    %dma_wait3A_645 = tpu.memref_squeeze %dma_wait3A_644 : memref<1x32xi32, #tpu.memory_space<vmem>> -> memref<32xi32, #tpu.memory_space<vmem>>
    %dma_wait3A_646 = arith.constant 0 : i32
    %dma_wait3A_647 = arith.constant 0 : i32
    %dma_wait3A_648 = tpu.memref_slice %arg2[%dma_wait3A_646, %dma_wait3A_647] : memref<36864x768xf32, #tpu.memory_space<hbm>> -> memref<36864x768xf32, #tpu.memory_space<hbm>>
    tpu.wait_indirect_dma semaphore(%arg15 : memref<!tpu.dma_semaphore, #tpu.memory_space<semaphore_mem>>) src(%dma_wait3A_648 : memref<36864x768xf32, #tpu.memory_space<hbm>>) dst(%arg11 : memref<32x768xf32, #tpu.memory_space<vmem>>)
    %add3A_649 = arith.constant 416 : i32
    %add3A_650 = arith.addi %mul3A_2, %add3A_649 : i32
    %dma_start3A_651 = arith.constant 0 : i32
    %dma_start3A_652 = tpu.memref_slice %arg6[%add3A_650, %dma_start3A_651] : memref<16384x768xf32, #tpu.memory_space<hbm>> -> memref<32x768xf32, #tpu.memory_space<hbm>>
    %dma_start3A_653 = arith.constant 0 : i32
    %dma_start3A_654 = tpu.memref_slice %arg6[%add3A_650, %dma_start3A_653] : memref<16384x768xf32, #tpu.memory_space<hbm>> -> memref<32x768xf32, #tpu.memory_space<hbm>>
    tpu.enqueue_dma source(%arg11 : memref<32x768xf32, #tpu.memory_space<vmem>>) target(%dma_start3A_654 : memref<32x768xf32, #tpu.memory_space<hbm>>) target_semaphore(%arg19 : memref<!tpu.dma_semaphore, #tpu.memory_space<semaphore_mem>>)
    %dma_wait3A_655 = arith.constant 0 : i32
    %dma_wait3A_656 = tpu.memref_slice %arg7[%add3A_626, %dma_wait3A_655] : memref<16384x768xf32, #tpu.memory_space<hbm>> -> memref<32x768xf32, #tpu.memory_space<hbm>>
    %dma_wait3A_657 = arith.constant 0 : i32
    %dma_wait3A_658 = tpu.memref_slice %arg7[%add3A_626, %dma_wait3A_657] : memref<16384x768xf32, #tpu.memory_space<hbm>> -> memref<32x768xf32, #tpu.memory_space<hbm>>
    tpu.wait_dma2 semaphore(%arg20 : memref<!tpu.dma_semaphore, #tpu.memory_space<semaphore_mem>>) src(%arg12 : memref<32x768xf32, #tpu.memory_space<vmem>>) dst(%dma_wait3A_658 : memref<32x768xf32, #tpu.memory_space<hbm>>)
    %dma_start3A_659 = arith.constant 14 : i32
    %dma_start3A_660 = arith.constant 0 : i32
    %dma_start3A_661 = tpu.memref_slice %arg9[%dma_start3A_659, %dma_start3A_660] : memref<16x32xi32, #tpu.memory_space<vmem>> -> memref<1x32xi32, #tpu.memory_space<vmem>>
    %dma_start3A_662 = tpu.memref_squeeze %dma_start3A_661 : memref<1x32xi32, #tpu.memory_space<vmem>> -> memref<32xi32, #tpu.memory_space<vmem>>
    %dma_start3A_663 = arith.constant 0 : i32
    %dma_start3A_664 = arith.constant 0 : i32
    %dma_start3A_665 = tpu.memref_slice %arg3[%dma_start3A_663, %dma_start3A_664] : memref<32768x768xf32, #tpu.memory_space<hbm>> -> memref<32768x768xf32, #tpu.memory_space<hbm>>
    tpu.enqueue_indirect_dma source(%dma_start3A_665 : memref<32768x768xf32, #tpu.memory_space<hbm>>) target(%arg12 : memref<32x768xf32, #tpu.memory_space<vmem>>) offsets(%dma_start3A_662 : memref<32xi32, #tpu.memory_space<vmem>>) semaphore(%arg16 : memref<!tpu.dma_semaphore, #tpu.memory_space<semaphore_mem>>)
    %dma_wait3A_666 = arith.constant 13 : i32
    %dma_wait3A_667 = arith.constant 0 : i32
    %dma_wait3A_668 = tpu.memref_slice %arg9[%dma_wait3A_666, %dma_wait3A_667] : memref<16x32xi32, #tpu.memory_space<vmem>> -> memref<1x32xi32, #tpu.memory_space<vmem>>
    %dma_wait3A_669 = tpu.memref_squeeze %dma_wait3A_668 : memref<1x32xi32, #tpu.memory_space<vmem>> -> memref<32xi32, #tpu.memory_space<vmem>>
    %dma_wait3A_670 = arith.constant 0 : i32
    %dma_wait3A_671 = arith.constant 0 : i32
    %dma_wait3A_672 = tpu.memref_slice %arg3[%dma_wait3A_670, %dma_wait3A_671] : memref<32768x768xf32, #tpu.memory_space<hbm>> -> memref<32768x768xf32, #tpu.memory_space<hbm>>
    tpu.wait_indirect_dma semaphore(%arg17 : memref<!tpu.dma_semaphore, #tpu.memory_space<semaphore_mem>>) src(%dma_wait3A_672 : memref<32768x768xf32, #tpu.memory_space<hbm>>) dst(%arg13 : memref<32x768xf32, #tpu.memory_space<vmem>>)
    %add3A_673 = arith.constant 416 : i32
    %add3A_674 = arith.addi %mul3A_2, %add3A_673 : i32
    %dma_start3A_675 = arith.constant 0 : i32
    %dma_start3A_676 = tpu.memref_slice %arg7[%add3A_674, %dma_start3A_675] : memref<16384x768xf32, #tpu.memory_space<hbm>> -> memref<32x768xf32, #tpu.memory_space<hbm>>
    %dma_start3A_677 = arith.constant 0 : i32
    %dma_start3A_678 = tpu.memref_slice %arg7[%add3A_674, %dma_start3A_677] : memref<16384x768xf32, #tpu.memory_space<hbm>> -> memref<32x768xf32, #tpu.memory_space<hbm>>
    tpu.enqueue_dma source(%arg13 : memref<32x768xf32, #tpu.memory_space<vmem>>) target(%dma_start3A_678 : memref<32x768xf32, #tpu.memory_space<hbm>>) target_semaphore(%arg21 : memref<!tpu.dma_semaphore, #tpu.memory_space<semaphore_mem>>)
    %dma_wait3A_679 = arith.constant 0 : i32
    %dma_wait3A_680 = tpu.memref_slice %arg6[%add3A_650, %dma_wait3A_679] : memref<16384x768xf32, #tpu.memory_space<hbm>> -> memref<32x768xf32, #tpu.memory_space<hbm>>
    %dma_wait3A_681 = arith.constant 0 : i32
    %dma_wait3A_682 = tpu.memref_slice %arg6[%add3A_650, %dma_wait3A_681] : memref<16384x768xf32, #tpu.memory_space<hbm>> -> memref<32x768xf32, #tpu.memory_space<hbm>>
    tpu.wait_dma2 semaphore(%arg19 : memref<!tpu.dma_semaphore, #tpu.memory_space<semaphore_mem>>) src(%arg11 : memref<32x768xf32, #tpu.memory_space<vmem>>) dst(%dma_wait3A_682 : memref<32x768xf32, #tpu.memory_space<hbm>>)
    %dma_start3A_683 = arith.constant 15 : i32
    %dma_start3A_684 = arith.constant 0 : i32
    %dma_start3A_685 = tpu.memref_slice %arg8[%dma_start3A_683, %dma_start3A_684] : memref<16x32xi32, #tpu.memory_space<vmem>> -> memref<1x32xi32, #tpu.memory_space<vmem>>
    %dma_start3A_686 = tpu.memref_squeeze %dma_start3A_685 : memref<1x32xi32, #tpu.memory_space<vmem>> -> memref<32xi32, #tpu.memory_space<vmem>>
    %dma_start3A_687 = arith.constant 0 : i32
    %dma_start3A_688 = arith.constant 0 : i32
    %dma_start3A_689 = tpu.memref_slice %arg2[%dma_start3A_687, %dma_start3A_688] : memref<36864x768xf32, #tpu.memory_space<hbm>> -> memref<36864x768xf32, #tpu.memory_space<hbm>>
    tpu.enqueue_indirect_dma source(%dma_start3A_689 : memref<36864x768xf32, #tpu.memory_space<hbm>>) target(%arg11 : memref<32x768xf32, #tpu.memory_space<vmem>>) offsets(%dma_start3A_686 : memref<32xi32, #tpu.memory_space<vmem>>) semaphore(%arg15 : memref<!tpu.dma_semaphore, #tpu.memory_space<semaphore_mem>>)
    %dma_wait3A_690 = arith.constant 14 : i32
    %dma_wait3A_691 = arith.constant 0 : i32
    %dma_wait3A_692 = tpu.memref_slice %arg8[%dma_wait3A_690, %dma_wait3A_691] : memref<16x32xi32, #tpu.memory_space<vmem>> -> memref<1x32xi32, #tpu.memory_space<vmem>>
    %dma_wait3A_693 = tpu.memref_squeeze %dma_wait3A_692 : memref<1x32xi32, #tpu.memory_space<vmem>> -> memref<32xi32, #tpu.memory_space<vmem>>
    %dma_wait3A_694 = arith.constant 0 : i32
    %dma_wait3A_695 = arith.constant 0 : i32
    %dma_wait3A_696 = tpu.memref_slice %arg2[%dma_wait3A_694, %dma_wait3A_695] : memref<36864x768xf32, #tpu.memory_space<hbm>> -> memref<36864x768xf32, #tpu.memory_space<hbm>>
    tpu.wait_indirect_dma semaphore(%arg14 : memref<!tpu.dma_semaphore, #tpu.memory_space<semaphore_mem>>) src(%dma_wait3A_696 : memref<36864x768xf32, #tpu.memory_space<hbm>>) dst(%arg10 : memref<32x768xf32, #tpu.memory_space<vmem>>)
    %add3A_697 = arith.constant 448 : i32
    %add3A_698 = arith.addi %mul3A_2, %add3A_697 : i32
    %dma_start3A_699 = arith.constant 0 : i32
    %dma_start3A_700 = tpu.memref_slice %arg6[%add3A_698, %dma_start3A_699] : memref<16384x768xf32, #tpu.memory_space<hbm>> -> memref<32x768xf32, #tpu.memory_space<hbm>>
    %dma_start3A_701 = arith.constant 0 : i32
    %dma_start3A_702 = tpu.memref_slice %arg6[%add3A_698, %dma_start3A_701] : memref<16384x768xf32, #tpu.memory_space<hbm>> -> memref<32x768xf32, #tpu.memory_space<hbm>>
    tpu.enqueue_dma source(%arg10 : memref<32x768xf32, #tpu.memory_space<vmem>>) target(%dma_start3A_702 : memref<32x768xf32, #tpu.memory_space<hbm>>) target_semaphore(%arg18 : memref<!tpu.dma_semaphore, #tpu.memory_space<semaphore_mem>>)
    %dma_wait3A_703 = arith.constant 0 : i32
    %dma_wait3A_704 = tpu.memref_slice %arg7[%add3A_674, %dma_wait3A_703] : memref<16384x768xf32, #tpu.memory_space<hbm>> -> memref<32x768xf32, #tpu.memory_space<hbm>>
    %dma_wait3A_705 = arith.constant 0 : i32
    %dma_wait3A_706 = tpu.memref_slice %arg7[%add3A_674, %dma_wait3A_705] : memref<16384x768xf32, #tpu.memory_space<hbm>> -> memref<32x768xf32, #tpu.memory_space<hbm>>
    tpu.wait_dma2 semaphore(%arg21 : memref<!tpu.dma_semaphore, #tpu.memory_space<semaphore_mem>>) src(%arg13 : memref<32x768xf32, #tpu.memory_space<vmem>>) dst(%dma_wait3A_706 : memref<32x768xf32, #tpu.memory_space<hbm>>)
    %dma_start3A_707 = arith.constant 15 : i32
    %dma_start3A_708 = arith.constant 0 : i32
    %dma_start3A_709 = tpu.memref_slice %arg9[%dma_start3A_707, %dma_start3A_708] : memref<16x32xi32, #tpu.memory_space<vmem>> -> memref<1x32xi32, #tpu.memory_space<vmem>>
    %dma_start3A_710 = tpu.memref_squeeze %dma_start3A_709 : memref<1x32xi32, #tpu.memory_space<vmem>> -> memref<32xi32, #tpu.memory_space<vmem>>
    %dma_start3A_711 = arith.constant 0 : i32
    %dma_start3A_712 = arith.constant 0 : i32
    %dma_start3A_713 = tpu.memref_slice %arg3[%dma_start3A_711, %dma_start3A_712] : memref<32768x768xf32, #tpu.memory_space<hbm>> -> memref<32768x768xf32, #tpu.memory_space<hbm>>
    tpu.enqueue_indirect_dma source(%dma_start3A_713 : memref<32768x768xf32, #tpu.memory_space<hbm>>) target(%arg13 : memref<32x768xf32, #tpu.memory_space<vmem>>) offsets(%dma_start3A_710 : memref<32xi32, #tpu.memory_space<vmem>>) semaphore(%arg17 : memref<!tpu.dma_semaphore, #tpu.memory_space<semaphore_mem>>)
    %dma_wait3A_714 = arith.constant 14 : i32
    %dma_wait3A_715 = arith.constant 0 : i32
    %dma_wait3A_716 = tpu.memref_slice %arg9[%dma_wait3A_714, %dma_wait3A_715] : memref<16x32xi32, #tpu.memory_space<vmem>> -> memref<1x32xi32, #tpu.memory_space<vmem>>
    %dma_wait3A_717 = tpu.memref_squeeze %dma_wait3A_716 : memref<1x32xi32, #tpu.memory_space<vmem>> -> memref<32xi32, #tpu.memory_space<vmem>>
    %dma_wait3A_718 = arith.constant 0 : i32
    %dma_wait3A_719 = arith.constant 0 : i32
    %dma_wait3A_720 = tpu.memref_slice %arg3[%dma_wait3A_718, %dma_wait3A_719] : memref<32768x768xf32, #tpu.memory_space<hbm>> -> memref<32768x768xf32, #tpu.memory_space<hbm>>
    tpu.wait_indirect_dma semaphore(%arg16 : memref<!tpu.dma_semaphore, #tpu.memory_space<semaphore_mem>>) src(%dma_wait3A_720 : memref<32768x768xf32, #tpu.memory_space<hbm>>) dst(%arg12 : memref<32x768xf32, #tpu.memory_space<vmem>>)
    %add3A_721 = arith.constant 448 : i32
    %add3A_722 = arith.addi %mul3A_2, %add3A_721 : i32
    %dma_start3A_723 = arith.constant 0 : i32
    %dma_start3A_724 = tpu.memref_slice %arg7[%add3A_722, %dma_start3A_723] : memref<16384x768xf32, #tpu.memory_space<hbm>> -> memref<32x768xf32, #tpu.memory_space<hbm>>
    %dma_start3A_725 = arith.constant 0 : i32
    %dma_start3A_726 = tpu.memref_slice %arg7[%add3A_722, %dma_start3A_725] : memref<16384x768xf32, #tpu.memory_space<hbm>> -> memref<32x768xf32, #tpu.memory_space<hbm>>
    tpu.enqueue_dma source(%arg12 : memref<32x768xf32, #tpu.memory_space<vmem>>) target(%dma_start3A_726 : memref<32x768xf32, #tpu.memory_space<hbm>>) target_semaphore(%arg20 : memref<!tpu.dma_semaphore, #tpu.memory_space<semaphore_mem>>)
    %dma_wait3A_727 = arith.constant 0 : i32
    %dma_wait3A_728 = tpu.memref_slice %arg6[%add3A_698, %dma_wait3A_727] : memref<16384x768xf32, #tpu.memory_space<hbm>> -> memref<32x768xf32, #tpu.memory_space<hbm>>
    %dma_wait3A_729 = arith.constant 0 : i32
    %dma_wait3A_730 = tpu.memref_slice %arg6[%add3A_698, %dma_wait3A_729] : memref<16384x768xf32, #tpu.memory_space<hbm>> -> memref<32x768xf32, #tpu.memory_space<hbm>>
    tpu.wait_dma2 semaphore(%arg18 : memref<!tpu.dma_semaphore, #tpu.memory_space<semaphore_mem>>) src(%arg10 : memref<32x768xf32, #tpu.memory_space<vmem>>) dst(%dma_wait3A_730 : memref<32x768xf32, #tpu.memory_space<hbm>>)
    %dma_wait3A_731 = arith.constant 15 : i32
    %dma_wait3A_732 = arith.constant 0 : i32
    %dma_wait3A_733 = tpu.memref_slice %arg8[%dma_wait3A_731, %dma_wait3A_732] : memref<16x32xi32, #tpu.memory_space<vmem>> -> memref<1x32xi32, #tpu.memory_space<vmem>>
    %dma_wait3A_734 = tpu.memref_squeeze %dma_wait3A_733 : memref<1x32xi32, #tpu.memory_space<vmem>> -> memref<32xi32, #tpu.memory_space<vmem>>
    %dma_wait3A_735 = arith.constant 0 : i32
    %dma_wait3A_736 = arith.constant 0 : i32
    %dma_wait3A_737 = tpu.memref_slice %arg2[%dma_wait3A_735, %dma_wait3A_736] : memref<36864x768xf32, #tpu.memory_space<hbm>> -> memref<36864x768xf32, #tpu.memory_space<hbm>>
    tpu.wait_indirect_dma semaphore(%arg15 : memref<!tpu.dma_semaphore, #tpu.memory_space<semaphore_mem>>) src(%dma_wait3A_737 : memref<36864x768xf32, #tpu.memory_space<hbm>>) dst(%arg11 : memref<32x768xf32, #tpu.memory_space<vmem>>)
    %add3A_738 = arith.constant 480 : i32
    %add3A_739 = arith.addi %mul3A_2, %add3A_738 : i32
    %dma_start3A_740 = arith.constant 0 : i32
    %dma_start3A_741 = tpu.memref_slice %arg6[%add3A_739, %dma_start3A_740] : memref<16384x768xf32, #tpu.memory_space<hbm>> -> memref<32x768xf32, #tpu.memory_space<hbm>>
    %dma_start3A_742 = arith.constant 0 : i32
    %dma_start3A_743 = tpu.memref_slice %arg6[%add3A_739, %dma_start3A_742] : memref<16384x768xf32, #tpu.memory_space<hbm>> -> memref<32x768xf32, #tpu.memory_space<hbm>>
    tpu.enqueue_dma source(%arg11 : memref<32x768xf32, #tpu.memory_space<vmem>>) target(%dma_start3A_743 : memref<32x768xf32, #tpu.memory_space<hbm>>) target_semaphore(%arg19 : memref<!tpu.dma_semaphore, #tpu.memory_space<semaphore_mem>>)
    %dma_wait3A_744 = arith.constant 0 : i32
    %dma_wait3A_745 = tpu.memref_slice %arg7[%add3A_722, %dma_wait3A_744] : memref<16384x768xf32, #tpu.memory_space<hbm>> -> memref<32x768xf32, #tpu.memory_space<hbm>>
    %dma_wait3A_746 = arith.constant 0 : i32
    %dma_wait3A_747 = tpu.memref_slice %arg7[%add3A_722, %dma_wait3A_746] : memref<16384x768xf32, #tpu.memory_space<hbm>> -> memref<32x768xf32, #tpu.memory_space<hbm>>
    tpu.wait_dma2 semaphore(%arg20 : memref<!tpu.dma_semaphore, #tpu.memory_space<semaphore_mem>>) src(%arg12 : memref<32x768xf32, #tpu.memory_space<vmem>>) dst(%dma_wait3A_747 : memref<32x768xf32, #tpu.memory_space<hbm>>)
    %dma_wait3A_748 = arith.constant 15 : i32
    %dma_wait3A_749 = arith.constant 0 : i32
    %dma_wait3A_750 = tpu.memref_slice %arg9[%dma_wait3A_748, %dma_wait3A_749] : memref<16x32xi32, #tpu.memory_space<vmem>> -> memref<1x32xi32, #tpu.memory_space<vmem>>
    %dma_wait3A_751 = tpu.memref_squeeze %dma_wait3A_750 : memref<1x32xi32, #tpu.memory_space<vmem>> -> memref<32xi32, #tpu.memory_space<vmem>>
    %dma_wait3A_752 = arith.constant 0 : i32
    %dma_wait3A_753 = arith.constant 0 : i32
    %dma_wait3A_754 = tpu.memref_slice %arg3[%dma_wait3A_752, %dma_wait3A_753] : memref<32768x768xf32, #tpu.memory_space<hbm>> -> memref<32768x768xf32, #tpu.memory_space<hbm>>
    tpu.wait_indirect_dma semaphore(%arg17 : memref<!tpu.dma_semaphore, #tpu.memory_space<semaphore_mem>>) src(%dma_wait3A_754 : memref<32768x768xf32, #tpu.memory_space<hbm>>) dst(%arg13 : memref<32x768xf32, #tpu.memory_space<vmem>>)
    %add3A_755 = arith.constant 480 : i32
    %add3A_756 = arith.addi %mul3A_2, %add3A_755 : i32
    %dma_start3A_757 = arith.constant 0 : i32
    %dma_start3A_758 = tpu.memref_slice %arg7[%add3A_756, %dma_start3A_757] : memref<16384x768xf32, #tpu.memory_space<hbm>> -> memref<32x768xf32, #tpu.memory_space<hbm>>
    %dma_start3A_759 = arith.constant 0 : i32
    %dma_start3A_760 = tpu.memref_slice %arg7[%add3A_756, %dma_start3A_759] : memref<16384x768xf32, #tpu.memory_space<hbm>> -> memref<32x768xf32, #tpu.memory_space<hbm>>
    tpu.enqueue_dma source(%arg13 : memref<32x768xf32, #tpu.memory_space<vmem>>) target(%dma_start3A_760 : memref<32x768xf32, #tpu.memory_space<hbm>>) target_semaphore(%arg21 : memref<!tpu.dma_semaphore, #tpu.memory_space<semaphore_mem>>)
    %dma_wait3A_761 = arith.constant 0 : i32
    %dma_wait3A_762 = tpu.memref_slice %arg6[%add3A_739, %dma_wait3A_761] : memref<16384x768xf32, #tpu.memory_space<hbm>> -> memref<32x768xf32, #tpu.memory_space<hbm>>
    %dma_wait3A_763 = arith.constant 0 : i32
    %dma_wait3A_764 = tpu.memref_slice %arg6[%add3A_739, %dma_wait3A_763] : memref<16384x768xf32, #tpu.memory_space<hbm>> -> memref<32x768xf32, #tpu.memory_space<hbm>>
    tpu.wait_dma2 semaphore(%arg19 : memref<!tpu.dma_semaphore, #tpu.memory_space<semaphore_mem>>) src(%arg11 : memref<32x768xf32, #tpu.memory_space<vmem>>) dst(%dma_wait3A_764 : memref<32x768xf32, #tpu.memory_space<hbm>>)
    %dma_wait3A_765 = arith.constant 0 : i32
    %dma_wait3A_766 = tpu.memref_slice %arg7[%add3A_756, %dma_wait3A_765] : memref<16384x768xf32, #tpu.memory_space<hbm>> -> memref<32x768xf32, #tpu.memory_space<hbm>>
    %dma_wait3A_767 = arith.constant 0 : i32
    %dma_wait3A_768 = tpu.memref_slice %arg7[%add3A_756, %dma_wait3A_767] : memref<16384x768xf32, #tpu.memory_space<hbm>> -> memref<32x768xf32, #tpu.memory_space<hbm>>
    tpu.wait_dma2 semaphore(%arg21 : memref<!tpu.dma_semaphore, #tpu.memory_space<semaphore_mem>>) src(%arg13 : memref<32x768xf32, #tpu.memory_space<vmem>>) dst(%dma_wait3A_768 : memref<32x768xf32, #tpu.memory_space<hbm>>)
    return
  }
}

module attributes {stable_mosaic.version = 14 : i64} {
  func.func @_dots_body(%arg0: i32, %arg1: i32, %arg2: memref<1x1024x768xf32, #tpu.memory_space<vmem>>, %arg3: memref<768x768xf32, #tpu.memory_space<vmem>>, %arg4: memref<1x4x192xf32, #tpu.memory_space<vmem>>, %arg5: memref<1x4x1024xf32, #tpu.memory_space<vmem>>, %arg6: memref<1x1024x768xf32, #tpu.memory_space<vmem>>) attributes {dimension_semantics = [#tpu.dimension_semantics<arbitrary>, #tpu.dimension_semantics<arbitrary>], iteration_bounds = array<i64: 4, 9>, scalar_prefetch = 0 : i64, scratch_operands = 0 : i64, tpu.core_type = #tpu.core_type<tc>, window_params = [{transform_indices = @transform_0, window_bounds = array<i64: 1, 1024, 768>}, {pipeline_mode = #tpu.pipeline_mode<synchronous>, transform_indices = @transform_1, window_bounds = array<i64: 768, 768>}, {transform_indices = @transform_2, window_bounds = array<i64: 1, 4, 192>}, {transform_indices = @transform_3, window_bounds = array<i64: 1, 4, 1024>}, {transform_indices = @transform_4, window_bounds = array<i64: 1, 1024, 768>}]} {
    %get3A = arith.constant 0 : index
    %get3A_0 = arith.constant 0 : index
    %get3A_1 = arith.constant 0 : index
    %get3A_2 = vector.load %arg2[%get3A, %get3A_0, %get3A_1] : memref<1x1024x768xf32, #tpu.memory_space<vmem>>, vector<1x1024x768xf32>
    %get3A_3 = vector.shape_cast %get3A_2 : vector<1x1024x768xf32> to vector<1024x768xf32>
    %swap3A = arith.constant 0 : index
    %swap3A_4 = arith.constant 0 : index
    %swap3A_5 = arith.constant 0 : index
    %swap3A_6 = vector.load %arg6[%swap3A, %swap3A_4, %swap3A_5] : memref<1x1024x768xf32, #tpu.memory_space<vmem>>, vector<1x1024x768xf32>
    %swap3A_7 = vector.shape_cast %swap3A_6 : vector<1x1024x768xf32> to vector<1024x768xf32>
    %swap3A_8 = vector.shape_cast %get3A_3 : vector<1024x768xf32> to vector<1x1024x768xf32>
    tpu.vector_store %arg6[%swap3A, %swap3A_4, %swap3A_5], %swap3A_8 {strides = array<i32>} : memref<1x1024x768xf32, #tpu.memory_space<vmem>>, vector<1x1024x768xf32>,
    %get3A_9 = arith.constant 0 : index
    %get3A_10 = arith.constant 0 : index
    %get3A_11 = vector.load %arg3[%get3A_9, %get3A_10] : memref<768x768xf32, #tpu.memory_space<vmem>>, vector<768x768xf32>
    %dot_general3A = arith.constant dense<0.000000e+00> : vector<1024x768xf32>
    %dot_general3A_12 = tpu.matmul %get3A_3, %get3A_11, %dot_general3A {dimension_numbers = #tpu.dot_dimension_numbers<[1], [1], [0], [0], [0, 0, 1, 0], [], []>, transpose_lhs_hint = false} : vector<1024x768xf32>, vector<768x768xf32>, vector<1024x768xf32> -> vector<1024x768xf32>
    %slice3A = vector.extract_strided_slice %dot_general3A_12 {offsets = [0, 0], sizes = [1024, 192], strides = [1, 1]} : vector<1024x768xf32> to vector<1024x192xf32>
    %get3A_13 = arith.constant 0 : index
    %get3A_14 = arith.constant 0 : index
    %get3A_15 = arith.constant 0 : index
    %get3A_16 = vector.load %arg4[%get3A_13, %get3A_14, %get3A_15] : memref<1x4x192xf32, #tpu.memory_space<vmem>>, vector<1x1x192xf32>
    %get3A_17 = vector.shape_cast %get3A_16 : vector<1x1x192xf32> to vector<192xf32>
    %reshape3A = vector.shape_cast %get3A_17 : vector<192xf32> to vector<1x192xf32>
    %dot_general3A_18 = arith.constant dense<0.000000e+00> : vector<1x1024xf32>
    %dot_general3A_19 = tpu.matmul %reshape3A, %slice3A, %dot_general3A_18 {dimension_numbers = #tpu.dot_dimension_numbers<[1], [1], [0], [0], [0, 0, 1, 0], [], []>, transpose_lhs_hint = false} : vector<1x192xf32>, vector<1024x192xf32>, vector<1x1024xf32> -> vector<1x1024xf32>
    %squeeze3A = vector.shape_cast %dot_general3A_19 : vector<1x1024xf32> to vector<1024xf32>
    %swap3A_20 = arith.constant 0 : index
    %swap3A_21 = arith.constant 0 : index
    %swap3A_22 = arith.constant 0 : index
    %swap3A_23 = vector.load %arg5[%swap3A_20, %swap3A_21, %swap3A_22] : memref<1x4x1024xf32, #tpu.memory_space<vmem>>, vector<1x1x1024xf32>
    %swap3A_24 = vector.shape_cast %swap3A_23 : vector<1x1x1024xf32> to vector<1024xf32>
    %swap3A_25 = vector.shape_cast %squeeze3A : vector<1024xf32> to vector<1x1x1024xf32>
    tpu.vector_store %arg5[%swap3A_20, %swap3A_21, %swap3A_22], %swap3A_25 {strides = array<i32>} : memref<1x4x1024xf32, #tpu.memory_space<vmem>>, vector<1x1x1024xf32>,
    %slice3A_26 = vector.extract_strided_slice %dot_general3A_12 {offsets = [0, 192], sizes = [1024, 192], strides = [1, 1]} : vector<1024x768xf32> to vector<1024x192xf32>
    %get3A_27 = arith.constant 0 : index
    %get3A_28 = arith.constant 1 : index
    %get3A_29 = arith.constant 0 : index
    %get3A_30 = vector.load %arg4[%get3A_27, %get3A_28, %get3A_29] : memref<1x4x192xf32, #tpu.memory_space<vmem>>, vector<1x1x192xf32>
    %get3A_31 = vector.shape_cast %get3A_30 : vector<1x1x192xf32> to vector<192xf32>
    %reshape3A_32 = vector.shape_cast %get3A_31 : vector<192xf32> to vector<1x192xf32>
    %dot_general3A_33 = arith.constant dense<0.000000e+00> : vector<1x1024xf32>
    %dot_general3A_34 = tpu.matmul %reshape3A_32, %slice3A_26, %dot_general3A_33 {dimension_numbers = #tpu.dot_dimension_numbers<[1], [1], [0], [0], [0, 0, 1, 0], [], []>, transpose_lhs_hint = false} : vector<1x192xf32>, vector<1024x192xf32>, vector<1x1024xf32> -> vector<1x1024xf32>
    %squeeze3A_35 = vector.shape_cast %dot_general3A_34 : vector<1x1024xf32> to vector<1024xf32>
    %swap3A_36 = arith.constant 0 : index
    %swap3A_37 = arith.constant 1 : index
    %swap3A_38 = arith.constant 0 : index
    %swap3A_39 = vector.load %arg5[%swap3A_36, %swap3A_37, %swap3A_38] : memref<1x4x1024xf32, #tpu.memory_space<vmem>>, vector<1x1x1024xf32>
    %swap3A_40 = vector.shape_cast %swap3A_39 : vector<1x1x1024xf32> to vector<1024xf32>
    %swap3A_41 = vector.shape_cast %squeeze3A_35 : vector<1024xf32> to vector<1x1x1024xf32>
    tpu.vector_store %arg5[%swap3A_36, %swap3A_37, %swap3A_38], %swap3A_41 {strides = array<i32>} : memref<1x4x1024xf32, #tpu.memory_space<vmem>>, vector<1x1x1024xf32>,
    %slice3A_42 = vector.extract_strided_slice %dot_general3A_12 {offsets = [0, 384], sizes = [1024, 192], strides = [1, 1]} : vector<1024x768xf32> to vector<1024x192xf32>
    %get3A_43 = arith.constant 0 : index
    %get3A_44 = arith.constant 2 : index
    %get3A_45 = arith.constant 0 : index
    %get3A_46 = vector.load %arg4[%get3A_43, %get3A_44, %get3A_45] : memref<1x4x192xf32, #tpu.memory_space<vmem>>, vector<1x1x192xf32>
    %get3A_47 = vector.shape_cast %get3A_46 : vector<1x1x192xf32> to vector<192xf32>
    %reshape3A_48 = vector.shape_cast %get3A_47 : vector<192xf32> to vector<1x192xf32>
    %dot_general3A_49 = arith.constant dense<0.000000e+00> : vector<1x1024xf32>
    %dot_general3A_50 = tpu.matmul %reshape3A_48, %slice3A_42, %dot_general3A_49 {dimension_numbers = #tpu.dot_dimension_numbers<[1], [1], [0], [0], [0, 0, 1, 0], [], []>, transpose_lhs_hint = false} : vector<1x192xf32>, vector<1024x192xf32>, vector<1x1024xf32> -> vector<1x1024xf32>
    %squeeze3A_51 = vector.shape_cast %dot_general3A_50 : vector<1x1024xf32> to vector<1024xf32>
    %swap3A_52 = arith.constant 0 : index
    %swap3A_53 = arith.constant 2 : index
    %swap3A_54 = arith.constant 0 : index
    %swap3A_55 = vector.load %arg5[%swap3A_52, %swap3A_53, %swap3A_54] : memref<1x4x1024xf32, #tpu.memory_space<vmem>>, vector<1x1x1024xf32>
    %swap3A_56 = vector.shape_cast %swap3A_55 : vector<1x1x1024xf32> to vector<1024xf32>
    %swap3A_57 = vector.shape_cast %squeeze3A_51 : vector<1024xf32> to vector<1x1x1024xf32>
    tpu.vector_store %arg5[%swap3A_52, %swap3A_53, %swap3A_54], %swap3A_57 {strides = array<i32>} : memref<1x4x1024xf32, #tpu.memory_space<vmem>>, vector<1x1x1024xf32>,
    %slice3A_58 = vector.extract_strided_slice %dot_general3A_12 {offsets = [0, 576], sizes = [1024, 192], strides = [1, 1]} : vector<1024x768xf32> to vector<1024x192xf32>
    %get3A_59 = arith.constant 0 : index
    %get3A_60 = arith.constant 3 : index
    %get3A_61 = arith.constant 0 : index
    %get3A_62 = vector.load %arg4[%get3A_59, %get3A_60, %get3A_61] : memref<1x4x192xf32, #tpu.memory_space<vmem>>, vector<1x1x192xf32>
    %get3A_63 = vector.shape_cast %get3A_62 : vector<1x1x192xf32> to vector<192xf32>
    %reshape3A_64 = vector.shape_cast %get3A_63 : vector<192xf32> to vector<1x192xf32>
    %dot_general3A_65 = arith.constant dense<0.000000e+00> : vector<1x1024xf32>
    %dot_general3A_66 = tpu.matmul %reshape3A_64, %slice3A_58, %dot_general3A_65 {dimension_numbers = #tpu.dot_dimension_numbers<[1], [1], [0], [0], [0, 0, 1, 0], [], []>, transpose_lhs_hint = false} : vector<1x192xf32>, vector<1024x192xf32>, vector<1x1024xf32> -> vector<1x1024xf32>
    %squeeze3A_67 = vector.shape_cast %dot_general3A_66 : vector<1x1024xf32> to vector<1024xf32>
    %swap3A_68 = arith.constant 0 : index
    %swap3A_69 = arith.constant 3 : index
    %swap3A_70 = arith.constant 0 : index
    %swap3A_71 = vector.load %arg5[%swap3A_68, %swap3A_69, %swap3A_70] : memref<1x4x1024xf32, #tpu.memory_space<vmem>>, vector<1x1x1024xf32>
    %swap3A_72 = vector.shape_cast %swap3A_71 : vector<1x1x1024xf32> to vector<1024xf32>
    %swap3A_73 = vector.shape_cast %squeeze3A_67 : vector<1024xf32> to vector<1x1x1024xf32>
    tpu.vector_store %arg5[%swap3A_68, %swap3A_69, %swap3A_70], %swap3A_73 {strides = array<i32>} : memref<1x4x1024xf32, #tpu.memory_space<vmem>>, vector<1x1x1024xf32>,
    return
  }
  func.func @transform_0(%arg0: i32, %arg1: i32) -> (i32, i32, i32) {
    %c0_i32 = arith.constant 0 : i32
    %c0_i32_0 = arith.constant 0 : i32
    return %arg0, %arg1, %c0_i32 : i32, i32, i32
  }
  func.func @transform_1(%arg0: i32, %arg1: i32) -> (i32, i32) {
    %c0_i32 = arith.constant 0 : i32
    %c0_i32_0 = arith.constant 0 : i32
    %c0_i32_1 = arith.constant 0 : i32
    return %c0_i32, %c0_i32_0 : i32, i32
  }
  func.func @transform_2(%arg0: i32, %arg1: i32) -> (i32, i32, i32) {
    %c0_i32 = arith.constant 0 : i32
    %c0_i32_0 = arith.constant 0 : i32
    %c0_i32_1 = arith.constant 0 : i32
    return %arg0, %c0_i32, %c0_i32_0 : i32, i32, i32
  }
  func.func @transform_3(%arg0: i32, %arg1: i32) -> (i32, i32, i32) {
    %c0_i32 = arith.constant 0 : i32
    %c0_i32_0 = arith.constant 0 : i32
    return %arg0, %c0_i32, %arg1 : i32, i32, i32
  }
  func.func @transform_4(%arg0: i32, %arg1: i32) -> (i32, i32, i32) {
    %c0_i32 = arith.constant 0 : i32
    %c0_i32_0 = arith.constant 0 : i32
    return %arg0, %arg1, %c0_i32 : i32, i32, i32
  }
}

</mosaic_0001>

<sc_bundles>
// kernel: kernel.4.cloned.1.call-start
scs
__scs_entry_jumppad:
0x0: {  	(pc) =	sbr.rel $0x88, $3  }
0x1: {  	(tag) =	ssettag $0x0;
	lr =	simm.s32 $0x1  }
0x2: {  	[smem:$0x3F9D] =	sst lr;
	_ =	strace $0xD0000000  }
0x3: {  	_ = 	snop  }
0x4: {  	_ = 	snop  }
0x5: {  	_ = 	snop  }
0x6: {  	_ = 	snop  }
0x7: {  	_ = 	snop  }
__scs_overlays_trampoline_lowered:
0x8: {  	[smem:$0x3FAC] =	sst s0  }
0x9: {  	[smem:$0x3FAD] =	sst s1  }
0xa: {  	[smem:$0x3FAE] =	sst s2  }
0xb: {  	[smem:$0x3FAF] =	sst s3  }
0xc: {  	[smem:$0x3FB0] =	sst s4  }
0xd: {  	[smem:$0x3FB1] =	sst s5  }
0xe: {  	[smem:$0x3FB2] =	sst s6  }
0xf: {  	[smem:$0x3FB3] =	sst s7  }
0x10: {  	[smem:$0x3FB4] =	sst s8  }
0x11: {  	[smem:$0x3FB5] =	sst s9;
	s0 =	simm.s32 @!p0 $0x0  }
0x12: {  	s1 =	sld [smem:$0x3F9B];
	s0 =	simm.s32 @p0 $0x1  }
0x13: {  	[smem:$0x3FB6] =	sst s0;
	s0 =	simm.s32 @!p1 $0x0  }
0x14: {  	s2 =	sld [smem:$0x3F9A];
	s0 =	simm.s32 @p1 $0x1  }
0x15: {  	[smem:$0x3FB7] =	sst s0;
	s0 =	simm.s32 @!p2 $0x0  }
0x16: {  	s3 =	sld [smem:$0x3FDB];
	s0 =	simm.s32 @p2 $0x1  }
0x17: {  	s4 =	simm.s32 $0x1BF5;
	[smem:$0x3FB9] =	sst s0  }
0x18: {  	s0 =	sld [smem:$0x3F9C];
	_ =	swait.ge [sflag:s4], $0x0  }
0x19: {  	s7 =	sld [smem:$0x3F9D]  }
0x1a: {  	s8 =	sadd.s32 $0xFFFFE003, lr  }
0x1b: {  	s9 =	sadd.s32 $0xFFFFFEF7, lr;
	s5 =	simm.s32 $0xFFFFFFFF;
	p2 =	slt.u32 s8, $0xFFFFF086  }
0x1c: {  	p1 =	slt.u32 s9, $0xF7A;
	s5 =	simm.s32 @!p2 $0x0  }
0x1d: {  	s5 =	simm.s32 @p1 $0x1;
	p0 =	seq.s32 s7, s2  }
0x1e: {  	s7 =	smul.u32 @!p0 $0xF7A, s2;
	p2 =	seq.s32 @!p0 s5, $0x0  }
0x1f: {  	s9 =	smul.u32 $0xF7A, s1;
	s8 =	simm.s32 @!p0 $0x1BF5;
	p2 =	por !p2, p0  }
0x20: {  	[sflag:s8] =	ssyncset.s32 @!p0 $0xFFFFF086;
	s6 =	sadd.s32 @!p0 s3, s7;
	s7 =	simm.s32 @!p0 $0x108  }
0x21: {  	s3 =	sadd.s32 s3, s9;
	s6 =	sadd.s32 @!p0 $0x88, s6;
	s7 =	simm.s32 @p2 $0x1082  }
0x22: {  	[simem:s7], [sflag:s8] =	dma.local @!p0 [hbm:s6], $0xF7A  }
0x23: {  	s9 =	sor.u32 $0xD0000000, s2;
	s6 =	simm.s32 $0x108;
	_ =	swait.ge @!p0 [sflag:s8], $0x0  }
0x24: {  	s3 =	sadd.s32 $0x88, s3;
	s6 =	simm.s32 @!p1 $0x1082;
	[sflag:s4] =	ssyncset.s32 $0xFFFFF086  }
0x25: {  	[simem:s6], [sflag:s4] =	dma.local [hbm:s3], $0xF7A  }
0x26: {  	[smem:$0x3F9D] =	sst s1;
	(tag) =	ssettag s2;
	_ =	strace s9  }
0x27: {  	s1 =	sld [smem:$0x3FAD]  }
0x28: {  	s2 =	sld [smem:$0x3FAE]  }
0x29: {  	s4 =	sld [smem:$0x3FB0]  }
0x2a: {  	p0 =	seq.s32 s5, $0x0;
	s5 =	sld [smem:$0x3FB1]  }
0x2b: {  	s6 =	sld [smem:$0x3FB2]  }
0x2c: {  	s7 =	sld [smem:$0x3FB3]  }
0x2d: {  	s3 =	simm.s32 $0x108;
	s8 =	sld [smem:$0x3FB4]  }
0x2e: {  	s3 =	simm.s32 @!p0 $0x1082;
	s9 =	sld [smem:$0x3FB5]  }
0x2f: {  	lr =	sadd.s32 s0, s3;
	s0 =	sld [smem:$0x3FAC]  }
0x30: {  	s3 =	sld [smem:$0x3FAF]  }
0x31: {  	[smem:$0x3FB8] =	sst s10  }
0x32: {  	s10 =	sld [smem:$0x3FB6];
	_ =	sdelay $0x3  }
0x33: {  	p0 =	seq.s32 s10, $0x1;
	s10 =	sld [smem:$0x3FB8];
	_ =	sdelay $0x3  }
0x34: {  	[smem:$0x3FB8] =	sst s10  }
0x35: {  	s10 =	sld [smem:$0x3FB7];
	_ =	sdelay $0x3  }
0x36: {  	p1 =	seq.s32 s10, $0x1;
	s10 =	sld [smem:$0x3FB8];
	_ =	sdelay $0x3  }
0x37: {  	[smem:$0x3FB8] =	sst s10  }
0x38: {  	s10 =	sld [smem:$0x3FB9]  }
0x39: {  	_ = 	snop;
	(pc) =	sbr.ind lr, $3  }
0x3a: {  	_ = 	snop  }
0x3b: {  	_ = 	snop  }
0x3c: {  	p2 =	seq.s32 s10, $0x1;
	s10 =	sld [smem:$0x3FB8]  }
0x3d: {  	_ =	shalt  }
0x3e: {  	_ =	shalt  }
0x3f: {  	_ =	shalt  }
0x40: {  	_ =	shalt  }
0x41: {  	_ =	shalt  }
0x42: {  	_ =	shalt  }
0x43: {  	_ =	shalt  }
0x44: {  	_ =	shalt  }
0x45: {  	_ =	shalt  }
0x46: {  	_ =	shalt  }
0x47: {  	_ =	shalt  }
0x48: {  	_ =	shalt  }
0x49: {  	_ =	shalt  }
0x4a: {  	_ =	shalt  }
0x4b: {  	_ =	shalt  }
0x4c: {  	_ =	shalt  }
0x4d: {  	_ =	shalt  }
0x4e: {  	_ =	shalt  }
0x4f: {  	_ =	shalt  }
0x50: {  	_ =	shalt  }
0x51: {  	_ =	shalt  }
0x52: {  	_ =	shalt  }
0x53: {  	_ =	shalt  }
0x54: {  	_ =	shalt  }
0x55: {  	_ =	shalt  }
0x56: {  	_ =	shalt  }
0x57: {  	_ =	shalt  }
0x58: {  	_ =	shalt  }
0x59: {  	_ =	shalt  }
0x5a: {  	_ =	shalt  }
0x5b: {  	_ =	shalt  }
0x5c: {  	_ =	shalt  }
0x5d: {  	_ =	shalt  }
0x5e: {  	_ =	shalt  }
0x5f: {  	_ =	shalt  }
0x60: {  	_ =	shalt  }
0x61: {  	_ =	shalt  }
0x62: {  	_ =	shalt  }
0x63: {  	_ =	shalt  }
0x64: {  	_ =	shalt  }
0x65: {  	_ =	shalt  }
0x66: {  	_ =	shalt  }
0x67: {  	_ =	shalt  }
0x68: {  	_ =	shalt  }
0x69: {  	_ =	shalt  }
0x6a: {  	_ =	shalt  }
0x6b: {  	_ =	shalt  }
0x6c: {  	_ =	shalt  }
0x6d: {  	_ =	shalt  }
0x6e: {  	_ =	shalt  }
0x6f: {  	_ =	shalt  }
0x70: {  	_ =	shalt  }
0x71: {  	_ =	shalt  }
0x72: {  	_ =	shalt  }
0x73: {  	_ =	shalt  }
0x74: {  	_ =	shalt  }
0x75: {  	_ =	shalt  }
0x76: {  	_ =	shalt  }
0x77: {  	_ =	shalt  }
0x78: {  	_ =	shalt  }
0x79: {  	_ =	shalt  }
0x7a: {  	_ =	shalt  }
0x7b: {  	_ =	shalt  }
0x7c: {  	_ =	shalt  }
0x7d: {  	_ =	shalt  }
0x7e: {  	_ =	shalt  }
0x7f: {  	_ =	shalt  }
0x80: {  	_ =	shalt  }
0x81: {  	_ =	shalt  }
0x82: {  	_ =	shalt  }
0x83: {  	_ =	shalt  }
0x84: {  	_ =	shalt  }
0x85: {  	_ =	shalt  }
0x86: {  	_ =	shalt  }
0x87: {  	_ =	shalt  }
.Lfunc_end0:
.L_simem_size_0:
called_computation_lowered:
.L_overlay_start_0:
0x88: {  	s2 =	sld [smem:$0x3FD9]  }
0x89: {  	s3 =	sld [smem:$0x3FFE];
	_ =	sdelay $0x1  }
0x8a: {  	s1 =	srdreg.scid  }
0x8b: {  	s0 =	sand.u32 $0x1, s1  }
0x8c: {  	s14 =	sshll.u32 s0, $0xA;
	s2 =	sadd.s32 s3, s2  }
0x8d: {  	s2 =	sadd.s32 s2, s14  }
0x8e: {  	[smem:$0x3FC4] =	sst s2  }
0x8f: {  	_ = 	snop  }
0x90: {  	s2 =	sld [smem:$0x3FD0];
	_ =	sdelay $0x2  }
0x91: {  	s4 =	simm.s32 $0xA;
	s5 =	simm.s32 $0x10;
	s15 =	sld [smem:$0x3FC8]  }
0x92: {  	[smem:s5], [sflag:s4] =	dma.local [hbm:s2], $0x1  }
0x93: {  	_ =	swait.eq [sflag:s4], $0x1  }
0x94: {  	[sflag:s4] =	ssyncset.done $0x0  }
0x95: {  	s16 =	sld [smem:$0x10];
	[sflag:s4] =	ssyncadd.s32 $0xFFFFFFFF  }
0x96: {  	s17 =	sld [smem:$0x11];
	(tm) =	ssettm $0x1  }
0x97: {  	s18 =	sld [smem:$0x3FFB];
	_ =	sdelay $0x3  }
0x98: {  	_ =	strace s18  }
0x99: {  	s5 =	sld [smem:$0x3FFC];
	_ =	sdelay $0x3  }
0x9a: {  	_ =	strace s5  }
0x9b: {  	s5 =	sld [smem:$0x3FFD];
	_ =	sdelay $0x3  }
0x9c: {  	_ =	strace s5  }
0x9d: {  	_ =	strace $0x8FFFFFFF  }
0x9e: {  	s19 =	sld [smem:$0x3FDB];
	_ =	sdelay $0x1  }
0x9f: {  	s6 =	simm.s32 $_scs_section_size  }
0xa0: {  	s7 =	simm.s32 $_size__tile_overlayer_lowered;
	s8 =	simm.s32 $_tile_overlayer_lowered  }
0xa1: {  	s22 =	simm.s32 $0x1BFF;
	s21 =	sshll.u32 s8, $0x1;
	s5 =	sadd.s32 s6, s19  }
0xa2: {  	s9 =	simm.s32 $0x0;
	s20 =	sshll.u32 s7, $0x1;
	s7 =	sadd.s32 s21, s5  }
0xa3: {  	[timem:s9], [sflag:s22] =	dma.local [hbm:s7], s20  }
0xa4: {  	_ =	swait.ge [sflag:s22], s20  }
0xa5: {  	s6 =	ssub.s32 $0x0, s20;
	[sflag:s22] =	ssyncset.done $0x0  }
0xa6: {  	[sflag:s22] =	ssyncadd.s32 s6;
	_ =	sdelay $0x1  }
0xa7: {  	s23 =	simm.s32 $0x1B8B  }
0xa8: {  	_ =	swait.ge [sflag:s23], $0x1  }
0xa9: {  	[sflag:s23] =	ssyncset.done $0x0  }
0xaa: {  	s25 =	simm.s32 $0x1B8E;
	s24 =	sld [smem:$0x3FFE];
	[sflag:s23] =	ssyncadd.s32 $0xFFFFFFFF  }
0xab: {  	s26 =	simm.s32 $execute0_lowered;
	[smem:$0x3FD2] =	sst s25  }
0xac: {  	s7 =	sshll.u32 s26, $0x1;
	_ =	strace $0x80000046;
	[dreg:$0x1] =	wrdreg $0xFFFFFFFF  }
0xad: {  	s28 =	simm.s32 $_size_execute0_lowered;
	s5 =	sadd.s32 s5, s7;
	[dreg:$0x0] =	wrdreg $0x0  }
0xae: {  	s7 =	sshll.u32 s28, $0x1;
	[dreg:$0x2] =	wrdreg s5  }
0xaf: {  	[dreg:$0x3] =	wrdreg s7  }
0xb0: {  	[dreg:$0x4] =	wrdreg $0xC0  }
0xb1: {  	_ =	task [dreg:s9], $0x5FFFF  }
0xb2: {  	[dreg:$0x1] =	wrdreg $0xFFFFFFFF  }
0xb3: {  	[dreg:$0x0] =	wrdreg $0x60  }
0xb4: {  	[dreg:$0x2] =	wrdreg s24  }
0xb5: {  	[dreg:$0x3] =	wrdreg s15  }
0xb6: {  	[dreg:$0x4] =	wrdreg s16  }
0xb7: {  	[dreg:$0x5] =	wrdreg s17  }
0xb8: {  	[dreg:$0x6] =	wrdreg $0x9  }
0xb9: {  	_ =	task.clear_ibuf [dreg:s9], $0x7FFFF;
	_ =	strace $0x90000046  }
0xba: {  	s29 =	simm.s32 $0x9;
	_ =	strace $0x80000048  }
0xbb: {  	_ =	swait.ge [sflag:s29], $0x1  }
0xbc: {  	[sflag:s29] =	ssyncadd.s32 $0xFFFFFFFF  }
0xbd: {  	_ =	strace $0x90000048  }
0xbe: {  	_ =	sfence  }
0xbf: {  	s30 =	sld [smem:$0x0];
	_ =	sdelay $0x2  }
0xc0: {  	s31 =	sshll.u32 s1, $0xD;
	s1 =	sshrl.u32 s1, $0x2  }
0xc1: {  	s3 =	sand.u32 $0x4000, s31;
	s1 =	sadd.s32 s1, s30  }
0xc2: {  	s0 =	sor.u32 s3, s0;
	s1 =	sshll.u32 s1, $0x11  }
0xc3: {  	s0 =	sor.u32 s1, s0  }
0xc4: {  	s0 =	sadd.s32 $0x8F2B, s0  }
0xc5: {  	[sflag:s0] =	ssyncadd.remote.s32 $0x1  }
0xc6: {  	_ =	sfence.sel $0xFFFF  }
0xc7: {  	[dreg:$0x0] =	wrdreg $0xFFFFFFFF;
	(pc) =	sbr.abs _section_cstart, $3  }
0xc8: {  	[dreg:$0x1] =	wrdreg $0xFFFFFFFF  }
0xc9: {  	_ =	task.clear_ibuf [dreg:s9], $0x2FFFF;
	_ =	strace $0x9FFFFFFF  }
0xca: {  	(tm) =	ssettm $0x7FFFFFFF  }
0xcb: {  	_ =	shalt  }
tec
execute0_lowered:
.L_overlay_start_1:
0x0: {  	(tag) =	ssettag $0x1  }
0x1: {  	s0 =	rddreg [dreg:$0x0]  }
0x2: {  	s3 =	srdreg.scid;
	s4 =	stileid.u32  }
0x3: {  	s1 =	rddreg [dreg:$0x1];
	s6 =	sand.u32 $0x1, s3;
	s25 =	sshll.u32 s4, $0x1  }
0x4: {  	s2 =	rddreg [dreg:$0x2];
	s5 =	sor.u32 s6, s25  }
0x5: {  	s4 =	rddreg [dreg:$0x3];
	s3 =	simm.s32 $0x0;
	s7 =	sshll.u32 s5, $0x8  }
0x6: {  	[smem:$0x7FF] =	sst s3;
	s26 =	smul.u32 $0xC000, s5;
	s8 =	sadd.s32 s0, s7  }
0x7: {  	_ =	strace $0x80000047;
	[smem:$0x7F6] =	sst s8;
	s8 =	sadd.s32 $0x2000, s8  }
0x8: {  	s28 =	sadd.s32 s2, s26;
	[dreg:$0x5] =	wrdreg s8  }
0x9: {  	s30 =	sadd.s32 s4, s26;
	s9 =	sor.u32 $0xC00, s26;
	[dreg:$0x6] =	wrdreg s28  }
0xa: {  	[dreg:$0x7] =	wrdreg s30;
	s31 =	sadd.s32 s2, s9  }
0xb: {  	s11 =	sor.u32 $0x1800, s26;
	s10 =	sadd.s32 s4, s9;
	[dreg:$0x8] =	wrdreg s31  }
0xc: {  	s12 =	sadd.s32 s2, s11;
	[dreg:$0x9] =	wrdreg s10  }
0xd: {  	s14 =	sor.u32 $0x2400, s26;
	s13 =	sadd.s32 s4, s11;
	[dreg:$0xa] =	wrdreg s12  }
0xe: {  	s15 =	sadd.s32 s2, s14;
	[dreg:$0xb] =	wrdreg s13  }
0xf: {  	s17 =	sor.u32 $0x3000, s26;
	s16 =	sadd.s32 s4, s14;
	[dreg:$0xc] =	wrdreg s15  }
0x10: {  	s5 =	smul.u32 $0x60000, s5;
	s18 =	sadd.s32 s2, s17;
	[dreg:$0xd] =	wrdreg s16  }
0x11: {  	s7 =	sor.u32 $0x3C00, s26;
	s19 =	sadd.s32 s4, s17;
	[dreg:$0xe] =	wrdreg s18  }
0x12: {  	s20 =	sadd.s32 s2, s7;
	s9 =	sshrl.u32 s5, $0x3;
	[dreg:$0xf] =	wrdreg s19  }
0x13: {  	s21 =	sadd.s32 s4, s7;
	[dreg:$0x10] =	wrdreg s20;
	s22 =	sadd.s32 $0x4800, s9  }
0x14: {  	[dreg:$0x11] =	wrdreg s21;
	s23 =	sadd.s32 s2, s22  }
0x15: {  	s25 =	sadd.s32 $0x5400, s9;
	s24 =	sadd.s32 s4, s22;
	[dreg:$0x12] =	wrdreg s23  }
0x16: {  	s26 =	sadd.s32 s2, s25;
	[dreg:$0x13] =	wrdreg s24  }
0x17: {  	s30 =	sadd.s32 $0x6000, s9;
	s28 =	sadd.s32 s4, s25;
	[dreg:$0x14] =	wrdreg s26  }
0x18: {  	s31 =	sadd.s32 s2, s30;
	[dreg:$0x15] =	wrdreg s28  }
0x19: {  	s10 =	sadd.s32 $0x6C00, s9;
	s8 =	sadd.s32 s4, s30;
	[dreg:$0x16] =	wrdreg s31  }
0x1a: {  	s11 =	sadd.s32 s2, s10;
	[dreg:$0x17] =	wrdreg s8  }
0x1b: {  	s13 =	sadd.s32 $0x7800, s9;
	s12 =	sadd.s32 s4, s10;
	[dreg:$0x18] =	wrdreg s11  }
0x1c: {  	s14 =	sadd.s32 s2, s13;
	[dreg:$0x19] =	wrdreg s12  }
0x1d: {  	s15 =	sadd.s32 $0x8400, s9;
	s7 =	sadd.s32 s4, s13;
	[dreg:$0x1a] =	wrdreg s14  }
0x1e: {  	s16 =	sadd.s32 s2, s15;
	[dreg:$0x1b] =	wrdreg s7  }
0x1f: {  	s18 =	sadd.s32 $0x9000, s9;
	s17 =	sadd.s32 s4, s15;
	[dreg:$0x1c] =	wrdreg s16  }
0x20: {  	s29 =	simm.s32 $0x1;
	s19 =	sadd.s32 s2, s18;
	[dreg:$0x1d] =	wrdreg s17  }
0x21: {  	s21 =	sadd.s32 $0x9C00, s9;
	s20 =	sadd.s32 s4, s18;
	[dreg:$0x1e] =	wrdreg s19  }
0x22: {  	s6 =	ssub.s32 $0x2, s6;
	s22 =	sadd.s32 s2, s21;
	[dreg:$0x1f] =	wrdreg s20  }
0x23: {  	s5 =	sadd.s32 $0x300C00, s0;
	s10 =	sshrl.u32 s6, $0x1;
	[smem:$0x7F7] =	sst s22  }
0x24: {  	s23 =	sadd.s32 s4, s21;
	s24 =	sadd.s32 $0xA800, s9;
	s28 =	sadd.s32 $0xB400, s9  }
0x25: {  	s10 =	ssub.s32 s6, s10;
	s6 =	sadd.s32 $0x300D00, s0;
	s7 =	sadd.s32 $0x300E00, s0  }
0x26: {  	s8 =	sadd.s32 $0x100, s1;
	s31 =	simm.s32 $0x800;
	[smem:$0x7F8] =	sst s23  }
0x27: {  	s9 =	sadd.s32 $0x200, s1;
	s25 =	sadd.s32 s2, s24;
	[smem:$0x7FD] =	sst s31  }
0x28: {  	s19 =	simm.s32 $0x3;
	s26 =	sadd.s32 s4, s24;
	[smem:$0x7F9] =	sst s25  }
0x29: {  	s20 =	simm.s32 $0x5;
	s2 =	sadd.s32 s2, s28;
	[smem:$0x7FA] =	sst s26  }
0x2a: {  	v2 =	vlaneseq.u32;
	s21 =	simm.s32 $0x2;
	s30 =	sadd.s32 s4, s28;
	[smem:$0x7FB] =	sst s2  }
0x2b: {  	vm0 =	vmmov $0xffff;
	v1 =	vshrl.u32 v2, $0x3;
	s22 =	simm.s32 $0x7;
	s23 =	simm.s32 $0x4;
	[smem:$0x7FC] =	sst s30  }
0x2c: {  	v0 =	vand.u32 $0x7, v2;
	v2 =	vor.u32 $0x8, v2;
	v1 =	vmul.u32 $0x8, v1;
	s2 =	smax.u32 s10, $0x1;
	s25 =	simm.s32 $0x6;
	s26 =	simm.s32 $0x8  }
.LBB2_1:
0x2d: {  	s30 =	sld [smem:$0x7F6];
	_ =	sdelay $0x1  }
0x2e: {  	[smem:$0x7F5] =	sst s2;
	s10 =	simm.s32 $0x9  }
0x2f: {  	[tilespmem:s3], [sflag:$0x9] =	stream.linear.gather [hbm4b:s30+s3], $0x800, $0x38;
	[tilespmem:$0x19000] =	vst v63  }
0x30: {  	_ =	swait.ge [sflag:s10], $0x800  }
0x31: {  	s31 =	sld [smem:$0x7FD]  }
0x32: {  	[sflag:s10] =	ssyncset.done $0x0  }
0x33: {  	s11 =	rddreg [dreg:$0x5];
	[sflag:s10] =	ssyncadd.s32 $0xFFFFF800  }
0x34: {  	[tilespmem:s31], [sflag:$0x9] =	stream.linear.gather [hbm4b:s11+s3], $0x800, $0x38;
	[tilespmem:$0x19000] =	vst v63  }
0x35: {  	_ =	swait.ge [sflag:s10], $0x800  }
0x36: {  	[sflag:s10] =	ssyncset.done $0x0  }
0x37: {  	[sflag:s10] =	ssyncadd.s32 $0xFFFFF800  }
0x38: {  	v3 =	vld [tilespmem:$0x0];
	_ =	sdelay $0x4  }
0x39: {  	v4 =	vshrl.u32 v3, $0x3  }
0x3a: {  	v4 =	vmul.u32 $0x30, v4  }
0x3b: {  	v3 =	vand.u32 $0x7, v3  }
0x3c: {  	v3 =	vor.u32 v3, v4  }
0x3d: {  	v4 =	vperm.xlane v3, v0;
	_ =	sdelay $0x1  }
0x3e: {  	v4 =	vadd.s32 v1, v4;
	_ =	sdelay $0x3  }
0x3f: {  	s0 =	simm.s32 $0x1000;
	v3 =	vperm.xlane v3, v2  }
0x40: {  	[tilespmem:s0], [sflag:$0x1] =	stream.indirect_vreg.gather [hbm4b:s5+s3], $0x80, v4, vm0, $0xb8;
	[tilespmem:$0x19000] =	vst v63  }
0x41: {  	s12 =	simm.s32 $0x1800;
	v3 =	vadd.s32 v1, v3  }
0x42: {  	[tilespmem:s12], [sflag:$0x1] =	stream.indirect_vreg.gather [hbm4b:s6+s3], $0x80, v4, vm0, $0xb8;
	[tilespmem:$0x19000] =	vst v63  }
0x43: {  	s13 =	simm.s32 $0x2000  }
0x44: {  	[tilespmem:s13], [sflag:$0x1] =	stream.indirect_vreg.gather [hbm4b:s7+s3], $0x80, v4, vm0, $0xb8;
	[tilespmem:$0x19000] =	vst v63  }
0x45: {  	s15 =	simm.s32 $0x2800  }
0x46: {  	[tilespmem:s15], [sflag:$0x1] =	stream.indirect_vreg.gather [hbm4b:s5+s3], $0x80, v3, vm0, $0xb8;
	[tilespmem:$0x19000] =	vst v63  }
0x47: {  	s16 =	simm.s32 $0x3000  }
0x48: {  	[tilespmem:s16], [sflag:$0x1] =	stream.indirect_vreg.gather [hbm4b:s6+s3], $0x80, v3, vm0, $0xb8;
	[tilespmem:$0x19000] =	vst v63  }
0x49: {  	s17 =	simm.s32 $0x3800  }
0x4a: {  	[tilespmem:s17], [sflag:$0x1] =	stream.indirect_vreg.gather [hbm4b:s7+s3], $0x80, v3, vm0, $0xb8;
	[tilespmem:$0x19000] =	vst v63  }
0x4b: {  	v3 =	vld [tilespmem:$0x10];
	_ =	sdelay $0x4  }
0x4c: {  	v57 =	vshrl.u32 v3, $0x3  }
0x4d: {  	v4 =	vmul.u32 $0x30, v57  }
0x4e: {  	v3 =	vand.u32 $0x7, v3  }
0x4f: {  	v3 =	vor.u32 v3, v4  }
0x50: {  	v4 =	vperm.xlane v3, v0;
	_ =	sdelay $0x1  }
0x51: {  	v4 =	vadd.s32 v1, v4;
	_ =	sdelay $0x3  }
0x52: {  	s28 =	simm.s32 $0x4000;
	v3 =	vperm.xlane v3, v2  }
0x53: {  	[tilespmem:s28], [sflag:$0x1] =	stream.indirect_vreg.gather [hbm4b:s5+s3], $0x80, v4, vm0, $0xb8;
	[tilespmem:$0x19000] =	vst v63  }
0x54: {  	s30 =	simm.s32 $0x4800;
	v3 =	vadd.s32 v1, v3  }
0x55: {  	[tilespmem:s30], [sflag:$0x1] =	stream.indirect_vreg.gather [hbm4b:s6+s3], $0x80, v4, vm0, $0xb8;
	[tilespmem:$0x19000] =	vst v63  }
0x56: {  	s2 =	simm.s32 $0x5000  }
0x57: {  	[tilespmem:s2], [sflag:$0x1] =	stream.indirect_vreg.gather [hbm4b:s7+s3], $0x80, v4, vm0, $0xb8;
	[tilespmem:$0x19000] =	vst v63  }
0x58: {  	s4 =	simm.s32 $0x5800  }
0x59: {  	[tilespmem:s4], [sflag:$0x1] =	stream.indirect_vreg.gather [hbm4b:s5+s3], $0x80, v3, vm0, $0xb8;
	[tilespmem:$0x19000] =	vst v63  }
0x5a: {  	s10 =	simm.s32 $0x6000  }
0x5b: {  	[tilespmem:s10], [sflag:$0x1] =	stream.indirect_vreg.gather [hbm4b:s6+s3], $0x80, v3, vm0, $0xb8;
	[tilespmem:$0x19000] =	vst v63  }
0x5c: {  	s11 =	simm.s32 $0x6800  }
0x5d: {  	[tilespmem:s11], [sflag:$0x1] =	stream.indirect_vreg.gather [hbm4b:s7+s3], $0x80, v3, vm0, $0xb8;
	[tilespmem:$0x19000] =	vst v63  }
0x5e: {  	v3 =	vld [tilespmem:$0x800];
	_ =	sdelay $0x4  }
0x5f: {  	v58 =	vshrl.u32 v3, $0x3  }
0x60: {  	v4 =	vmul.u32 $0x30, v58  }
0x61: {  	v3 =	vand.u32 $0x7, v3  }
0x62: {  	v3 =	vor.u32 v3, v4  }
0x63: {  	v4 =	vperm.xlane v3, v0;
	_ =	sdelay $0x1  }
0x64: {  	v4 =	vadd.s32 v1, v4;
	_ =	sdelay $0x3  }
0x65: {  	s12 =	simm.s32 $0xD000;
	v3 =	vperm.xlane v3, v2  }
0x66: {  	[tilespmem:s12], [sflag:$0x3] =	stream.indirect_vreg.gather [hbm4b:s1+s3], $0x80, v4, vm0, $0xb8;
	[tilespmem:$0x19000] =	vst v63  }
0x67: {  	s13 =	simm.s32 $0xD800;
	v3 =	vadd.s32 v1, v3  }
0x68: {  	[tilespmem:s13], [sflag:$0x3] =	stream.indirect_vreg.gather [hbm4b:s8+s3], $0x80, v4, vm0, $0xb8;
	[tilespmem:$0x19000] =	vst v63  }
0x69: {  	s15 =	simm.s32 $0xE000  }
0x6a: {  	[tilespmem:s15], [sflag:$0x3] =	stream.indirect_vreg.gather [hbm4b:s9+s3], $0x80, v4, vm0, $0xb8;
	[tilespmem:$0x19000] =	vst v63  }
0x6b: {  	s16 =	simm.s32 $0xE800  }
0x6c: {  	[tilespmem:s16], [sflag:$0x3] =	stream.indirect_vreg.gather [hbm4b:s1+s3], $0x80, v3, vm0, $0xb8;
	[tilespmem:$0x19000] =	vst v63  }
0x6d: {  	s17 =	simm.s32 $0xF000  }
0x6e: {  	[tilespmem:s17], [sflag:$0x3] =	stream.indirect_vreg.gather [hbm4b:s8+s3], $0x80, v3, vm0, $0xb8;
	[tilespmem:$0x19000] =	vst v63  }
0x6f: {  	s28 =	simm.s32 $0xF800  }
0x70: {  	[tilespmem:s28], [sflag:$0x3] =	stream.indirect_vreg.gather [hbm4b:s9+s3], $0x80, v3, vm0, $0xb8;
	[tilespmem:$0x19000] =	vst v63  }
0x71: {  	v3 =	vld [tilespmem:$0x810];
	_ =	sdelay $0x4  }
0x72: {  	v59 =	vshrl.u32 v3, $0x3  }
0x73: {  	v4 =	vmul.u32 $0x30, v59  }
0x74: {  	v3 =	vand.u32 $0x7, v3  }
0x75: {  	v3 =	vor.u32 v3, v4  }
0x76: {  	v4 =	vperm.xlane v3, v0;
	_ =	sdelay $0x1  }
0x77: {  	v4 =	vadd.s32 v1, v4;
	_ =	sdelay $0x3  }
0x78: {  	s30 =	simm.s32 $0x10000;
	v3 =	vperm.xlane v3, v2  }
0x79: {  	[tilespmem:s30], [sflag:$0x3] =	stream.indirect_vreg.gather [hbm4b:s1+s3], $0x80, v4, vm0, $0xb8;
	[tilespmem:$0x19000] =	vst v63  }
0x7a: {  	s15 =	simm.s32 $0x10800;
	v3 =	vadd.s32 v1, v3  }
0x7b: {  	[tilespmem:s15], [sflag:$0x3] =	stream.indirect_vreg.gather [hbm4b:s8+s3], $0x80, v4, vm0, $0xb8;
	[tilespmem:$0x19000] =	vst v63  }
0x7c: {  	s28 =	simm.s32 $0x11000  }
0x7d: {  	[tilespmem:s28], [sflag:$0x3] =	stream.indirect_vreg.gather [hbm4b:s9+s3], $0x80, v4, vm0, $0xb8;
	[tilespmem:$0x19000] =	vst v63  }
0x7e: {  	s30 =	simm.s32 $0x11800  }
0x7f: {  	[tilespmem:s30], [sflag:$0x3] =	stream.indirect_vreg.gather [hbm4b:s1+s3], $0x80, v3, vm0, $0xb8;
	[tilespmem:$0x19000] =	vst v63  }
0x80: {  	s28 =	simm.s32 $0x12000  }
0x81: {  	[tilespmem:s28], [sflag:$0x3] =	stream.indirect_vreg.gather [hbm4b:s8+s3], $0x80, v3, vm0, $0xb8;
	[tilespmem:$0x19000] =	vst v63  }
0x82: {  	s30 =	simm.s32 $0x12800  }
0x83: {  	[tilespmem:s30], [sflag:$0x3] =	stream.indirect_vreg.gather [hbm4b:s9+s3], $0x80, v3, vm0, $0xb8;
	[tilespmem:$0x19000] =	vst v63  }
0x84: {  	v3 =	vld [tilespmem:$0x80];
	_ =	sdelay $0x4  }
0x85: {  	v60 =	vshrl.u32 v3, $0x3  }
0x86: {  	v4 =	vmul.u32 $0x30, v60  }
0x87: {  	v3 =	vand.u32 $0x7, v3  }
0x88: {  	v3 =	vor.u32 v3, v4  }
0x89: {  	v4 =	vperm.xlane v3, v0;
	_ =	sdelay $0x1  }
0x8a: {  	v4 =	vadd.s32 v1, v4;
	_ =	sdelay $0x3  }
0x8b: {  	s28 =	simm.s32 $0x7000;
	v3 =	vperm.xlane v3, v2  }
0x8c: {  	[tilespmem:s28], [sflag:$0x2] =	stream.indirect_vreg.gather [hbm4b:s5+s3], $0x80, v4, vm0, $0xb8;
	[tilespmem:$0x19000] =	vst v63  }
0x8d: {  	s30 =	simm.s32 $0x7800;
	v3 =	vadd.s32 v1, v3  }
0x8e: {  	[tilespmem:s30], [sflag:$0x2] =	stream.indirect_vreg.gather [hbm4b:s6+s3], $0x80, v4, vm0, $0xb8;
	[tilespmem:$0x19000] =	vst v63  }
0x8f: {  	s28 =	simm.s32 $0x8000  }
0x90: {  	[tilespmem:s28], [sflag:$0x2] =	stream.indirect_vreg.gather [hbm4b:s7+s3], $0x80, v4, vm0, $0xb8;
	[tilespmem:$0x19000] =	vst v63  }
0x91: {  	s30 =	simm.s32 $0x8800  }
0x92: {  	[tilespmem:s30], [sflag:$0x2] =	stream.indirect_vreg.gather [hbm4b:s5+s3], $0x80, v3, vm0, $0xb8;
	[tilespmem:$0x19000] =	vst v63  }
0x93: {  	s28 =	simm.s32 $0x9000  }
0x94: {  	[tilespmem:s28], [sflag:$0x2] =	stream.indirect_vreg.gather [hbm4b:s6+s3], $0x80, v3, vm0, $0xb8;
	[tilespmem:$0x19000] =	vst v63  }
0x95: {  	s30 =	simm.s32 $0x9800  }
0x96: {  	[tilespmem:s30], [sflag:$0x2] =	stream.indirect_vreg.gather [hbm4b:s7+s3], $0x80, v3, vm0, $0xb8;
	[tilespmem:$0x19000] =	vst v63  }
0x97: {  	v3 =	vld [tilespmem:$0x90];
	_ =	sdelay $0x4  }
0x98: {  	v61 =	vshrl.u32 v3, $0x3  }
0x99: {  	v4 =	vmul.u32 $0x30, v61  }
0x9a: {  	v3 =	vand.u32 $0x7, v3  }
0x9b: {  	v3 =	vor.u32 v3, v4  }
0x9c: {  	v4 =	vperm.xlane v3, v0;
	_ =	sdelay $0x1  }
0x9d: {  	v4 =	vadd.s32 v1, v4;
	_ =	sdelay $0x3  }
0x9e: {  	s28 =	simm.s32 $0xA000;
	v3 =	vperm.xlane v3, v2  }
0x9f: {  	[tilespmem:s28], [sflag:$0x2] =	stream.indirect_vreg.gather [hbm4b:s5+s3], $0x80, v4, vm0, $0xb8;
	[tilespmem:$0x19000] =	vst v63  }
0xa0: {  	s30 =	simm.s32 $0xA800;
	v3 =	vadd.s32 v1, v3  }
0xa1: {  	[tilespmem:s30], [sflag:$0x2] =	stream.indirect_vreg.gather [hbm4b:s6+s3], $0x80, v4, vm0, $0xb8;
	[tilespmem:$0x19000] =	vst v63  }
0xa2: {  	s28 =	simm.s32 $0xB000  }
0xa3: {  	[tilespmem:s28], [sflag:$0x2] =	stream.indirect_vreg.gather [hbm4b:s7+s3], $0x80, v4, vm0, $0xb8;
	[tilespmem:$0x19000] =	vst v63  }
0xa4: {  	s30 =	simm.s32 $0xB800  }
0xa5: {  	[tilespmem:s30], [sflag:$0x2] =	stream.indirect_vreg.gather [hbm4b:s5+s3], $0x80, v3, vm0, $0xb8;
	[tilespmem:$0x19000] =	vst v63  }
0xa6: {  	s28 =	simm.s32 $0xC000  }
0xa7: {  	[tilespmem:s28], [sflag:$0x2] =	stream.indirect_vreg.gather [hbm4b:s6+s3], $0x80, v3, vm0, $0xb8;
	[tilespmem:$0x19000] =	vst v63  }
0xa8: {  	s30 =	simm.s32 $0xC800  }
0xa9: {  	[tilespmem:s30], [sflag:$0x2] =	stream.indirect_vreg.gather [hbm4b:s7+s3], $0x80, v3, vm0, $0xb8;
	[tilespmem:$0x19000] =	vst v63  }
0xaa: {  	_ =	swait.ge [sflag:s29], $0x6000  }
0xab: {  	[sflag:s29] =	ssyncset.done $0x0  }
0xac: {  	s28 =	simm.s32 $0x1000;
	s0 =	rddreg [dreg:$0x6];
	[sflag:s29] =	ssyncadd.s32 $0xFFFFA000  }
0xad: {  	[hbm4b:s0+s3] =	stream.linear.scatter [tilespmem:s28], [sflag:$0x5], $0x6000, $0x38;
	[tilespmem:$0x19000] =	vst v63  }
0xae: {  	v3 =	vld [tilespmem:$0x880];
	_ =	sdelay $0x4  }
0xaf: {  	v62 =	vshrl.u32 v3, $0x3  }
0xb0: {  	v4 =	vmul.u32 $0x30, v62  }
0xb1: {  	v3 =	vand.u32 $0x7, v3  }
0xb2: {  	v3 =	vor.u32 v3, v4  }
0xb3: {  	v4 =	vperm.xlane v3, v0;
	_ =	sdelay $0x1  }
0xb4: {  	v4 =	vadd.s32 v1, v4;
	_ =	sdelay $0x3  }
0xb5: {  	s30 =	simm.s32 $0x13000;
	v3 =	vperm.xlane v3, v2  }
0xb6: {  	[tilespmem:s30], [sflag:$0x4] =	stream.indirect_vreg.gather [hbm4b:s1+s3], $0x80, v4, vm0, $0xb8;
	[tilespmem:$0x19000] =	vst v63  }
0xb7: {  	s0 =	simm.s32 $0x13800;
	v3 =	vadd.s32 v1, v3  }
0xb8: {  	[tilespmem:s0], [sflag:$0x4] =	stream.indirect_vreg.gather [hbm4b:s8+s3], $0x80, v4, vm0, $0xb8;
	[tilespmem:$0x19000] =	vst v63  }
0xb9: {  	s0 =	simm.s32 $0x14000  }
0xba: {  	[tilespmem:s0], [sflag:$0x4] =	stream.indirect_vreg.gather [hbm4b:s9+s3], $0x80, v4, vm0, $0xb8;
	[tilespmem:$0x19000] =	vst v63  }
0xbb: {  	s0 =	simm.s32 $0x14800  }
0xbc: {  	[tilespmem:s0], [sflag:$0x4] =	stream.indirect_vreg.gather [hbm4b:s1+s3], $0x80, v3, vm0, $0xb8;
	[tilespmem:$0x19000] =	vst v63  }
0xbd: {  	s0 =	simm.s32 $0x15000  }
0xbe: {  	[tilespmem:s0], [sflag:$0x4] =	stream.indirect_vreg.gather [hbm4b:s8+s3], $0x80, v3, vm0, $0xb8;
	[tilespmem:$0x19000] =	vst v63  }
0xbf: {  	s0 =	simm.s32 $0x15800  }
0xc0: {  	[tilespmem:s0], [sflag:$0x4] =	stream.indirect_vreg.gather [hbm4b:s9+s3], $0x80, v3, vm0, $0xb8;
	[tilespmem:$0x19000] =	vst v63  }
0xc1: {  	v3 =	vld [tilespmem:$0x890];
	_ =	sdelay $0x4  }
0xc2: {  	v63 =	vshrl.u32 v3, $0x3  }
0xc3: {  	v4 =	vmul.u32 $0x30, v63  }
0xc4: {  	v3 =	vand.u32 $0x7, v3  }
0xc5: {  	v3 =	vor.u32 v3, v4  }
0xc6: {  	v4 =	vperm.xlane v3, v0;
	_ =	sdelay $0x1  }
0xc7: {  	v4 =	vadd.s32 v1, v4;
	_ =	sdelay $0x3  }
0xc8: {  	s0 =	simm.s32 $0x16000;
	v3 =	vperm.xlane v3, v2  }
0xc9: {  	[tilespmem:s0], [sflag:$0x4] =	stream.indirect_vreg.gather [hbm4b:s1+s3], $0x80, v4, vm0, $0xb8;
	[tilespmem:$0x19000] =	vst v63  }
0xca: {  	v3 =	vadd.s32 v1, v3;
	s0 =	simm.s32 $0x16800  }
0xcb: {  	[tilespmem:s0], [sflag:$0x4] =	stream.indirect_vreg.gather [hbm4b:s8+s3], $0x80, v4, vm0, $0xb8;
	[tilespmem:$0x19000] =	vst v63  }
0xcc: {  	s0 =	simm.s32 $0x17000  }
0xcd: {  	[tilespmem:s0], [sflag:$0x4] =	stream.indirect_vreg.gather [hbm4b:s9+s3], $0x80, v4, vm0, $0xb8;
	[tilespmem:$0x19000] =	vst v63  }
0xce: {  	s0 =	simm.s32 $0x17800  }
0xcf: {  	[tilespmem:s0], [sflag:$0x4] =	stream.indirect_vreg.gather [hbm4b:s1+s3], $0x80, v3, vm0, $0xb8;
	[tilespmem:$0x19000] =	vst v63  }
0xd0: {  	s0 =	simm.s32 $0x18000  }
0xd1: {  	[tilespmem:s0], [sflag:$0x4] =	stream.indirect_vreg.gather [hbm4b:s8+s3], $0x80, v3, vm0, $0xb8;
	[tilespmem:$0x19000] =	vst v63  }
0xd2: {  	s0 =	simm.s32 $0x18800  }
0xd3: {  	[tilespmem:s0], [sflag:$0x4] =	stream.indirect_vreg.gather [hbm4b:s9+s3], $0x80, v3, vm0, $0xb8;
	[tilespmem:$0x19000] =	vst v63  }
0xd4: {  	_ =	swait.ge [sflag:s19], $0x6000  }
0xd5: {  	[sflag:s19] =	ssyncset.done $0x0  }
0xd6: {  	s0 =	simm.s32 $0xD000;
	s30 =	rddreg [dreg:$0x7];
	[sflag:s19] =	ssyncadd.s32 $0xFFFFA000  }
0xd7: {  	[hbm4b:s30+s3] =	stream.linear.scatter [tilespmem:s0], [sflag:$0x7], $0x6000, $0x38;
	[tilespmem:$0x19000] =	vst v63  }
0xd8: {  	_ =	swait.ge [sflag:s20], $0x6000  }
0xd9: {  	[sflag:s20] =	ssyncset.done $0x0  }
0xda: {  	[sflag:s20] =	ssyncadd.s32 $0xFFFFA000  }
0xdb: {  	v3 =	vld [tilespmem:$0x100];
	_ =	sdelay $0x4  }
0xdc: {  	v8 =	vshrl.u32 v3, $0x3  }
0xdd: {  	v4 =	vmul.u32 $0x30, v8  }
0xde: {  	v3 =	vand.u32 $0x7, v3  }
0xdf: {  	v3 =	vor.u32 v3, v4  }
0xe0: {  	v4 =	vperm.xlane v3, v0;
	_ =	sdelay $0x1  }
0xe1: {  	v4 =	vadd.s32 v1, v4;
	_ =	sdelay $0x3  }
0xe2: {  	v3 =	vperm.xlane v3, v2  }
0xe3: {  	[tilespmem:s28], [sflag:$0x1] =	stream.indirect_vreg.gather [hbm4b:s5+s3], $0x80, v4, vm0, $0xb8;
	[tilespmem:$0x19000] =	vst v63  }
0xe4: {  	s14 =	simm.s32 $0x1800;
	v3 =	vadd.s32 v1, v3  }
0xe5: {  	[tilespmem:s14], [sflag:$0x1] =	stream.indirect_vreg.gather [hbm4b:s6+s3], $0x80, v4, vm0, $0xb8;
	[tilespmem:$0x19000] =	vst v63  }
0xe6: {  	s18 =	simm.s32 $0x2000  }
0xe7: {  	[tilespmem:s18], [sflag:$0x1] =	stream.indirect_vreg.gather [hbm4b:s7+s3], $0x80, v4, vm0, $0xb8;
	[tilespmem:$0x19000] =	vst v63  }
0xe8: {  	s24 =	simm.s32 $0x2800  }
0xe9: {  	[tilespmem:s24], [sflag:$0x1] =	stream.indirect_vreg.gather [hbm4b:s5+s3], $0x80, v3, vm0, $0xb8;
	[tilespmem:$0x19000] =	vst v63  }
0xea: {  	s28 =	simm.s32 $0x3000  }
0xeb: {  	[tilespmem:s28], [sflag:$0x1] =	stream.indirect_vreg.gather [hbm4b:s6+s3], $0x80, v3, vm0, $0xb8;
	[tilespmem:$0x19000] =	vst v63  }
0xec: {  	s31 =	simm.s32 $0x3800  }
0xed: {  	[tilespmem:s31], [sflag:$0x1] =	stream.indirect_vreg.gather [hbm4b:s7+s3], $0x80, v3, vm0, $0xb8;
	[tilespmem:$0x19000] =	vst v63  }
0xee: {  	v3 =	vld [tilespmem:$0x110];
	_ =	sdelay $0x4  }
0xef: {  	v9 =	vshrl.u32 v3, $0x3  }
0xf0: {  	v4 =	vmul.u32 $0x30, v9  }
0xf1: {  	v3 =	vand.u32 $0x7, v3  }
0xf2: {  	v3 =	vor.u32 v3, v4  }
0xf3: {  	v4 =	vperm.xlane v3, v0;
	_ =	sdelay $0x1  }
0xf4: {  	v4 =	vadd.s32 v1, v4;
	_ =	sdelay $0x3  }
0xf5: {  	s31 =	simm.s32 $0x4000;
	v3 =	vperm.xlane v3, v2  }
0xf6: {  	[tilespmem:s31], [sflag:$0x1] =	stream.indirect_vreg.gather [hbm4b:s5+s3], $0x80, v4, vm0, $0xb8;
	[tilespmem:$0x19000] =	vst v63  }
0xf7: {  	v3 =	vadd.s32 v1, v3;
	s31 =	simm.s32 $0x4800  }
0xf8: {  	[tilespmem:s31], [sflag:$0x1] =	stream.indirect_vreg.gather [hbm4b:s6+s3], $0x80, v4, vm0, $0xb8;
	[tilespmem:$0x19000] =	vst v63  }
0xf9: {  	s2 =	simm.s32 $0x5000  }
0xfa: {  	[tilespmem:s2], [sflag:$0x1] =	stream.indirect_vreg.gather [hbm4b:s7+s3], $0x80, v4, vm0, $0xb8;
	[tilespmem:$0x19000] =	vst v63  }
0xfb: {  	s4 =	simm.s32 $0x5800  }
0xfc: {  	[tilespmem:s4], [sflag:$0x1] =	stream.indirect_vreg.gather [hbm4b:s5+s3], $0x80, v3, vm0, $0xb8;
	[tilespmem:$0x19000] =	vst v63  }
0xfd: {  	s4 =	simm.s32 $0x6000  }
0xfe: {  	[tilespmem:s4], [sflag:$0x1] =	stream.indirect_vreg.gather [hbm4b:s6+s3], $0x80, v3, vm0, $0xb8;
	[tilespmem:$0x19000] =	vst v63  }
0xff: {  	s14 =	simm.s32 $0x6800  }
0x100: {  	[tilespmem:s14], [sflag:$0x1] =	stream.indirect_vreg.gather [hbm4b:s7+s3], $0x80, v3, vm0, $0xb8;
	[tilespmem:$0x19000] =	vst v63  }
0x101: {  	_ =	swait.ge [sflag:s21], $0x6000  }
0x102: {  	[sflag:s21] =	ssyncset.done $0x0  }
0x103: {  	s24 =	simm.s32 $0x7000;
	s18 =	rddreg [dreg:$0x8];
	[sflag:s21] =	ssyncadd.s32 $0xFFFFA000  }
0x104: {  	[hbm4b:s18+s3] =	stream.linear.scatter [tilespmem:s24], [sflag:$0x6], $0x6000, $0x38;
	[tilespmem:$0x19000] =	vst v63  }
0x105: {  	_ =	swait.ge [sflag:s22], $0x6000  }
0x106: {  	[sflag:s22] =	ssyncset.done $0x0  }
0x107: {  	[sflag:s22] =	ssyncadd.s32 $0xFFFFA000  }
0x108: {  	v3 =	vld [tilespmem:$0x900];
	_ =	sdelay $0x4  }
0x109: {  	v10 =	vshrl.u32 v3, $0x3  }
0x10a: {  	v4 =	vmul.u32 $0x30, v10  }
0x10b: {  	v3 =	vand.u32 $0x7, v3  }
0x10c: {  	v3 =	vor.u32 v3, v4  }
0x10d: {  	v4 =	vperm.xlane v3, v0;
	_ =	sdelay $0x1  }
0x10e: {  	v4 =	vadd.s32 v1, v4;
	_ =	sdelay $0x3  }
0x10f: {  	v3 =	vperm.xlane v3, v2  }
0x110: {  	[tilespmem:s0], [sflag:$0x3] =	stream.indirect_vreg.gather [hbm4b:s1+s3], $0x80, v4, vm0, $0xb8;
	[tilespmem:$0x19000] =	vst v63  }
0x111: {  	s11 =	simm.s32 $0xD800;
	v3 =	vadd.s32 v1, v3  }
0x112: {  	[tilespmem:s11], [sflag:$0x3] =	stream.indirect_vreg.gather [hbm4b:s8+s3], $0x80, v4, vm0, $0xb8;
	[tilespmem:$0x19000] =	vst v63  }
0x113: {  	s12 =	simm.s32 $0xE000  }
0x114: {  	[tilespmem:s12], [sflag:$0x3] =	stream.indirect_vreg.gather [hbm4b:s9+s3], $0x80, v4, vm0, $0xb8;
	[tilespmem:$0x19000] =	vst v63  }
0x115: {  	s10 =	simm.s32 $0xE800  }
0x116: {  	[tilespmem:s10], [sflag:$0x3] =	stream.indirect_vreg.gather [hbm4b:s1+s3], $0x80, v3, vm0, $0xb8;
	[tilespmem:$0x19000] =	vst v63  }
0x117: {  	s13 =	simm.s32 $0xF000  }
0x118: {  	[tilespmem:s13], [sflag:$0x3] =	stream.indirect_vreg.gather [hbm4b:s8+s3], $0x80, v3, vm0, $0xb8;
	[tilespmem:$0x19000] =	vst v63  }
0x119: {  	s16 =	simm.s32 $0xF800  }
0x11a: {  	[tilespmem:s16], [sflag:$0x3] =	stream.indirect_vreg.gather [hbm4b:s9+s3], $0x80, v3, vm0, $0xb8;
	[tilespmem:$0x19000] =	vst v63  }
0x11b: {  	v3 =	vld [tilespmem:$0x910];
	_ =	sdelay $0x4  }
0x11c: {  	v11 =	vshrl.u32 v3, $0x3  }
0x11d: {  	v4 =	vmul.u32 $0x30, v11  }
0x11e: {  	v3 =	vand.u32 $0x7, v3  }
0x11f: {  	v3 =	vor.u32 v3, v4  }
0x120: {  	v4 =	vperm.xlane v3, v0;
	_ =	sdelay $0x1  }
0x121: {  	v4 =	vadd.s32 v1, v4;
	_ =	sdelay $0x3  }
0x122: {  	s17 =	simm.s32 $0x10000;
	v3 =	vperm.xlane v3, v2  }
0x123: {  	[tilespmem:s17], [sflag:$0x3] =	stream.indirect_vreg.gather [hbm4b:s1+s3], $0x80, v4, vm0, $0xb8;
	[tilespmem:$0x19000] =	vst v63  }
0x124: {  	s15 =	simm.s32 $0x10800;
	v3 =	vadd.s32 v1, v3  }
0x125: {  	[tilespmem:s15], [sflag:$0x3] =	stream.indirect_vreg.gather [hbm4b:s8+s3], $0x80, v4, vm0, $0xb8;
	[tilespmem:$0x19000] =	vst v63  }
0x126: {  	s16 =	simm.s32 $0x11000  }
0x127: {  	[tilespmem:s16], [sflag:$0x3] =	stream.indirect_vreg.gather [hbm4b:s9+s3], $0x80, v4, vm0, $0xb8;
	[tilespmem:$0x19000] =	vst v63  }
0x128: {  	s18 =	simm.s32 $0x11800  }
0x129: {  	[tilespmem:s18], [sflag:$0x3] =	stream.indirect_vreg.gather [hbm4b:s1+s3], $0x80, v3, vm0, $0xb8;
	[tilespmem:$0x19000] =	vst v63  }
0x12a: {  	s17 =	simm.s32 $0x12000  }
0x12b: {  	[tilespmem:s17], [sflag:$0x3] =	stream.indirect_vreg.gather [hbm4b:s8+s3], $0x80, v3, vm0, $0xb8;
	[tilespmem:$0x19000] =	vst v63  }
0x12c: {  	s14 =	simm.s32 $0x12800  }
0x12d: {  	[tilespmem:s14], [sflag:$0x3] =	stream.indirect_vreg.gather [hbm4b:s9+s3], $0x80, v3, vm0, $0xb8;
	[tilespmem:$0x19000] =	vst v63  }
0x12e: {  	_ =	swait.ge [sflag:s23], $0x6000  }
0x12f: {  	[sflag:s23] =	ssyncset.done $0x0  }
0x130: {  	s4 =	simm.s32 $0x13000;
	s2 =	rddreg [dreg:$0x9];
	[sflag:s23] =	ssyncadd.s32 $0xFFFFA000  }
0x131: {  	[hbm4b:s2+s3] =	stream.linear.scatter [tilespmem:s4], [sflag:$0x8], $0x6000, $0x38;
	[tilespmem:$0x19000] =	vst v63  }
0x132: {  	_ =	swait.ge [sflag:s25], $0x6000  }
0x133: {  	[sflag:s25] =	ssyncset.done $0x0  }
0x134: {  	[sflag:s25] =	ssyncadd.s32 $0xFFFFA000  }
0x135: {  	v3 =	vld [tilespmem:$0x180];
	_ =	sdelay $0x4  }
0x136: {  	v12 =	vshrl.u32 v3, $0x3  }
0x137: {  	v4 =	vmul.u32 $0x30, v12  }
0x138: {  	v3 =	vand.u32 $0x7, v3  }
0x139: {  	v3 =	vor.u32 v3, v4  }
0x13a: {  	v4 =	vperm.xlane v3, v0;
	_ =	sdelay $0x1  }
0x13b: {  	v4 =	vadd.s32 v1, v4;
	_ =	sdelay $0x3  }
0x13c: {  	v3 =	vperm.xlane v3, v2  }
0x13d: {  	[tilespmem:s24], [sflag:$0x2] =	stream.indirect_vreg.gather [hbm4b:s5+s3], $0x80, v4, vm0, $0xb8;
	[tilespmem:$0x19000] =	vst v63  }
0x13e: {  	s11 =	simm.s32 $0x7800;
	v3 =	vadd.s32 v1, v3  }
0x13f: {  	[tilespmem:s11], [sflag:$0x2] =	stream.indirect_vreg.gather [hbm4b:s6+s3], $0x80, v4, vm0, $0xb8;
	[tilespmem:$0x19000] =	vst v63  }
0x140: {  	s12 =	simm.s32 $0x8000  }
0x141: {  	[tilespmem:s12], [sflag:$0x2] =	stream.indirect_vreg.gather [hbm4b:s7+s3], $0x80, v4, vm0, $0xb8;
	[tilespmem:$0x19000] =	vst v63  }
0x142: {  	s13 =	simm.s32 $0x8800  }
0x143: {  	[tilespmem:s13], [sflag:$0x2] =	stream.indirect_vreg.gather [hbm4b:s5+s3], $0x80, v3, vm0, $0xb8;
	[tilespmem:$0x19000] =	vst v63  }
0x144: {  	s10 =	simm.s32 $0x9000  }
0x145: {  	[tilespmem:s10], [sflag:$0x2] =	stream.indirect_vreg.gather [hbm4b:s6+s3], $0x80, v3, vm0, $0xb8;
	[tilespmem:$0x19000] =	vst v63  }
0x146: {  	s15 =	simm.s32 $0x9800  }
0x147: {  	[tilespmem:s15], [sflag:$0x2] =	stream.indirect_vreg.gather [hbm4b:s7+s3], $0x80, v3, vm0, $0xb8;
	[tilespmem:$0x19000] =	vst v63  }
0x148: {  	v3 =	vld [tilespmem:$0x190];
	_ =	sdelay $0x4  }
0x149: {  	v13 =	vshrl.u32 v3, $0x3  }
0x14a: {  	v4 =	vmul.u32 $0x30, v13  }
0x14b: {  	v3 =	vand.u32 $0x7, v3  }
0x14c: {  	v3 =	vor.u32 v3, v4  }
0x14d: {  	v4 =	vperm.xlane v3, v0;
	_ =	sdelay $0x1  }
0x14e: {  	v4 =	vadd.s32 v1, v4;
	_ =	sdelay $0x3  }
0x14f: {  	s24 =	simm.s32 $0xA000;
	v3 =	vperm.xlane v3, v2  }
0x150: {  	[tilespmem:s24], [sflag:$0x2] =	stream.indirect_vreg.gather [hbm4b:s5+s3], $0x80, v4, vm0, $0xb8;
	[tilespmem:$0x19000] =	vst v63  }
0x151: {  	s11 =	simm.s32 $0xA800;
	v3 =	vadd.s32 v1, v3  }
0x152: {  	[tilespmem:s11], [sflag:$0x2] =	stream.indirect_vreg.gather [hbm4b:s6+s3], $0x80, v4, vm0, $0xb8;
	[tilespmem:$0x19000] =	vst v63  }
0x153: {  	s12 =	simm.s32 $0xB000  }
0x154: {  	[tilespmem:s12], [sflag:$0x2] =	stream.indirect_vreg.gather [hbm4b:s7+s3], $0x80, v4, vm0, $0xb8;
	[tilespmem:$0x19000] =	vst v63  }
0x155: {  	s13 =	simm.s32 $0xB800  }
0x156: {  	[tilespmem:s13], [sflag:$0x2] =	stream.indirect_vreg.gather [hbm4b:s5+s3], $0x80, v3, vm0, $0xb8;
	[tilespmem:$0x19000] =	vst v63  }
0x157: {  	s15 =	simm.s32 $0xC000  }
0x158: {  	[tilespmem:s15], [sflag:$0x2] =	stream.indirect_vreg.gather [hbm4b:s6+s3], $0x80, v3, vm0, $0xb8;
	[tilespmem:$0x19000] =	vst v63  }
0x159: {  	s30 =	simm.s32 $0xC800  }
0x15a: {  	[tilespmem:s30], [sflag:$0x2] =	stream.indirect_vreg.gather [hbm4b:s7+s3], $0x80, v3, vm0, $0xb8;
	[tilespmem:$0x19000] =	vst v63  }
0x15b: {  	_ =	swait.ge [sflag:s29], $0x6000  }
0x15c: {  	[sflag:s29] =	ssyncset.done $0x0  }
0x15d: {  	s24 =	simm.s32 $0x1000;
	s2 =	rddreg [dreg:$0xa];
	[sflag:s29] =	ssyncadd.s32 $0xFFFFA000  }
0x15e: {  	[hbm4b:s2+s3] =	stream.linear.scatter [tilespmem:s24], [sflag:$0x5], $0x6000, $0x38;
	[tilespmem:$0x19000] =	vst v63  }
0x15f: {  	_ =	swait.ge [sflag:s26], $0x6000  }
0x160: {  	[sflag:s26] =	ssyncset.done $0x0  }
0x161: {  	[sflag:s26] =	ssyncadd.s32 $0xFFFFA000  }
0x162: {  	v3 =	vld [tilespmem:$0x980];
	_ =	sdelay $0x4  }
0x163: {  	v14 =	vshrl.u32 v3, $0x3  }
0x164: {  	v4 =	vmul.u32 $0x30, v14  }
0x165: {  	v3 =	vand.u32 $0x7, v3  }
0x166: {  	v3 =	vor.u32 v3, v4  }
0x167: {  	v4 =	vperm.xlane v3, v0;
	_ =	sdelay $0x1  }
0x168: {  	v4 =	vadd.s32 v1, v4;
	_ =	sdelay $0x3  }
0x169: {  	v3 =	vperm.xlane v3, v2  }
0x16a: {  	[tilespmem:s4], [sflag:$0x4] =	stream.indirect_vreg.gather [hbm4b:s1+s3], $0x80, v4, vm0, $0xb8;
	[tilespmem:$0x19000] =	vst v63  }
0x16b: {  	v3 =	vadd.s32 v1, v3;
	s4 =	simm.s32 $0x13800  }
0x16c: {  	[tilespmem:s4], [sflag:$0x4] =	stream.indirect_vreg.gather [hbm4b:s8+s3], $0x80, v4, vm0, $0xb8;
	[tilespmem:$0x19000] =	vst v63  }
0x16d: {  	s30 =	simm.s32 $0x14000  }
0x16e: {  	[tilespmem:s30], [sflag:$0x4] =	stream.indirect_vreg.gather [hbm4b:s9+s3], $0x80, v4, vm0, $0xb8;
	[tilespmem:$0x19000] =	vst v63  }
0x16f: {  	s2 =	simm.s32 $0x14800  }
0x170: {  	[tilespmem:s2], [sflag:$0x4] =	stream.indirect_vreg.gather [hbm4b:s1+s3], $0x80, v3, vm0, $0xb8;
	[tilespmem:$0x19000] =	vst v63  }
0x171: {  	s4 =	simm.s32 $0x15000  }
0x172: {  	[tilespmem:s4], [sflag:$0x4] =	stream.indirect_vreg.gather [hbm4b:s8+s3], $0x80, v3, vm0, $0xb8;
	[tilespmem:$0x19000] =	vst v63  }
0x173: {  	s30 =	simm.s32 $0x15800  }
0x174: {  	[tilespmem:s30], [sflag:$0x4] =	stream.indirect_vreg.gather [hbm4b:s9+s3], $0x80, v3, vm0, $0xb8;
	[tilespmem:$0x19000] =	vst v63  }
0x175: {  	v3 =	vld [tilespmem:$0x990];
	_ =	sdelay $0x4  }
0x176: {  	v15 =	vshrl.u32 v3, $0x3  }
0x177: {  	v4 =	vmul.u32 $0x30, v15  }
0x178: {  	v3 =	vand.u32 $0x7, v3  }
0x179: {  	v3 =	vor.u32 v3, v4  }
0x17a: {  	v4 =	vperm.xlane v3, v0;
	_ =	sdelay $0x1  }
0x17b: {  	v4 =	vadd.s32 v1, v4;
	_ =	sdelay $0x3  }
0x17c: {  	s2 =	simm.s32 $0x16000;
	v3 =	vperm.xlane v3, v2  }
0x17d: {  	[tilespmem:s2], [sflag:$0x4] =	stream.indirect_vreg.gather [hbm4b:s1+s3], $0x80, v4, vm0, $0xb8;
	[tilespmem:$0x19000] =	vst v63  }
0x17e: {  	s4 =	simm.s32 $0x16800;
	v3 =	vadd.s32 v1, v3  }
0x17f: {  	[tilespmem:s4], [sflag:$0x4] =	stream.indirect_vreg.gather [hbm4b:s8+s3], $0x80, v4, vm0, $0xb8;
	[tilespmem:$0x19000] =	vst v63  }
0x180: {  	s30 =	simm.s32 $0x17000  }
0x181: {  	[tilespmem:s30], [sflag:$0x4] =	stream.indirect_vreg.gather [hbm4b:s9+s3], $0x80, v4, vm0, $0xb8;
	[tilespmem:$0x19000] =	vst v63  }
0x182: {  	s2 =	simm.s32 $0x17800  }
0x183: {  	[tilespmem:s2], [sflag:$0x4] =	stream.indirect_vreg.gather [hbm4b:s1+s3], $0x80, v3, vm0, $0xb8;
	[tilespmem:$0x19000] =	vst v63  }
0x184: {  	s4 =	simm.s32 $0x18000  }
0x185: {  	[tilespmem:s4], [sflag:$0x4] =	stream.indirect_vreg.gather [hbm4b:s8+s3], $0x80, v3, vm0, $0xb8;
	[tilespmem:$0x19000] =	vst v63  }
0x186: {  	s30 =	simm.s32 $0x18800  }
0x187: {  	[tilespmem:s30], [sflag:$0x4] =	stream.indirect_vreg.gather [hbm4b:s9+s3], $0x80, v3, vm0, $0xb8;
	[tilespmem:$0x19000] =	vst v63  }
0x188: {  	_ =	swait.ge [sflag:s19], $0x6000  }
0x189: {  	[sflag:s19] =	ssyncset.done $0x0  }
0x18a: {  	s0 =	simm.s32 $0xD000;
	s2 =	rddreg [dreg:$0xb];
	[sflag:s19] =	ssyncadd.s32 $0xFFFFA000  }
0x18b: {  	[hbm4b:s2+s3] =	stream.linear.scatter [tilespmem:s0], [sflag:$0x7], $0x6000, $0x38;
	[tilespmem:$0x19000] =	vst v63  }
0x18c: {  	_ =	swait.ge [sflag:s20], $0x6000  }
0x18d: {  	[sflag:s20] =	ssyncset.done $0x0  }
0x18e: {  	[sflag:s20] =	ssyncadd.s32 $0xFFFFA000  }
0x18f: {  	v3 =	vld [tilespmem:$0x200];
	_ =	sdelay $0x4  }
0x190: {  	v16 =	vshrl.u32 v3, $0x3  }
0x191: {  	v4 =	vmul.u32 $0x30, v16  }
0x192: {  	v3 =	vand.u32 $0x7, v3  }
0x193: {  	v3 =	vor.u32 v3, v4  }
0x194: {  	v4 =	vperm.xlane v3, v0;
	_ =	sdelay $0x1  }
0x195: {  	v4 =	vadd.s32 v1, v4;
	_ =	sdelay $0x3  }
0x196: {  	v3 =	vperm.xlane v3, v2  }
0x197: {  	[tilespmem:s24], [sflag:$0x1] =	stream.indirect_vreg.gather [hbm4b:s5+s3], $0x80, v4, vm0, $0xb8;
	[tilespmem:$0x19000] =	vst v63  }
0x198: {  	s4 =	simm.s32 $0x1800;
	v3 =	vadd.s32 v1, v3  }
0x199: {  	[tilespmem:s4], [sflag:$0x1] =	stream.indirect_vreg.gather [hbm4b:s6+s3], $0x80, v4, vm0, $0xb8;
	[tilespmem:$0x19000] =	vst v63  }
0x19a: {  	s24 =	simm.s32 $0x2000  }
0x19b: {  	[tilespmem:s24], [sflag:$0x1] =	stream.indirect_vreg.gather [hbm4b:s7+s3], $0x80, v4, vm0, $0xb8;
	[tilespmem:$0x19000] =	vst v63  }
0x19c: {  	s24 =	simm.s32 $0x2800  }
0x19d: {  	[tilespmem:s24], [sflag:$0x1] =	stream.indirect_vreg.gather [hbm4b:s5+s3], $0x80, v3, vm0, $0xb8;
	[tilespmem:$0x19000] =	vst v63  }
0x19e: {  	_ = 	snop  }
0x19f: {  	[tilespmem:s28], [sflag:$0x1] =	stream.indirect_vreg.gather [hbm4b:s6+s3], $0x80, v3, vm0, $0xb8;
	[tilespmem:$0x19000] =	vst v63  }
0x1a0: {  	s4 =	simm.s32 $0x3800  }
0x1a1: {  	[tilespmem:s4], [sflag:$0x1] =	stream.indirect_vreg.gather [hbm4b:s7+s3], $0x80, v3, vm0, $0xb8;
	[tilespmem:$0x19000] =	vst v63  }
0x1a2: {  	v3 =	vld [tilespmem:$0x210];
	_ =	sdelay $0x4  }
0x1a3: {  	v17 =	vshrl.u32 v3, $0x3  }
0x1a4: {  	v4 =	vmul.u32 $0x30, v17  }
0x1a5: {  	v3 =	vand.u32 $0x7, v3  }
0x1a6: {  	v3 =	vor.u32 v3, v4  }
0x1a7: {  	v4 =	vperm.xlane v3, v0;
	_ =	sdelay $0x1  }
0x1a8: {  	v4 =	vadd.s32 v1, v4;
	_ =	sdelay $0x3  }
0x1a9: {  	s28 =	simm.s32 $0x4000;
	v3 =	vperm.xlane v3, v2  }
0x1aa: {  	[tilespmem:s28], [sflag:$0x1] =	stream.indirect_vreg.gather [hbm4b:s5+s3], $0x80, v4, vm0, $0xb8;
	[tilespmem:$0x19000] =	vst v63  }
0x1ab: {  	v3 =	vadd.s32 v1, v3  }
0x1ac: {  	[tilespmem:s31], [sflag:$0x1] =	stream.indirect_vreg.gather [hbm4b:s6+s3], $0x80, v4, vm0, $0xb8;
	[tilespmem:$0x19000] =	vst v63  }
0x1ad: {  	s31 =	simm.s32 $0x5000  }
0x1ae: {  	[tilespmem:s31], [sflag:$0x1] =	stream.indirect_vreg.gather [hbm4b:s7+s3], $0x80, v4, vm0, $0xb8;
	[tilespmem:$0x19000] =	vst v63  }
0x1af: {  	s28 =	simm.s32 $0x5800  }
0x1b0: {  	[tilespmem:s28], [sflag:$0x1] =	stream.indirect_vreg.gather [hbm4b:s5+s3], $0x80, v3, vm0, $0xb8;
	[tilespmem:$0x19000] =	vst v63  }
0x1b1: {  	s30 =	simm.s32 $0x6000  }
0x1b2: {  	[tilespmem:s30], [sflag:$0x1] =	stream.indirect_vreg.gather [hbm4b:s6+s3], $0x80, v3, vm0, $0xb8;
	[tilespmem:$0x19000] =	vst v63  }
0x1b3: {  	s30 =	simm.s32 $0x6800  }
0x1b4: {  	[tilespmem:s30], [sflag:$0x1] =	stream.indirect_vreg.gather [hbm4b:s7+s3], $0x80, v3, vm0, $0xb8;
	[tilespmem:$0x19000] =	vst v63  }
0x1b5: {  	_ =	swait.ge [sflag:s21], $0x6000  }
0x1b6: {  	[sflag:s21] =	ssyncset.done $0x0  }
0x1b7: {  	s2 =	simm.s32 $0x7000;
	s30 =	rddreg [dreg:$0xc];
	[sflag:s21] =	ssyncadd.s32 $0xFFFFA000  }
0x1b8: {  	[hbm4b:s30+s3] =	stream.linear.scatter [tilespmem:s2], [sflag:$0x6], $0x6000, $0x38;
	[tilespmem:$0x19000] =	vst v63  }
0x1b9: {  	_ =	swait.ge [sflag:s22], $0x6000  }
0x1ba: {  	[sflag:s22] =	ssyncset.done $0x0  }
0x1bb: {  	[sflag:s22] =	ssyncadd.s32 $0xFFFFA000  }
0x1bc: {  	v3 =	vld [tilespmem:$0xA00];
	_ =	sdelay $0x4  }
0x1bd: {  	v18 =	vshrl.u32 v3, $0x3  }
0x1be: {  	v4 =	vmul.u32 $0x30, v18  }
0x1bf: {  	v3 =	vand.u32 $0x7, v3  }
0x1c0: {  	v3 =	vor.u32 v3, v4  }
0x1c1: {  	v4 =	vperm.xlane v3, v0;
	_ =	sdelay $0x1  }
0x1c2: {  	v4 =	vadd.s32 v1, v4;
	_ =	sdelay $0x3  }
0x1c3: {  	v3 =	vperm.xlane v3, v2  }
0x1c4: {  	[tilespmem:s0], [sflag:$0x3] =	stream.indirect_vreg.gather [hbm4b:s1+s3], $0x80, v4, vm0, $0xb8;
	[tilespmem:$0x19000] =	vst v63  }
0x1c5: {  	s30 =	simm.s32 $0xD800;
	v3 =	vadd.s32 v1, v3  }
0x1c6: {  	[tilespmem:s30], [sflag:$0x3] =	stream.indirect_vreg.gather [hbm4b:s8+s3], $0x80, v4, vm0, $0xb8;
	[tilespmem:$0x19000] =	vst v63  }
0x1c7: {  	s30 =	simm.s32 $0xE000  }
0x1c8: {  	[tilespmem:s30], [sflag:$0x3] =	stream.indirect_vreg.gather [hbm4b:s9+s3], $0x80, v4, vm0, $0xb8;
	[tilespmem:$0x19000] =	vst v63  }
0x1c9: {  	s30 =	simm.s32 $0xE800  }
0x1ca: {  	[tilespmem:s30], [sflag:$0x3] =	stream.indirect_vreg.gather [hbm4b:s1+s3], $0x80, v3, vm0, $0xb8;
	[tilespmem:$0x19000] =	vst v63  }
0x1cb: {  	s30 =	simm.s32 $0xF000  }
0x1cc: {  	[tilespmem:s30], [sflag:$0x3] =	stream.indirect_vreg.gather [hbm4b:s8+s3], $0x80, v3, vm0, $0xb8;
	[tilespmem:$0x19000] =	vst v63  }
0x1cd: {  	s30 =	simm.s32 $0xF800  }
0x1ce: {  	[tilespmem:s30], [sflag:$0x3] =	stream.indirect_vreg.gather [hbm4b:s9+s3], $0x80, v3, vm0, $0xb8;
	[tilespmem:$0x19000] =	vst v63  }
0x1cf: {  	v3 =	vld [tilespmem:$0xA10];
	_ =	sdelay $0x4  }
0x1d0: {  	v19 =	vshrl.u32 v3, $0x3  }
0x1d1: {  	v4 =	vmul.u32 $0x30, v19  }
0x1d2: {  	v3 =	vand.u32 $0x7, v3  }
0x1d3: {  	v3 =	vor.u32 v3, v4  }
0x1d4: {  	v4 =	vperm.xlane v3, v0;
	_ =	sdelay $0x1  }
0x1d5: {  	v4 =	vadd.s32 v1, v4;
	_ =	sdelay $0x3  }
0x1d6: {  	s30 =	simm.s32 $0x10000;
	v3 =	vperm.xlane v3, v2  }
0x1d7: {  	[tilespmem:s30], [sflag:$0x3] =	stream.indirect_vreg.gather [hbm4b:s1+s3], $0x80, v4, vm0, $0xb8;
	[tilespmem:$0x19000] =	vst v63  }
0x1d8: {  	v3 =	vadd.s32 v1, v3;
	s30 =	simm.s32 $0x10800  }
0x1d9: {  	[tilespmem:s30], [sflag:$0x3] =	stream.indirect_vreg.gather [hbm4b:s8+s3], $0x80, v4, vm0, $0xb8;
	[tilespmem:$0x19000] =	vst v63  }
0x1da: {  	_ = 	snop  }
0x1db: {  	[tilespmem:s16], [sflag:$0x3] =	stream.indirect_vreg.gather [hbm4b:s9+s3], $0x80, v4, vm0, $0xb8;
	[tilespmem:$0x19000] =	vst v63  }
0x1dc: {  	_ = 	snop  }
0x1dd: {  	[tilespmem:s18], [sflag:$0x3] =	stream.indirect_vreg.gather [hbm4b:s1+s3], $0x80, v3, vm0, $0xb8;
	[tilespmem:$0x19000] =	vst v63  }
0x1de: {  	_ = 	snop  }
0x1df: {  	[tilespmem:s17], [sflag:$0x3] =	stream.indirect_vreg.gather [hbm4b:s8+s3], $0x80, v3, vm0, $0xb8;
	[tilespmem:$0x19000] =	vst v63  }
0x1e0: {  	_ = 	snop  }
0x1e1: {  	[tilespmem:s14], [sflag:$0x3] =	stream.indirect_vreg.gather [hbm4b:s9+s3], $0x80, v3, vm0, $0xb8;
	[tilespmem:$0x19000] =	vst v63  }
0x1e2: {  	_ =	swait.ge [sflag:s23], $0x6000  }
0x1e3: {  	[sflag:s23] =	ssyncset.done $0x0  }
0x1e4: {  	s16 =	simm.s32 $0x13000;
	s14 =	rddreg [dreg:$0xd];
	[sflag:s23] =	ssyncadd.s32 $0xFFFFA000  }
0x1e5: {  	[hbm4b:s14+s3] =	stream.linear.scatter [tilespmem:s16], [sflag:$0x8], $0x6000, $0x38;
	[tilespmem:$0x19000] =	vst v63  }
0x1e6: {  	_ =	swait.ge [sflag:s25], $0x6000  }
0x1e7: {  	[sflag:s25] =	ssyncset.done $0x0  }
0x1e8: {  	[sflag:s25] =	ssyncadd.s32 $0xFFFFA000  }
0x1e9: {  	v3 =	vld [tilespmem:$0x280];
	_ =	sdelay $0x4  }
0x1ea: {  	v20 =	vshrl.u32 v3, $0x3  }
0x1eb: {  	v4 =	vmul.u32 $0x30, v20  }
0x1ec: {  	v3 =	vand.u32 $0x7, v3  }
0x1ed: {  	v3 =	vor.u32 v3, v4  }
0x1ee: {  	v4 =	vperm.xlane v3, v0;
	_ =	sdelay $0x1  }
0x1ef: {  	v4 =	vadd.s32 v1, v4;
	_ =	sdelay $0x3  }
0x1f0: {  	v3 =	vperm.xlane v3, v2  }
0x1f1: {  	[tilespmem:s2], [sflag:$0x2] =	stream.indirect_vreg.gather [hbm4b:s5+s3], $0x80, v4, vm0, $0xb8;
	[tilespmem:$0x19000] =	vst v63  }
0x1f2: {  	s17 =	simm.s32 $0x7800;
	v3 =	vadd.s32 v1, v3  }
0x1f3: {  	[tilespmem:s17], [sflag:$0x2] =	stream.indirect_vreg.gather [hbm4b:s6+s3], $0x80, v4, vm0, $0xb8;
	[tilespmem:$0x19000] =	vst v63  }
0x1f4: {  	s18 =	simm.s32 $0x8000  }
0x1f5: {  	[tilespmem:s18], [sflag:$0x2] =	stream.indirect_vreg.gather [hbm4b:s7+s3], $0x80, v4, vm0, $0xb8;
	[tilespmem:$0x19000] =	vst v63  }
0x1f6: {  	s30 =	simm.s32 $0x8800  }
0x1f7: {  	[tilespmem:s30], [sflag:$0x2] =	stream.indirect_vreg.gather [hbm4b:s5+s3], $0x80, v3, vm0, $0xb8;
	[tilespmem:$0x19000] =	vst v63  }
0x1f8: {  	_ = 	snop  }
0x1f9: {  	[tilespmem:s10], [sflag:$0x2] =	stream.indirect_vreg.gather [hbm4b:s6+s3], $0x80, v3, vm0, $0xb8;
	[tilespmem:$0x19000] =	vst v63  }
0x1fa: {  	s10 =	simm.s32 $0x9800  }
0x1fb: {  	[tilespmem:s10], [sflag:$0x2] =	stream.indirect_vreg.gather [hbm4b:s7+s3], $0x80, v3, vm0, $0xb8;
	[tilespmem:$0x19000] =	vst v63  }
0x1fc: {  	v3 =	vld [tilespmem:$0x290];
	_ =	sdelay $0x4  }
0x1fd: {  	v21 =	vshrl.u32 v3, $0x3  }
0x1fe: {  	v4 =	vmul.u32 $0x30, v21  }
0x1ff: {  	v3 =	vand.u32 $0x7, v3  }
0x200: {  	v3 =	vor.u32 v3, v4  }
0x201: {  	v4 =	vperm.xlane v3, v0;
	_ =	sdelay $0x1  }
0x202: {  	v4 =	vadd.s32 v1, v4;
	_ =	sdelay $0x3  }
0x203: {  	s2 =	simm.s32 $0xA000;
	v3 =	vperm.xlane v3, v2  }
0x204: {  	[tilespmem:s2], [sflag:$0x2] =	stream.indirect_vreg.gather [hbm4b:s5+s3], $0x80, v4, vm0, $0xb8;
	[tilespmem:$0x19000] =	vst v63  }
0x205: {  	v3 =	vadd.s32 v1, v3  }
0x206: {  	[tilespmem:s11], [sflag:$0x2] =	stream.indirect_vreg.gather [hbm4b:s6+s3], $0x80, v4, vm0, $0xb8;
	[tilespmem:$0x19000] =	vst v63  }
0x207: {  	_ = 	snop  }
0x208: {  	[tilespmem:s12], [sflag:$0x2] =	stream.indirect_vreg.gather [hbm4b:s7+s3], $0x80, v4, vm0, $0xb8;
	[tilespmem:$0x19000] =	vst v63  }
0x209: {  	_ = 	snop  }
0x20a: {  	[tilespmem:s13], [sflag:$0x2] =	stream.indirect_vreg.gather [hbm4b:s5+s3], $0x80, v3, vm0, $0xb8;
	[tilespmem:$0x19000] =	vst v63  }
0x20b: {  	_ = 	snop  }
0x20c: {  	[tilespmem:s15], [sflag:$0x2] =	stream.indirect_vreg.gather [hbm4b:s6+s3], $0x80, v3, vm0, $0xb8;
	[tilespmem:$0x19000] =	vst v63  }
0x20d: {  	s11 =	simm.s32 $0xC800  }
0x20e: {  	[tilespmem:s11], [sflag:$0x2] =	stream.indirect_vreg.gather [hbm4b:s7+s3], $0x80, v3, vm0, $0xb8;
	[tilespmem:$0x19000] =	vst v63  }
0x20f: {  	_ =	swait.ge [sflag:s29], $0x6000  }
0x210: {  	[sflag:s29] =	ssyncset.done $0x0  }
0x211: {  	s2 =	simm.s32 $0x1000;
	s12 =	rddreg [dreg:$0xe];
	[sflag:s29] =	ssyncadd.s32 $0xFFFFA000  }
0x212: {  	[hbm4b:s12+s3] =	stream.linear.scatter [tilespmem:s2], [sflag:$0x5], $0x6000, $0x38;
	[tilespmem:$0x19000] =	vst v63  }
0x213: {  	_ =	swait.ge [sflag:s26], $0x6000  }
0x214: {  	[sflag:s26] =	ssyncset.done $0x0  }
0x215: {  	[sflag:s26] =	ssyncadd.s32 $0xFFFFA000  }
0x216: {  	v3 =	vld [tilespmem:$0xA80];
	_ =	sdelay $0x4  }
0x217: {  	v22 =	vshrl.u32 v3, $0x3  }
0x218: {  	v4 =	vmul.u32 $0x30, v22  }
0x219: {  	v3 =	vand.u32 $0x7, v3  }
0x21a: {  	v3 =	vor.u32 v3, v4  }
0x21b: {  	v4 =	vperm.xlane v3, v0;
	_ =	sdelay $0x1  }
0x21c: {  	v4 =	vadd.s32 v1, v4;
	_ =	sdelay $0x3  }
0x21d: {  	v3 =	vperm.xlane v3, v2  }
0x21e: {  	[tilespmem:s16], [sflag:$0x4] =	stream.indirect_vreg.gather [hbm4b:s1+s3], $0x80, v4, vm0, $0xb8;
	[tilespmem:$0x19000] =	vst v63  }
0x21f: {  	s17 =	simm.s32 $0x13800;
	v3 =	vadd.s32 v1, v3  }
0x220: {  	[tilespmem:s17], [sflag:$0x4] =	stream.indirect_vreg.gather [hbm4b:s8+s3], $0x80, v4, vm0, $0xb8;
	[tilespmem:$0x19000] =	vst v63  }
0x221: {  	s13 =	simm.s32 $0x14000  }
0x222: {  	[tilespmem:s13], [sflag:$0x4] =	stream.indirect_vreg.gather [hbm4b:s9+s3], $0x80, v4, vm0, $0xb8;
	[tilespmem:$0x19000] =	vst v63  }
0x223: {  	s14 =	simm.s32 $0x14800  }
0x224: {  	[tilespmem:s14], [sflag:$0x4] =	stream.indirect_vreg.gather [hbm4b:s1+s3], $0x80, v3, vm0, $0xb8;
	[tilespmem:$0x19000] =	vst v63  }
0x225: {  	s15 =	simm.s32 $0x15000  }
0x226: {  	[tilespmem:s15], [sflag:$0x4] =	stream.indirect_vreg.gather [hbm4b:s8+s3], $0x80, v3, vm0, $0xb8;
	[tilespmem:$0x19000] =	vst v63  }
0x227: {  	s18 =	simm.s32 $0x15800  }
0x228: {  	[tilespmem:s18], [sflag:$0x4] =	stream.indirect_vreg.gather [hbm4b:s9+s3], $0x80, v3, vm0, $0xb8;
	[tilespmem:$0x19000] =	vst v63  }
0x229: {  	v3 =	vld [tilespmem:$0xA90];
	_ =	sdelay $0x4  }
0x22a: {  	v23 =	vshrl.u32 v3, $0x3  }
0x22b: {  	v4 =	vmul.u32 $0x30, v23  }
0x22c: {  	v3 =	vand.u32 $0x7, v3  }
0x22d: {  	v3 =	vor.u32 v3, v4  }
0x22e: {  	v4 =	vperm.xlane v3, v0;
	_ =	sdelay $0x1  }
0x22f: {  	v4 =	vadd.s32 v1, v4;
	_ =	sdelay $0x3  }
0x230: {  	s15 =	simm.s32 $0x16000;
	v3 =	vperm.xlane v3, v2  }
0x231: {  	[tilespmem:s15], [sflag:$0x4] =	stream.indirect_vreg.gather [hbm4b:s1+s3], $0x80, v4, vm0, $0xb8;
	[tilespmem:$0x19000] =	vst v63  }
0x232: {  	s16 =	simm.s32 $0x16800;
	v3 =	vadd.s32 v1, v3  }
0x233: {  	[tilespmem:s16], [sflag:$0x4] =	stream.indirect_vreg.gather [hbm4b:s8+s3], $0x80, v4, vm0, $0xb8;
	[tilespmem:$0x19000] =	vst v63  }
0x234: {  	s12 =	simm.s32 $0x17000  }
0x235: {  	[tilespmem:s12], [sflag:$0x4] =	stream.indirect_vreg.gather [hbm4b:s9+s3], $0x80, v4, vm0, $0xb8;
	[tilespmem:$0x19000] =	vst v63  }
0x236: {  	s13 =	simm.s32 $0x17800  }
0x237: {  	[tilespmem:s13], [sflag:$0x4] =	stream.indirect_vreg.gather [hbm4b:s1+s3], $0x80, v3, vm0, $0xb8;
	[tilespmem:$0x19000] =	vst v63  }
0x238: {  	s14 =	simm.s32 $0x18000  }
0x239: {  	[tilespmem:s14], [sflag:$0x4] =	stream.indirect_vreg.gather [hbm4b:s8+s3], $0x80, v3, vm0, $0xb8;
	[tilespmem:$0x19000] =	vst v63  }
0x23a: {  	s16 =	simm.s32 $0x18800  }
0x23b: {  	[tilespmem:s16], [sflag:$0x4] =	stream.indirect_vreg.gather [hbm4b:s9+s3], $0x80, v3, vm0, $0xb8;
	[tilespmem:$0x19000] =	vst v63  }
0x23c: {  	_ =	swait.ge [sflag:s19], $0x6000  }
0x23d: {  	[sflag:s19] =	ssyncset.done $0x0  }
0x23e: {  	s0 =	simm.s32 $0xD000;
	s30 =	rddreg [dreg:$0xf];
	[sflag:s19] =	ssyncadd.s32 $0xFFFFA000  }
0x23f: {  	[hbm4b:s30+s3] =	stream.linear.scatter [tilespmem:s0], [sflag:$0x7], $0x6000, $0x38;
	[tilespmem:$0x19000] =	vst v63  }
0x240: {  	_ =	swait.ge [sflag:s20], $0x6000  }
0x241: {  	[sflag:s20] =	ssyncset.done $0x0  }
0x242: {  	[sflag:s20] =	ssyncadd.s32 $0xFFFFA000  }
0x243: {  	v3 =	vld [tilespmem:$0x300];
	_ =	sdelay $0x4  }
0x244: {  	v24 =	vshrl.u32 v3, $0x3  }
0x245: {  	v4 =	vmul.u32 $0x30, v24  }
0x246: {  	v3 =	vand.u32 $0x7, v3  }
0x247: {  	v3 =	vor.u32 v3, v4  }
0x248: {  	v4 =	vperm.xlane v3, v0;
	_ =	sdelay $0x1  }
0x249: {  	v4 =	vadd.s32 v1, v4;
	_ =	sdelay $0x3  }
0x24a: {  	v3 =	vperm.xlane v3, v2  }
0x24b: {  	[tilespmem:s2], [sflag:$0x1] =	stream.indirect_vreg.gather [hbm4b:s5+s3], $0x80, v4, vm0, $0xb8;
	[tilespmem:$0x19000] =	vst v63  }
0x24c: {  	s30 =	simm.s32 $0x1800;
	v3 =	vadd.s32 v1, v3  }
0x24d: {  	[tilespmem:s30], [sflag:$0x1] =	stream.indirect_vreg.gather [hbm4b:s6+s3], $0x80, v4, vm0, $0xb8;
	[tilespmem:$0x19000] =	vst v63  }
0x24e: {  	s30 =	simm.s32 $0x2000  }
0x24f: {  	[tilespmem:s30], [sflag:$0x1] =	stream.indirect_vreg.gather [hbm4b:s7+s3], $0x80, v4, vm0, $0xb8;
	[tilespmem:$0x19000] =	vst v63  }
0x250: {  	_ = 	snop  }
0x251: {  	[tilespmem:s24], [sflag:$0x1] =	stream.indirect_vreg.gather [hbm4b:s5+s3], $0x80, v3, vm0, $0xb8;
	[tilespmem:$0x19000] =	vst v63  }
0x252: {  	s30 =	simm.s32 $0x3000  }
0x253: {  	[tilespmem:s30], [sflag:$0x1] =	stream.indirect_vreg.gather [hbm4b:s6+s3], $0x80, v3, vm0, $0xb8;
	[tilespmem:$0x19000] =	vst v63  }
0x254: {  	_ = 	snop  }
0x255: {  	[tilespmem:s4], [sflag:$0x1] =	stream.indirect_vreg.gather [hbm4b:s7+s3], $0x80, v3, vm0, $0xb8;
	[tilespmem:$0x19000] =	vst v63  }
0x256: {  	v3 =	vld [tilespmem:$0x310];
	_ =	sdelay $0x4  }
0x257: {  	v25 =	vshrl.u32 v3, $0x3  }
0x258: {  	v4 =	vmul.u32 $0x30, v25  }
0x259: {  	v3 =	vand.u32 $0x7, v3  }
0x25a: {  	v3 =	vor.u32 v3, v4  }
0x25b: {  	v4 =	vperm.xlane v3, v0;
	_ =	sdelay $0x1  }
0x25c: {  	v4 =	vadd.s32 v1, v4;
	_ =	sdelay $0x3  }
0x25d: {  	s30 =	simm.s32 $0x4000;
	v3 =	vperm.xlane v3, v2  }
0x25e: {  	[tilespmem:s30], [sflag:$0x1] =	stream.indirect_vreg.gather [hbm4b:s5+s3], $0x80, v4, vm0, $0xb8;
	[tilespmem:$0x19000] =	vst v63  }
0x25f: {  	v3 =	vadd.s32 v1, v3;
	s30 =	simm.s32 $0x4800  }
0x260: {  	[tilespmem:s30], [sflag:$0x1] =	stream.indirect_vreg.gather [hbm4b:s6+s3], $0x80, v4, vm0, $0xb8;
	[tilespmem:$0x19000] =	vst v63  }
0x261: {  	_ = 	snop  }
0x262: {  	[tilespmem:s31], [sflag:$0x1] =	stream.indirect_vreg.gather [hbm4b:s7+s3], $0x80, v4, vm0, $0xb8;
	[tilespmem:$0x19000] =	vst v63  }
0x263: {  	_ = 	snop  }
0x264: {  	[tilespmem:s28], [sflag:$0x1] =	stream.indirect_vreg.gather [hbm4b:s5+s3], $0x80, v3, vm0, $0xb8;
	[tilespmem:$0x19000] =	vst v63  }
0x265: {  	s30 =	simm.s32 $0x6000  }
0x266: {  	[tilespmem:s30], [sflag:$0x1] =	stream.indirect_vreg.gather [hbm4b:s6+s3], $0x80, v3, vm0, $0xb8;
	[tilespmem:$0x19000] =	vst v63  }
0x267: {  	s31 =	simm.s32 $0x6800  }
0x268: {  	[tilespmem:s31], [sflag:$0x1] =	stream.indirect_vreg.gather [hbm4b:s7+s3], $0x80, v3, vm0, $0xb8;
	[tilespmem:$0x19000] =	vst v63  }
0x269: {  	_ =	swait.ge [sflag:s21], $0x6000  }
0x26a: {  	[sflag:s21] =	ssyncset.done $0x0  }
0x26b: {  	s2 =	simm.s32 $0x7000;
	s28 =	rddreg [dreg:$0x10];
	[sflag:s21] =	ssyncadd.s32 $0xFFFFA000  }
0x26c: {  	[hbm4b:s28+s3] =	stream.linear.scatter [tilespmem:s2], [sflag:$0x6], $0x6000, $0x38;
	[tilespmem:$0x19000] =	vst v63  }
0x26d: {  	_ =	swait.ge [sflag:s22], $0x6000  }
0x26e: {  	[sflag:s22] =	ssyncset.done $0x0  }
0x26f: {  	[sflag:s22] =	ssyncadd.s32 $0xFFFFA000  }
0x270: {  	v3 =	vld [tilespmem:$0xB00];
	_ =	sdelay $0x4  }
0x271: {  	v26 =	vshrl.u32 v3, $0x3  }
0x272: {  	v4 =	vmul.u32 $0x30, v26  }
0x273: {  	v3 =	vand.u32 $0x7, v3  }
0x274: {  	v3 =	vor.u32 v3, v4  }
0x275: {  	v4 =	vperm.xlane v3, v0;
	_ =	sdelay $0x1  }
0x276: {  	v4 =	vadd.s32 v1, v4;
	_ =	sdelay $0x3  }
0x277: {  	v3 =	vperm.xlane v3, v2  }
0x278: {  	[tilespmem:s0], [sflag:$0x3] =	stream.indirect_vreg.gather [hbm4b:s1+s3], $0x80, v4, vm0, $0xb8;
	[tilespmem:$0x19000] =	vst v63  }
0x279: {  	s31 =	simm.s32 $0xD800;
	v3 =	vadd.s32 v1, v3  }
0x27a: {  	[tilespmem:s31], [sflag:$0x3] =	stream.indirect_vreg.gather [hbm4b:s8+s3], $0x80, v4, vm0, $0xb8;
	[tilespmem:$0x19000] =	vst v63  }
0x27b: {  	s28 =	simm.s32 $0xE000  }
0x27c: {  	[tilespmem:s28], [sflag:$0x3] =	stream.indirect_vreg.gather [hbm4b:s9+s3], $0x80, v4, vm0, $0xb8;
	[tilespmem:$0x19000] =	vst v63  }
0x27d: {  	s30 =	simm.s32 $0xE800  }
0x27e: {  	[tilespmem:s30], [sflag:$0x3] =	stream.indirect_vreg.gather [hbm4b:s1+s3], $0x80, v3, vm0, $0xb8;
	[tilespmem:$0x19000] =	vst v63  }
0x27f: {  	s31 =	simm.s32 $0xF000  }
0x280: {  	[tilespmem:s31], [sflag:$0x3] =	stream.indirect_vreg.gather [hbm4b:s8+s3], $0x80, v3, vm0, $0xb8;
	[tilespmem:$0x19000] =	vst v63  }
0x281: {  	s28 =	simm.s32 $0xF800  }
0x282: {  	[tilespmem:s28], [sflag:$0x3] =	stream.indirect_vreg.gather [hbm4b:s9+s3], $0x80, v3, vm0, $0xb8;
	[tilespmem:$0x19000] =	vst v63  }
0x283: {  	v3 =	vld [tilespmem:$0xB10];
	_ =	sdelay $0x4  }
0x284: {  	v27 =	vshrl.u32 v3, $0x3  }
0x285: {  	v4 =	vmul.u32 $0x30, v27  }
0x286: {  	v3 =	vand.u32 $0x7, v3  }
0x287: {  	v3 =	vor.u32 v3, v4  }
0x288: {  	v4 =	vperm.xlane v3, v0;
	_ =	sdelay $0x1  }
0x289: {  	v4 =	vadd.s32 v1, v4;
	_ =	sdelay $0x3  }
0x28a: {  	s30 =	simm.s32 $0x10000;
	v3 =	vperm.xlane v3, v2  }
0x28b: {  	[tilespmem:s30], [sflag:$0x3] =	stream.indirect_vreg.gather [hbm4b:s1+s3], $0x80, v4, vm0, $0xb8;
	[tilespmem:$0x19000] =	vst v63  }
0x28c: {  	s31 =	simm.s32 $0x10800;
	v3 =	vadd.s32 v1, v3  }
0x28d: {  	[tilespmem:s31], [sflag:$0x3] =	stream.indirect_vreg.gather [hbm4b:s8+s3], $0x80, v4, vm0, $0xb8;
	[tilespmem:$0x19000] =	vst v63  }
0x28e: {  	s28 =	simm.s32 $0x11000  }
0x28f: {  	[tilespmem:s28], [sflag:$0x3] =	stream.indirect_vreg.gather [hbm4b:s9+s3], $0x80, v4, vm0, $0xb8;
	[tilespmem:$0x19000] =	vst v63  }
0x290: {  	s30 =	simm.s32 $0x11800  }
0x291: {  	[tilespmem:s30], [sflag:$0x3] =	stream.indirect_vreg.gather [hbm4b:s1+s3], $0x80, v3, vm0, $0xb8;
	[tilespmem:$0x19000] =	vst v63  }
0x292: {  	s31 =	simm.s32 $0x12000  }
0x293: {  	[tilespmem:s31], [sflag:$0x3] =	stream.indirect_vreg.gather [hbm4b:s8+s3], $0x80, v3, vm0, $0xb8;
	[tilespmem:$0x19000] =	vst v63  }
0x294: {  	s31 =	simm.s32 $0x12800  }
0x295: {  	[tilespmem:s31], [sflag:$0x3] =	stream.indirect_vreg.gather [hbm4b:s9+s3], $0x80, v3, vm0, $0xb8;
	[tilespmem:$0x19000] =	vst v63  }
0x296: {  	_ =	swait.ge [sflag:s23], $0x6000  }
0x297: {  	[sflag:s23] =	ssyncset.done $0x0  }
0x298: {  	s28 =	simm.s32 $0x13000;
	s0 =	rddreg [dreg:$0x11];
	[sflag:s23] =	ssyncadd.s32 $0xFFFFA000  }
0x299: {  	[hbm4b:s0+s3] =	stream.linear.scatter [tilespmem:s28], [sflag:$0x8], $0x6000, $0x38;
	[tilespmem:$0x19000] =	vst v63  }
0x29a: {  	_ =	swait.ge [sflag:s25], $0x6000  }
0x29b: {  	[sflag:s25] =	ssyncset.done $0x0  }
0x29c: {  	[sflag:s25] =	ssyncadd.s32 $0xFFFFA000  }
0x29d: {  	v3 =	vld [tilespmem:$0x380];
	_ =	sdelay $0x4  }
0x29e: {  	v28 =	vshrl.u32 v3, $0x3  }
0x29f: {  	v4 =	vmul.u32 $0x30, v28  }
0x2a0: {  	v3 =	vand.u32 $0x7, v3  }
0x2a1: {  	v3 =	vor.u32 v3, v4  }
0x2a2: {  	v4 =	vperm.xlane v3, v0;
	_ =	sdelay $0x1  }
0x2a3: {  	v4 =	vadd.s32 v1, v4;
	_ =	sdelay $0x3  }
0x2a4: {  	v3 =	vperm.xlane v3, v2  }
0x2a5: {  	[tilespmem:s2], [sflag:$0x2] =	stream.indirect_vreg.gather [hbm4b:s5+s3], $0x80, v4, vm0, $0xb8;
	[tilespmem:$0x19000] =	vst v63  }
0x2a6: {  	v3 =	vadd.s32 v1, v3;
	s2 =	simm.s32 $0x7800  }
0x2a7: {  	[tilespmem:s2], [sflag:$0x2] =	stream.indirect_vreg.gather [hbm4b:s6+s3], $0x80, v4, vm0, $0xb8;
	[tilespmem:$0x19000] =	vst v63  }
0x2a8: {  	s30 =	simm.s32 $0x8000  }
0x2a9: {  	[tilespmem:s30], [sflag:$0x2] =	stream.indirect_vreg.gather [hbm4b:s7+s3], $0x80, v4, vm0, $0xb8;
	[tilespmem:$0x19000] =	vst v63  }
0x2aa: {  	s2 =	simm.s32 $0x8800  }
0x2ab: {  	[tilespmem:s2], [sflag:$0x2] =	stream.indirect_vreg.gather [hbm4b:s5+s3], $0x80, v3, vm0, $0xb8;
	[tilespmem:$0x19000] =	vst v63  }
0x2ac: {  	s30 =	simm.s32 $0x9000  }
0x2ad: {  	[tilespmem:s30], [sflag:$0x2] =	stream.indirect_vreg.gather [hbm4b:s6+s3], $0x80, v3, vm0, $0xb8;
	[tilespmem:$0x19000] =	vst v63  }
0x2ae: {  	_ = 	snop  }
0x2af: {  	[tilespmem:s10], [sflag:$0x2] =	stream.indirect_vreg.gather [hbm4b:s7+s3], $0x80, v3, vm0, $0xb8;
	[tilespmem:$0x19000] =	vst v63  }
0x2b0: {  	v3 =	vld [tilespmem:$0x390];
	_ =	sdelay $0x4  }
0x2b1: {  	v29 =	vshrl.u32 v3, $0x3  }
0x2b2: {  	v4 =	vmul.u32 $0x30, v29  }
0x2b3: {  	v3 =	vand.u32 $0x7, v3  }
0x2b4: {  	v3 =	vor.u32 v3, v4  }
0x2b5: {  	v4 =	vperm.xlane v3, v0;
	_ =	sdelay $0x1  }
0x2b6: {  	v4 =	vadd.s32 v1, v4;
	_ =	sdelay $0x3  }
0x2b7: {  	s2 =	simm.s32 $0xA000;
	v3 =	vperm.xlane v3, v2  }
0x2b8: {  	[tilespmem:s2], [sflag:$0x2] =	stream.indirect_vreg.gather [hbm4b:s5+s3], $0x80, v4, vm0, $0xb8;
	[tilespmem:$0x19000] =	vst v63  }
0x2b9: {  	s30 =	simm.s32 $0xA800;
	v3 =	vadd.s32 v1, v3  }
0x2ba: {  	[tilespmem:s30], [sflag:$0x2] =	stream.indirect_vreg.gather [hbm4b:s6+s3], $0x80, v4, vm0, $0xb8;
	[tilespmem:$0x19000] =	vst v63  }
0x2bb: {  	s2 =	simm.s32 $0xB000  }
0x2bc: {  	[tilespmem:s2], [sflag:$0x2] =	stream.indirect_vreg.gather [hbm4b:s7+s3], $0x80, v4, vm0, $0xb8;
	[tilespmem:$0x19000] =	vst v63  }
0x2bd: {  	s30 =	simm.s32 $0xB800  }
0x2be: {  	[tilespmem:s30], [sflag:$0x2] =	stream.indirect_vreg.gather [hbm4b:s5+s3], $0x80, v3, vm0, $0xb8;
	[tilespmem:$0x19000] =	vst v63  }
0x2bf: {  	s2 =	simm.s32 $0xC000  }
0x2c0: {  	[tilespmem:s2], [sflag:$0x2] =	stream.indirect_vreg.gather [hbm4b:s6+s3], $0x80, v3, vm0, $0xb8;
	[tilespmem:$0x19000] =	vst v63  }
0x2c1: {  	_ = 	snop  }
0x2c2: {  	[tilespmem:s11], [sflag:$0x2] =	stream.indirect_vreg.gather [hbm4b:s7+s3], $0x80, v3, vm0, $0xb8;
	[tilespmem:$0x19000] =	vst v63  }
0x2c3: {  	_ =	swait.ge [sflag:s29], $0x6000  }
0x2c4: {  	[sflag:s29] =	ssyncset.done $0x0  }
0x2c5: {  	s0 =	simm.s32 $0x1000;
	s11 =	rddreg [dreg:$0x12];
	[sflag:s29] =	ssyncadd.s32 $0xFFFFA000  }
0x2c6: {  	[hbm4b:s11+s3] =	stream.linear.scatter [tilespmem:s0], [sflag:$0x5], $0x6000, $0x38;
	[tilespmem:$0x19000] =	vst v63  }
0x2c7: {  	_ =	swait.ge [sflag:s26], $0x6000  }
0x2c8: {  	[sflag:s26] =	ssyncset.done $0x0  }
0x2c9: {  	[sflag:s26] =	ssyncadd.s32 $0xFFFFA000  }
0x2ca: {  	v3 =	vld [tilespmem:$0xB80];
	_ =	sdelay $0x4  }
0x2cb: {  	v30 =	vshrl.u32 v3, $0x3  }
0x2cc: {  	v4 =	vmul.u32 $0x30, v30  }
0x2cd: {  	v3 =	vand.u32 $0x7, v3  }
0x2ce: {  	v3 =	vor.u32 v3, v4  }
0x2cf: {  	v4 =	vperm.xlane v3, v0;
	_ =	sdelay $0x1  }
0x2d0: {  	v4 =	vadd.s32 v1, v4;
	_ =	sdelay $0x3  }
0x2d1: {  	v3 =	vperm.xlane v3, v2  }
0x2d2: {  	[tilespmem:s28], [sflag:$0x4] =	stream.indirect_vreg.gather [hbm4b:s1+s3], $0x80, v4, vm0, $0xb8;
	[tilespmem:$0x19000] =	vst v63  }
0x2d3: {  	v3 =	vadd.s32 v1, v3  }
0x2d4: {  	[tilespmem:s17], [sflag:$0x4] =	stream.indirect_vreg.gather [hbm4b:s8+s3], $0x80, v4, vm0, $0xb8;
	[tilespmem:$0x19000] =	vst v63  }
0x2d5: {  	s17 =	simm.s32 $0x14000  }
0x2d6: {  	[tilespmem:s17], [sflag:$0x4] =	stream.indirect_vreg.gather [hbm4b:s9+s3], $0x80, v4, vm0, $0xb8;
	[tilespmem:$0x19000] =	vst v63  }
0x2d7: {  	s28 =	simm.s32 $0x14800  }
0x2d8: {  	[tilespmem:s28], [sflag:$0x4] =	stream.indirect_vreg.gather [hbm4b:s1+s3], $0x80, v3, vm0, $0xb8;
	[tilespmem:$0x19000] =	vst v63  }
0x2d9: {  	s30 =	simm.s32 $0x15000  }
0x2da: {  	[tilespmem:s30], [sflag:$0x4] =	stream.indirect_vreg.gather [hbm4b:s8+s3], $0x80, v3, vm0, $0xb8;
	[tilespmem:$0x19000] =	vst v63  }
0x2db: {  	_ = 	snop  }
0x2dc: {  	[tilespmem:s18], [sflag:$0x4] =	stream.indirect_vreg.gather [hbm4b:s9+s3], $0x80, v3, vm0, $0xb8;
	[tilespmem:$0x19000] =	vst v63  }
0x2dd: {  	v3 =	vld [tilespmem:$0xB90];
	_ =	sdelay $0x4  }
0x2de: {  	v31 =	vshrl.u32 v3, $0x3  }
0x2df: {  	v4 =	vmul.u32 $0x30, v31  }
0x2e0: {  	v3 =	vand.u32 $0x7, v3  }
0x2e1: {  	v3 =	vor.u32 v3, v4  }
0x2e2: {  	v4 =	vperm.xlane v3, v0;
	_ =	sdelay $0x1  }
0x2e3: {  	v4 =	vadd.s32 v1, v4;
	_ =	sdelay $0x3  }
0x2e4: {  	v3 =	vperm.xlane v3, v2  }
0x2e5: {  	[tilespmem:s15], [sflag:$0x4] =	stream.indirect_vreg.gather [hbm4b:s1+s3], $0x80, v4, vm0, $0xb8;
	[tilespmem:$0x19000] =	vst v63  }
0x2e6: {  	s11 =	simm.s32 $0x16800;
	v3 =	vadd.s32 v1, v3  }
0x2e7: {  	[tilespmem:s11], [sflag:$0x4] =	stream.indirect_vreg.gather [hbm4b:s8+s3], $0x80, v4, vm0, $0xb8;
	[tilespmem:$0x19000] =	vst v63  }
0x2e8: {  	_ = 	snop  }
0x2e9: {  	[tilespmem:s12], [sflag:$0x4] =	stream.indirect_vreg.gather [hbm4b:s9+s3], $0x80, v4, vm0, $0xb8;
	[tilespmem:$0x19000] =	vst v63  }
0x2ea: {  	_ = 	snop  }
0x2eb: {  	[tilespmem:s13], [sflag:$0x4] =	stream.indirect_vreg.gather [hbm4b:s1+s3], $0x80, v3, vm0, $0xb8;
	[tilespmem:$0x19000] =	vst v63  }
0x2ec: {  	_ = 	snop  }
0x2ed: {  	[tilespmem:s14], [sflag:$0x4] =	stream.indirect_vreg.gather [hbm4b:s8+s3], $0x80, v3, vm0, $0xb8;
	[tilespmem:$0x19000] =	vst v63  }
0x2ee: {  	_ = 	snop  }
0x2ef: {  	[tilespmem:s16], [sflag:$0x4] =	stream.indirect_vreg.gather [hbm4b:s9+s3], $0x80, v3, vm0, $0xb8;
	[tilespmem:$0x19000] =	vst v63  }
0x2f0: {  	_ =	swait.ge [sflag:s19], $0x6000  }
0x2f1: {  	[sflag:s19] =	ssyncset.done $0x0  }
0x2f2: {  	s15 =	simm.s32 $0xD000;
	s14 =	rddreg [dreg:$0x13];
	[sflag:s19] =	ssyncadd.s32 $0xFFFFA000  }
0x2f3: {  	[hbm4b:s14+s3] =	stream.linear.scatter [tilespmem:s15], [sflag:$0x7], $0x6000, $0x38;
	[tilespmem:$0x19000] =	vst v63  }
0x2f4: {  	_ =	swait.ge [sflag:s20], $0x6000  }
0x2f5: {  	[sflag:s20] =	ssyncset.done $0x0  }
0x2f6: {  	[sflag:s20] =	ssyncadd.s32 $0xFFFFA000  }
0x2f7: {  	v3 =	vld [tilespmem:$0x400];
	_ =	sdelay $0x4  }
0x2f8: {  	v32 =	vshrl.u32 v3, $0x3  }
0x2f9: {  	v4 =	vmul.u32 $0x30, v32  }
0x2fa: {  	v3 =	vand.u32 $0x7, v3  }
0x2fb: {  	v3 =	vor.u32 v3, v4  }
0x2fc: {  	v4 =	vperm.xlane v3, v0;
	_ =	sdelay $0x1  }
0x2fd: {  	v4 =	vadd.s32 v1, v4;
	_ =	sdelay $0x3  }
0x2fe: {  	v3 =	vperm.xlane v3, v2  }
0x2ff: {  	[tilespmem:s0], [sflag:$0x1] =	stream.indirect_vreg.gather [hbm4b:s5+s3], $0x80, v4, vm0, $0xb8;
	[tilespmem:$0x19000] =	vst v63  }
0x300: {  	s16 =	simm.s32 $0x1800;
	v3 =	vadd.s32 v1, v3  }
0x301: {  	[tilespmem:s16], [sflag:$0x1] =	stream.indirect_vreg.gather [hbm4b:s6+s3], $0x80, v4, vm0, $0xb8;
	[tilespmem:$0x19000] =	vst v63  }
0x302: {  	s17 =	simm.s32 $0x2000  }
0x303: {  	[tilespmem:s17], [sflag:$0x1] =	stream.indirect_vreg.gather [hbm4b:s7+s3], $0x80, v4, vm0, $0xb8;
	[tilespmem:$0x19000] =	vst v63  }
0x304: {  	s24 =	simm.s32 $0x2800  }
0x305: {  	[tilespmem:s24], [sflag:$0x1] =	stream.indirect_vreg.gather [hbm4b:s5+s3], $0x80, v3, vm0, $0xb8;
	[tilespmem:$0x19000] =	vst v63  }
0x306: {  	s18 =	simm.s32 $0x3000  }
0x307: {  	[tilespmem:s18], [sflag:$0x1] =	stream.indirect_vreg.gather [hbm4b:s6+s3], $0x80, v3, vm0, $0xb8;
	[tilespmem:$0x19000] =	vst v63  }
0x308: {  	s4 =	simm.s32 $0x3800  }
0x309: {  	[tilespmem:s4], [sflag:$0x1] =	stream.indirect_vreg.gather [hbm4b:s7+s3], $0x80, v3, vm0, $0xb8;
	[tilespmem:$0x19000] =	vst v63  }
0x30a: {  	v3 =	vld [tilespmem:$0x410];
	_ =	sdelay $0x4  }
0x30b: {  	v33 =	vshrl.u32 v3, $0x3  }
0x30c: {  	v4 =	vmul.u32 $0x30, v33  }
0x30d: {  	v3 =	vand.u32 $0x7, v3  }
0x30e: {  	v3 =	vor.u32 v3, v4  }
0x30f: {  	v4 =	vperm.xlane v3, v0;
	_ =	sdelay $0x1  }
0x310: {  	v4 =	vadd.s32 v1, v4;
	_ =	sdelay $0x3  }
0x311: {  	s24 =	simm.s32 $0x4000;
	v3 =	vperm.xlane v3, v2  }
0x312: {  	[tilespmem:s24], [sflag:$0x1] =	stream.indirect_vreg.gather [hbm4b:s5+s3], $0x80, v4, vm0, $0xb8;
	[tilespmem:$0x19000] =	vst v63  }
0x313: {  	s4 =	simm.s32 $0x4800;
	v3 =	vadd.s32 v1, v3  }
0x314: {  	[tilespmem:s4], [sflag:$0x1] =	stream.indirect_vreg.gather [hbm4b:s6+s3], $0x80, v4, vm0, $0xb8;
	[tilespmem:$0x19000] =	vst v63  }
0x315: {  	s28 =	simm.s32 $0x5000  }
0x316: {  	[tilespmem:s28], [sflag:$0x1] =	stream.indirect_vreg.gather [hbm4b:s7+s3], $0x80, v4, vm0, $0xb8;
	[tilespmem:$0x19000] =	vst v63  }
0x317: {  	s30 =	simm.s32 $0x5800  }
0x318: {  	[tilespmem:s30], [sflag:$0x1] =	stream.indirect_vreg.gather [hbm4b:s5+s3], $0x80, v3, vm0, $0xb8;
	[tilespmem:$0x19000] =	vst v63  }
0x319: {  	s11 =	simm.s32 $0x6000  }
0x31a: {  	[tilespmem:s11], [sflag:$0x1] =	stream.indirect_vreg.gather [hbm4b:s6+s3], $0x80, v3, vm0, $0xb8;
	[tilespmem:$0x19000] =	vst v63  }
0x31b: {  	s12 =	simm.s32 $0x6800  }
0x31c: {  	[tilespmem:s12], [sflag:$0x1] =	stream.indirect_vreg.gather [hbm4b:s7+s3], $0x80, v3, vm0, $0xb8;
	[tilespmem:$0x19000] =	vst v63  }
0x31d: {  	_ =	swait.ge [sflag:s21], $0x6000  }
0x31e: {  	[sflag:s21] =	ssyncset.done $0x0  }
0x31f: {  	s14 =	simm.s32 $0x7000;
	s13 =	rddreg [dreg:$0x14];
	[sflag:s21] =	ssyncadd.s32 $0xFFFFA000  }
0x320: {  	[hbm4b:s13+s3] =	stream.linear.scatter [tilespmem:s14], [sflag:$0x6], $0x6000, $0x38;
	[tilespmem:$0x19000] =	vst v63  }
0x321: {  	_ =	swait.ge [sflag:s22], $0x6000  }
0x322: {  	[sflag:s22] =	ssyncset.done $0x0  }
0x323: {  	[sflag:s22] =	ssyncadd.s32 $0xFFFFA000  }
0x324: {  	v3 =	vld [tilespmem:$0xC00];
	_ =	sdelay $0x4  }
0x325: {  	v34 =	vshrl.u32 v3, $0x3  }
0x326: {  	v4 =	vmul.u32 $0x30, v34  }
0x327: {  	v3 =	vand.u32 $0x7, v3  }
0x328: {  	v3 =	vor.u32 v3, v4  }
0x329: {  	v4 =	vperm.xlane v3, v0;
	_ =	sdelay $0x1  }
0x32a: {  	v4 =	vadd.s32 v1, v4;
	_ =	sdelay $0x3  }
0x32b: {  	v3 =	vperm.xlane v3, v2  }
0x32c: {  	[tilespmem:s15], [sflag:$0x3] =	stream.indirect_vreg.gather [hbm4b:s1+s3], $0x80, v4, vm0, $0xb8;
	[tilespmem:$0x19000] =	vst v63  }
0x32d: {  	v3 =	vadd.s32 v1, v3;
	s15 =	simm.s32 $0xD800  }
0x32e: {  	[tilespmem:s15], [sflag:$0x3] =	stream.indirect_vreg.gather [hbm4b:s8+s3], $0x80, v4, vm0, $0xb8;
	[tilespmem:$0x19000] =	vst v63  }
0x32f: {  	s16 =	simm.s32 $0xE000  }
0x330: {  	[tilespmem:s16], [sflag:$0x3] =	stream.indirect_vreg.gather [hbm4b:s9+s3], $0x80, v4, vm0, $0xb8;
	[tilespmem:$0x19000] =	vst v63  }
0x331: {  	s17 =	simm.s32 $0xE800  }
0x332: {  	[tilespmem:s17], [sflag:$0x3] =	stream.indirect_vreg.gather [hbm4b:s1+s3], $0x80, v3, vm0, $0xb8;
	[tilespmem:$0x19000] =	vst v63  }
0x333: {  	s18 =	simm.s32 $0xF000  }
0x334: {  	[tilespmem:s18], [sflag:$0x3] =	stream.indirect_vreg.gather [hbm4b:s8+s3], $0x80, v3, vm0, $0xb8;
	[tilespmem:$0x19000] =	vst v63  }
0x335: {  	s24 =	simm.s32 $0xF800  }
0x336: {  	[tilespmem:s24], [sflag:$0x3] =	stream.indirect_vreg.gather [hbm4b:s9+s3], $0x80, v3, vm0, $0xb8;
	[tilespmem:$0x19000] =	vst v63  }
0x337: {  	v3 =	vld [tilespmem:$0xC10];
	_ =	sdelay $0x4  }
0x338: {  	v35 =	vshrl.u32 v3, $0x3  }
0x339: {  	v4 =	vmul.u32 $0x30, v35  }
0x33a: {  	v3 =	vand.u32 $0x7, v3  }
0x33b: {  	v3 =	vor.u32 v3, v4  }
0x33c: {  	v4 =	vperm.xlane v3, v0;
	_ =	sdelay $0x1  }
0x33d: {  	v4 =	vadd.s32 v1, v4;
	_ =	sdelay $0x3  }
0x33e: {  	s28 =	simm.s32 $0x10000;
	v3 =	vperm.xlane v3, v2  }
0x33f: {  	[tilespmem:s28], [sflag:$0x3] =	stream.indirect_vreg.gather [hbm4b:s1+s3], $0x80, v4, vm0, $0xb8;
	[tilespmem:$0x19000] =	vst v63  }
0x340: {  	s30 =	simm.s32 $0x10800;
	v3 =	vadd.s32 v1, v3  }
0x341: {  	[tilespmem:s30], [sflag:$0x3] =	stream.indirect_vreg.gather [hbm4b:s8+s3], $0x80, v4, vm0, $0xb8;
	[tilespmem:$0x19000] =	vst v63  }
0x342: {  	s18 =	simm.s32 $0x11000  }
0x343: {  	[tilespmem:s18], [sflag:$0x3] =	stream.indirect_vreg.gather [hbm4b:s9+s3], $0x80, v4, vm0, $0xb8;
	[tilespmem:$0x19000] =	vst v63  }
0x344: {  	s24 =	simm.s32 $0x11800  }
0x345: {  	[tilespmem:s24], [sflag:$0x3] =	stream.indirect_vreg.gather [hbm4b:s1+s3], $0x80, v3, vm0, $0xb8;
	[tilespmem:$0x19000] =	vst v63  }
0x346: {  	s28 =	simm.s32 $0x12000  }
0x347: {  	[tilespmem:s28], [sflag:$0x3] =	stream.indirect_vreg.gather [hbm4b:s8+s3], $0x80, v3, vm0, $0xb8;
	[tilespmem:$0x19000] =	vst v63  }
0x348: {  	_ = 	snop  }
0x349: {  	[tilespmem:s31], [sflag:$0x3] =	stream.indirect_vreg.gather [hbm4b:s9+s3], $0x80, v3, vm0, $0xb8;
	[tilespmem:$0x19000] =	vst v63  }
0x34a: {  	_ =	swait.ge [sflag:s23], $0x6000  }
0x34b: {  	[sflag:s23] =	ssyncset.done $0x0  }
0x34c: {  	s2 =	simm.s32 $0x13000;
	s0 =	rddreg [dreg:$0x15];
	[sflag:s23] =	ssyncadd.s32 $0xFFFFA000  }
0x34d: {  	[hbm4b:s0+s3] =	stream.linear.scatter [tilespmem:s2], [sflag:$0x8], $0x6000, $0x38;
	[tilespmem:$0x19000] =	vst v63  }
0x34e: {  	_ =	swait.ge [sflag:s25], $0x6000  }
0x34f: {  	[sflag:s25] =	ssyncset.done $0x0  }
0x350: {  	[sflag:s25] =	ssyncadd.s32 $0xFFFFA000  }
0x351: {  	v3 =	vld [tilespmem:$0x480];
	_ =	sdelay $0x4  }
0x352: {  	v36 =	vshrl.u32 v3, $0x3  }
0x353: {  	v4 =	vmul.u32 $0x30, v36  }
0x354: {  	v3 =	vand.u32 $0x7, v3  }
0x355: {  	v3 =	vor.u32 v3, v4  }
0x356: {  	v4 =	vperm.xlane v3, v0;
	_ =	sdelay $0x1  }
0x357: {  	v4 =	vadd.s32 v1, v4;
	_ =	sdelay $0x3  }
0x358: {  	v3 =	vperm.xlane v3, v2  }
0x359: {  	[tilespmem:s14], [sflag:$0x2] =	stream.indirect_vreg.gather [hbm4b:s5+s3], $0x80, v4, vm0, $0xb8;
	[tilespmem:$0x19000] =	vst v63  }
0x35a: {  	s16 =	simm.s32 $0x7800;
	v3 =	vadd.s32 v1, v3  }
0x35b: {  	[tilespmem:s16], [sflag:$0x2] =	stream.indirect_vreg.gather [hbm4b:s6+s3], $0x80, v4, vm0, $0xb8;
	[tilespmem:$0x19000] =	vst v63  }
0x35c: {  	s13 =	simm.s32 $0x8000  }
0x35d: {  	[tilespmem:s13], [sflag:$0x2] =	stream.indirect_vreg.gather [hbm4b:s7+s3], $0x80, v4, vm0, $0xb8;
	[tilespmem:$0x19000] =	vst v63  }
0x35e: {  	s14 =	simm.s32 $0x8800  }
0x35f: {  	[tilespmem:s14], [sflag:$0x2] =	stream.indirect_vreg.gather [hbm4b:s5+s3], $0x80, v3, vm0, $0xb8;
	[tilespmem:$0x19000] =	vst v63  }
0x360: {  	s12 =	simm.s32 $0x9000  }
0x361: {  	[tilespmem:s12], [sflag:$0x2] =	stream.indirect_vreg.gather [hbm4b:s6+s3], $0x80, v3, vm0, $0xb8;
	[tilespmem:$0x19000] =	vst v63  }
0x362: {  	s10 =	simm.s32 $0x9800  }
0x363: {  	[tilespmem:s10], [sflag:$0x2] =	stream.indirect_vreg.gather [hbm4b:s7+s3], $0x80, v3, vm0, $0xb8;
	[tilespmem:$0x19000] =	vst v63  }
0x364: {  	v3 =	vld [tilespmem:$0x490];
	_ =	sdelay $0x4  }
0x365: {  	v37 =	vshrl.u32 v3, $0x3  }
0x366: {  	v4 =	vmul.u32 $0x30, v37  }
0x367: {  	v3 =	vand.u32 $0x7, v3  }
0x368: {  	v3 =	vor.u32 v3, v4  }
0x369: {  	v4 =	vperm.xlane v3, v0;
	_ =	sdelay $0x1  }
0x36a: {  	v4 =	vadd.s32 v1, v4;
	_ =	sdelay $0x3  }
0x36b: {  	s15 =	simm.s32 $0xA000;
	v3 =	vperm.xlane v3, v2  }
0x36c: {  	[tilespmem:s15], [sflag:$0x2] =	stream.indirect_vreg.gather [hbm4b:s5+s3], $0x80, v4, vm0, $0xb8;
	[tilespmem:$0x19000] =	vst v63  }
0x36d: {  	s17 =	simm.s32 $0xA800;
	v3 =	vadd.s32 v1, v3  }
0x36e: {  	[tilespmem:s17], [sflag:$0x2] =	stream.indirect_vreg.gather [hbm4b:s6+s3], $0x80, v4, vm0, $0xb8;
	[tilespmem:$0x19000] =	vst v63  }
0x36f: {  	s14 =	simm.s32 $0xB000  }
0x370: {  	[tilespmem:s14], [sflag:$0x2] =	stream.indirect_vreg.gather [hbm4b:s7+s3], $0x80, v4, vm0, $0xb8;
	[tilespmem:$0x19000] =	vst v63  }
0x371: {  	s15 =	simm.s32 $0xB800  }
0x372: {  	[tilespmem:s15], [sflag:$0x2] =	stream.indirect_vreg.gather [hbm4b:s5+s3], $0x80, v3, vm0, $0xb8;
	[tilespmem:$0x19000] =	vst v63  }
0x373: {  	s17 =	simm.s32 $0xC000  }
0x374: {  	[tilespmem:s17], [sflag:$0x2] =	stream.indirect_vreg.gather [hbm4b:s6+s3], $0x80, v3, vm0, $0xb8;
	[tilespmem:$0x19000] =	vst v63  }
0x375: {  	s30 =	simm.s32 $0xC800  }
0x376: {  	[tilespmem:s30], [sflag:$0x2] =	stream.indirect_vreg.gather [hbm4b:s7+s3], $0x80, v3, vm0, $0xb8;
	[tilespmem:$0x19000] =	vst v63  }
0x377: {  	_ =	swait.ge [sflag:s29], $0x6000  }
0x378: {  	[sflag:s29] =	ssyncset.done $0x0  }
0x379: {  	s10 =	simm.s32 $0x1000;
	s0 =	rddreg [dreg:$0x16];
	[sflag:s29] =	ssyncadd.s32 $0xFFFFA000  }
0x37a: {  	[hbm4b:s0+s3] =	stream.linear.scatter [tilespmem:s10], [sflag:$0x5], $0x6000, $0x38;
	[tilespmem:$0x19000] =	vst v63  }
0x37b: {  	_ =	swait.ge [sflag:s26], $0x6000  }
0x37c: {  	[sflag:s26] =	ssyncset.done $0x0  }
0x37d: {  	[sflag:s26] =	ssyncadd.s32 $0xFFFFA000  }
0x37e: {  	v3 =	vld [tilespmem:$0xC80];
	_ =	sdelay $0x4  }
0x37f: {  	v38 =	vshrl.u32 v3, $0x3  }
0x380: {  	v4 =	vmul.u32 $0x30, v38  }
0x381: {  	v3 =	vand.u32 $0x7, v3  }
0x382: {  	v3 =	vor.u32 v3, v4  }
0x383: {  	v4 =	vperm.xlane v3, v0;
	_ =	sdelay $0x1  }
0x384: {  	v4 =	vadd.s32 v1, v4;
	_ =	sdelay $0x3  }
0x385: {  	v3 =	vperm.xlane v3, v2  }
0x386: {  	[tilespmem:s2], [sflag:$0x4] =	stream.indirect_vreg.gather [hbm4b:s1+s3], $0x80, v4, vm0, $0xb8;
	[tilespmem:$0x19000] =	vst v63  }
0x387: {  	s31 =	simm.s32 $0x13800;
	v3 =	vadd.s32 v1, v3  }
0x388: {  	[tilespmem:s31], [sflag:$0x4] =	stream.indirect_vreg.gather [hbm4b:s8+s3], $0x80, v4, vm0, $0xb8;
	[tilespmem:$0x19000] =	vst v63  }
0x389: {  	s2 =	simm.s32 $0x14000  }
0x38a: {  	[tilespmem:s2], [sflag:$0x4] =	stream.indirect_vreg.gather [hbm4b:s9+s3], $0x80, v4, vm0, $0xb8;
	[tilespmem:$0x19000] =	vst v63  }
0x38b: {  	s11 =	simm.s32 $0x14800  }
0x38c: {  	[tilespmem:s11], [sflag:$0x4] =	stream.indirect_vreg.gather [hbm4b:s1+s3], $0x80, v3, vm0, $0xb8;
	[tilespmem:$0x19000] =	vst v63  }
0x38d: {  	s30 =	simm.s32 $0x15000  }
0x38e: {  	[tilespmem:s30], [sflag:$0x4] =	stream.indirect_vreg.gather [hbm4b:s8+s3], $0x80, v3, vm0, $0xb8;
	[tilespmem:$0x19000] =	vst v63  }
0x38f: {  	s2 =	simm.s32 $0x15800  }
0x390: {  	[tilespmem:s2], [sflag:$0x4] =	stream.indirect_vreg.gather [hbm4b:s9+s3], $0x80, v3, vm0, $0xb8;
	[tilespmem:$0x19000] =	vst v63  }
0x391: {  	v3 =	vld [tilespmem:$0xC90];
	_ =	sdelay $0x4  }
0x392: {  	v39 =	vshrl.u32 v3, $0x3  }
0x393: {  	v4 =	vmul.u32 $0x30, v39  }
0x394: {  	v3 =	vand.u32 $0x7, v3  }
0x395: {  	v3 =	vor.u32 v3, v4  }
0x396: {  	v4 =	vperm.xlane v3, v0;
	_ =	sdelay $0x1  }
0x397: {  	v4 =	vadd.s32 v1, v4;
	_ =	sdelay $0x3  }
0x398: {  	s11 =	simm.s32 $0x16000;
	v3 =	vperm.xlane v3, v2  }
0x399: {  	[tilespmem:s11], [sflag:$0x4] =	stream.indirect_vreg.gather [hbm4b:s1+s3], $0x80, v4, vm0, $0xb8;
	[tilespmem:$0x19000] =	vst v63  }
0x39a: {  	s30 =	simm.s32 $0x16800;
	v3 =	vadd.s32 v1, v3  }
0x39b: {  	[tilespmem:s30], [sflag:$0x4] =	stream.indirect_vreg.gather [hbm4b:s8+s3], $0x80, v4, vm0, $0xb8;
	[tilespmem:$0x19000] =	vst v63  }
0x39c: {  	s2 =	simm.s32 $0x17000  }
0x39d: {  	[tilespmem:s2], [sflag:$0x4] =	stream.indirect_vreg.gather [hbm4b:s9+s3], $0x80, v4, vm0, $0xb8;
	[tilespmem:$0x19000] =	vst v63  }
0x39e: {  	s11 =	simm.s32 $0x17800  }
0x39f: {  	[tilespmem:s11], [sflag:$0x4] =	stream.indirect_vreg.gather [hbm4b:s1+s3], $0x80, v3, vm0, $0xb8;
	[tilespmem:$0x19000] =	vst v63  }
0x3a0: {  	s30 =	simm.s32 $0x18000  }
0x3a1: {  	[tilespmem:s30], [sflag:$0x4] =	stream.indirect_vreg.gather [hbm4b:s8+s3], $0x80, v3, vm0, $0xb8;
	[tilespmem:$0x19000] =	vst v63  }
0x3a2: {  	s2 =	simm.s32 $0x18800  }
0x3a3: {  	[tilespmem:s2], [sflag:$0x4] =	stream.indirect_vreg.gather [hbm4b:s9+s3], $0x80, v3, vm0, $0xb8;
	[tilespmem:$0x19000] =	vst v63  }
0x3a4: {  	_ =	swait.ge [sflag:s19], $0x6000  }
0x3a5: {  	[sflag:s19] =	ssyncset.done $0x0  }
0x3a6: {  	s0 =	simm.s32 $0xD000;
	s11 =	rddreg [dreg:$0x17];
	[sflag:s19] =	ssyncadd.s32 $0xFFFFA000  }
0x3a7: {  	[hbm4b:s11+s3] =	stream.linear.scatter [tilespmem:s0], [sflag:$0x7], $0x6000, $0x38;
	[tilespmem:$0x19000] =	vst v63  }
0x3a8: {  	_ =	swait.ge [sflag:s20], $0x6000  }
0x3a9: {  	[sflag:s20] =	ssyncset.done $0x0  }
0x3aa: {  	[sflag:s20] =	ssyncadd.s32 $0xFFFFA000  }
0x3ab: {  	v3 =	vld [tilespmem:$0x500];
	_ =	sdelay $0x4  }
0x3ac: {  	v40 =	vshrl.u32 v3, $0x3  }
0x3ad: {  	v4 =	vmul.u32 $0x30, v40  }
0x3ae: {  	v3 =	vand.u32 $0x7, v3  }
0x3af: {  	v3 =	vor.u32 v3, v4  }
0x3b0: {  	v4 =	vperm.xlane v3, v0;
	_ =	sdelay $0x1  }
0x3b1: {  	v4 =	vadd.s32 v1, v4;
	_ =	sdelay $0x3  }
0x3b2: {  	v3 =	vperm.xlane v3, v2  }
0x3b3: {  	[tilespmem:s10], [sflag:$0x1] =	stream.indirect_vreg.gather [hbm4b:s5+s3], $0x80, v4, vm0, $0xb8;
	[tilespmem:$0x19000] =	vst v63  }
0x3b4: {  	s30 =	simm.s32 $0x1800;
	v3 =	vadd.s32 v1, v3  }
0x3b5: {  	[tilespmem:s30], [sflag:$0x1] =	stream.indirect_vreg.gather [hbm4b:s6+s3], $0x80, v4, vm0, $0xb8;
	[tilespmem:$0x19000] =	vst v63  }
0x3b6: {  	s11 =	simm.s32 $0x2000  }
0x3b7: {  	[tilespmem:s11], [sflag:$0x1] =	stream.indirect_vreg.gather [hbm4b:s7+s3], $0x80, v4, vm0, $0xb8;
	[tilespmem:$0x19000] =	vst v63  }
0x3b8: {  	s30 =	simm.s32 $0x2800  }
0x3b9: {  	[tilespmem:s30], [sflag:$0x1] =	stream.indirect_vreg.gather [hbm4b:s5+s3], $0x80, v3, vm0, $0xb8;
	[tilespmem:$0x19000] =	vst v63  }
0x3ba: {  	s11 =	simm.s32 $0x3000  }
0x3bb: {  	[tilespmem:s11], [sflag:$0x1] =	stream.indirect_vreg.gather [hbm4b:s6+s3], $0x80, v3, vm0, $0xb8;
	[tilespmem:$0x19000] =	vst v63  }
0x3bc: {  	s11 =	simm.s32 $0x3800  }
0x3bd: {  	[tilespmem:s11], [sflag:$0x1] =	stream.indirect_vreg.gather [hbm4b:s7+s3], $0x80, v3, vm0, $0xb8;
	[tilespmem:$0x19000] =	vst v63  }
0x3be: {  	v3 =	vld [tilespmem:$0x510];
	_ =	sdelay $0x4  }
0x3bf: {  	v41 =	vshrl.u32 v3, $0x3  }
0x3c0: {  	v4 =	vmul.u32 $0x30, v41  }
0x3c1: {  	v3 =	vand.u32 $0x7, v3  }
0x3c2: {  	v3 =	vor.u32 v3, v4  }
0x3c3: {  	v4 =	vperm.xlane v3, v0;
	_ =	sdelay $0x1  }
0x3c4: {  	v4 =	vadd.s32 v1, v4;
	_ =	sdelay $0x3  }
0x3c5: {  	s30 =	simm.s32 $0x4000;
	v3 =	vperm.xlane v3, v2  }
0x3c6: {  	[tilespmem:s30], [sflag:$0x1] =	stream.indirect_vreg.gather [hbm4b:s5+s3], $0x80, v4, vm0, $0xb8;
	[tilespmem:$0x19000] =	vst v63  }
0x3c7: {  	v3 =	vadd.s32 v1, v3  }
0x3c8: {  	[tilespmem:s4], [sflag:$0x1] =	stream.indirect_vreg.gather [hbm4b:s6+s3], $0x80, v4, vm0, $0xb8;
	[tilespmem:$0x19000] =	vst v63  }
0x3c9: {  	s10 =	simm.s32 $0x5000  }
0x3ca: {  	[tilespmem:s10], [sflag:$0x1] =	stream.indirect_vreg.gather [hbm4b:s7+s3], $0x80, v4, vm0, $0xb8;
	[tilespmem:$0x19000] =	vst v63  }
0x3cb: {  	s30 =	simm.s32 $0x5800  }
0x3cc: {  	[tilespmem:s30], [sflag:$0x1] =	stream.indirect_vreg.gather [hbm4b:s5+s3], $0x80, v3, vm0, $0xb8;
	[tilespmem:$0x19000] =	vst v63  }
0x3cd: {  	s30 =	simm.s32 $0x6000  }
0x3ce: {  	[tilespmem:s30], [sflag:$0x1] =	stream.indirect_vreg.gather [hbm4b:s6+s3], $0x80, v3, vm0, $0xb8;
	[tilespmem:$0x19000] =	vst v63  }
0x3cf: {  	s30 =	simm.s32 $0x6800  }
0x3d0: {  	[tilespmem:s30], [sflag:$0x1] =	stream.indirect_vreg.gather [hbm4b:s7+s3], $0x80, v3, vm0, $0xb8;
	[tilespmem:$0x19000] =	vst v63  }
0x3d1: {  	_ =	swait.ge [sflag:s21], $0x6000  }
0x3d2: {  	[sflag:s21] =	ssyncset.done $0x0  }
0x3d3: {  	s4 =	simm.s32 $0x7000;
	s30 =	rddreg [dreg:$0x18];
	[sflag:s21] =	ssyncadd.s32 $0xFFFFA000  }
0x3d4: {  	[hbm4b:s30+s3] =	stream.linear.scatter [tilespmem:s4], [sflag:$0x6], $0x6000, $0x38;
	[tilespmem:$0x19000] =	vst v63  }
0x3d5: {  	_ =	swait.ge [sflag:s22], $0x6000  }
0x3d6: {  	[sflag:s22] =	ssyncset.done $0x0  }
0x3d7: {  	[sflag:s22] =	ssyncadd.s32 $0xFFFFA000  }
0x3d8: {  	v3 =	vld [tilespmem:$0xD00];
	_ =	sdelay $0x4  }
0x3d9: {  	v42 =	vshrl.u32 v3, $0x3  }
0x3da: {  	v4 =	vmul.u32 $0x30, v42  }
0x3db: {  	v3 =	vand.u32 $0x7, v3  }
0x3dc: {  	v3 =	vor.u32 v3, v4  }
0x3dd: {  	v4 =	vperm.xlane v3, v0;
	_ =	sdelay $0x1  }
0x3de: {  	v4 =	vadd.s32 v1, v4;
	_ =	sdelay $0x3  }
0x3df: {  	v3 =	vperm.xlane v3, v2  }
0x3e0: {  	[tilespmem:s0], [sflag:$0x3] =	stream.indirect_vreg.gather [hbm4b:s1+s3], $0x80, v4, vm0, $0xb8;
	[tilespmem:$0x19000] =	vst v63  }
0x3e1: {  	s30 =	simm.s32 $0xD800;
	v3 =	vadd.s32 v1, v3  }
0x3e2: {  	[tilespmem:s30], [sflag:$0x3] =	stream.indirect_vreg.gather [hbm4b:s8+s3], $0x80, v4, vm0, $0xb8;
	[tilespmem:$0x19000] =	vst v63  }
0x3e3: {  	s30 =	simm.s32 $0xE000  }
0x3e4: {  	[tilespmem:s30], [sflag:$0x3] =	stream.indirect_vreg.gather [hbm4b:s9+s3], $0x80, v4, vm0, $0xb8;
	[tilespmem:$0x19000] =	vst v63  }
0x3e5: {  	s30 =	simm.s32 $0xE800  }
0x3e6: {  	[tilespmem:s30], [sflag:$0x3] =	stream.indirect_vreg.gather [hbm4b:s1+s3], $0x80, v3, vm0, $0xb8;
	[tilespmem:$0x19000] =	vst v63  }
0x3e7: {  	s30 =	simm.s32 $0xF000  }
0x3e8: {  	[tilespmem:s30], [sflag:$0x3] =	stream.indirect_vreg.gather [hbm4b:s8+s3], $0x80, v3, vm0, $0xb8;
	[tilespmem:$0x19000] =	vst v63  }
0x3e9: {  	s30 =	simm.s32 $0xF800  }
0x3ea: {  	[tilespmem:s30], [sflag:$0x3] =	stream.indirect_vreg.gather [hbm4b:s9+s3], $0x80, v3, vm0, $0xb8;
	[tilespmem:$0x19000] =	vst v63  }
0x3eb: {  	v3 =	vld [tilespmem:$0xD10];
	_ =	sdelay $0x4  }
0x3ec: {  	v43 =	vshrl.u32 v3, $0x3  }
0x3ed: {  	v4 =	vmul.u32 $0x30, v43  }
0x3ee: {  	v3 =	vand.u32 $0x7, v3  }
0x3ef: {  	v3 =	vor.u32 v3, v4  }
0x3f0: {  	v4 =	vperm.xlane v3, v0;
	_ =	sdelay $0x1  }
0x3f1: {  	v4 =	vadd.s32 v1, v4;
	_ =	sdelay $0x3  }
0x3f2: {  	s30 =	simm.s32 $0x10000;
	v3 =	vperm.xlane v3, v2  }
0x3f3: {  	[tilespmem:s30], [sflag:$0x3] =	stream.indirect_vreg.gather [hbm4b:s1+s3], $0x80, v4, vm0, $0xb8;
	[tilespmem:$0x19000] =	vst v63  }
0x3f4: {  	v3 =	vadd.s32 v1, v3;
	s30 =	simm.s32 $0x10800  }
0x3f5: {  	[tilespmem:s30], [sflag:$0x3] =	stream.indirect_vreg.gather [hbm4b:s8+s3], $0x80, v4, vm0, $0xb8;
	[tilespmem:$0x19000] =	vst v63  }
0x3f6: {  	_ = 	snop  }
0x3f7: {  	[tilespmem:s18], [sflag:$0x3] =	stream.indirect_vreg.gather [hbm4b:s9+s3], $0x80, v4, vm0, $0xb8;
	[tilespmem:$0x19000] =	vst v63  }
0x3f8: {  	_ = 	snop  }
0x3f9: {  	[tilespmem:s24], [sflag:$0x3] =	stream.indirect_vreg.gather [hbm4b:s1+s3], $0x80, v3, vm0, $0xb8;
	[tilespmem:$0x19000] =	vst v63  }
0x3fa: {  	_ = 	snop  }
0x3fb: {  	[tilespmem:s28], [sflag:$0x3] =	stream.indirect_vreg.gather [hbm4b:s8+s3], $0x80, v3, vm0, $0xb8;
	[tilespmem:$0x19000] =	vst v63  }
0x3fc: {  	s0 =	simm.s32 $0x12800  }
0x3fd: {  	[tilespmem:s0], [sflag:$0x3] =	stream.indirect_vreg.gather [hbm4b:s9+s3], $0x80, v3, vm0, $0xb8;
	[tilespmem:$0x19000] =	vst v63  }
0x3fe: {  	_ =	swait.ge [sflag:s23], $0x6000  }
0x3ff: {  	[sflag:s23] =	ssyncset.done $0x0  }
0x400: {  	s18 =	simm.s32 $0x13000;
	s28 =	rddreg [dreg:$0x19];
	[sflag:s23] =	ssyncadd.s32 $0xFFFFA000  }
0x401: {  	[hbm4b:s28+s3] =	stream.linear.scatter [tilespmem:s18], [sflag:$0x8], $0x6000, $0x38;
	[tilespmem:$0x19000] =	vst v63  }
0x402: {  	_ =	swait.ge [sflag:s25], $0x6000  }
0x403: {  	[sflag:s25] =	ssyncset.done $0x0  }
0x404: {  	[sflag:s25] =	ssyncadd.s32 $0xFFFFA000  }
0x405: {  	v3 =	vld [tilespmem:$0x580];
	_ =	sdelay $0x4  }
0x406: {  	v44 =	vshrl.u32 v3, $0x3  }
0x407: {  	v4 =	vmul.u32 $0x30, v44  }
0x408: {  	v3 =	vand.u32 $0x7, v3  }
0x409: {  	v3 =	vor.u32 v3, v4  }
0x40a: {  	v4 =	vperm.xlane v3, v0;
	_ =	sdelay $0x1  }
0x40b: {  	v4 =	vadd.s32 v1, v4;
	_ =	sdelay $0x3  }
0x40c: {  	v3 =	vperm.xlane v3, v2  }
0x40d: {  	[tilespmem:s4], [sflag:$0x2] =	stream.indirect_vreg.gather [hbm4b:s5+s3], $0x80, v4, vm0, $0xb8;
	[tilespmem:$0x19000] =	vst v63  }
0x40e: {  	v3 =	vadd.s32 v1, v3  }
0x40f: {  	[tilespmem:s16], [sflag:$0x2] =	stream.indirect_vreg.gather [hbm4b:s6+s3], $0x80, v4, vm0, $0xb8;
	[tilespmem:$0x19000] =	vst v63  }
0x410: {  	_ = 	snop  }
0x411: {  	[tilespmem:s13], [sflag:$0x2] =	stream.indirect_vreg.gather [hbm4b:s7+s3], $0x80, v4, vm0, $0xb8;
	[tilespmem:$0x19000] =	vst v63  }
0x412: {  	s30 =	simm.s32 $0x8800  }
0x413: {  	[tilespmem:s30], [sflag:$0x2] =	stream.indirect_vreg.gather [hbm4b:s5+s3], $0x80, v3, vm0, $0xb8;
	[tilespmem:$0x19000] =	vst v63  }
0x414: {  	_ = 	snop  }
0x415: {  	[tilespmem:s12], [sflag:$0x2] =	stream.indirect_vreg.gather [hbm4b:s6+s3], $0x80, v3, vm0, $0xb8;
	[tilespmem:$0x19000] =	vst v63  }
0x416: {  	s13 =	simm.s32 $0x9800  }
0x417: {  	[tilespmem:s13], [sflag:$0x2] =	stream.indirect_vreg.gather [hbm4b:s7+s3], $0x80, v3, vm0, $0xb8;
	[tilespmem:$0x19000] =	vst v63  }
0x418: {  	v3 =	vld [tilespmem:$0x590];
	_ =	sdelay $0x4  }
0x419: {  	v45 =	vshrl.u32 v3, $0x3  }
0x41a: {  	v4 =	vmul.u32 $0x30, v45  }
0x41b: {  	v3 =	vand.u32 $0x7, v3  }
0x41c: {  	v3 =	vor.u32 v3, v4  }
0x41d: {  	v4 =	vperm.xlane v3, v0;
	_ =	sdelay $0x1  }
0x41e: {  	v4 =	vadd.s32 v1, v4;
	_ =	sdelay $0x3  }
0x41f: {  	s16 =	simm.s32 $0xA000;
	v3 =	vperm.xlane v3, v2  }
0x420: {  	[tilespmem:s16], [sflag:$0x2] =	stream.indirect_vreg.gather [hbm4b:s5+s3], $0x80, v4, vm0, $0xb8;
	[tilespmem:$0x19000] =	vst v63  }
0x421: {  	s12 =	simm.s32 $0xA800;
	v3 =	vadd.s32 v1, v3  }
0x422: {  	[tilespmem:s12], [sflag:$0x2] =	stream.indirect_vreg.gather [hbm4b:s6+s3], $0x80, v4, vm0, $0xb8;
	[tilespmem:$0x19000] =	vst v63  }
0x423: {  	_ = 	snop  }
0x424: {  	[tilespmem:s14], [sflag:$0x2] =	stream.indirect_vreg.gather [hbm4b:s7+s3], $0x80, v4, vm0, $0xb8;
	[tilespmem:$0x19000] =	vst v63  }
0x425: {  	_ = 	snop  }
0x426: {  	[tilespmem:s15], [sflag:$0x2] =	stream.indirect_vreg.gather [hbm4b:s5+s3], $0x80, v3, vm0, $0xb8;
	[tilespmem:$0x19000] =	vst v63  }
0x427: {  	_ = 	snop  }
0x428: {  	[tilespmem:s17], [sflag:$0x2] =	stream.indirect_vreg.gather [hbm4b:s6+s3], $0x80, v3, vm0, $0xb8;
	[tilespmem:$0x19000] =	vst v63  }
0x429: {  	s4 =	simm.s32 $0xC800  }
0x42a: {  	[tilespmem:s4], [sflag:$0x2] =	stream.indirect_vreg.gather [hbm4b:s7+s3], $0x80, v3, vm0, $0xb8;
	[tilespmem:$0x19000] =	vst v63  }
0x42b: {  	_ =	swait.ge [sflag:s29], $0x6000  }
0x42c: {  	[sflag:s29] =	ssyncset.done $0x0  }
0x42d: {  	s2 =	simm.s32 $0x1000;
	s17 =	rddreg [dreg:$0x1a];
	[sflag:s29] =	ssyncadd.s32 $0xFFFFA000  }
0x42e: {  	[hbm4b:s17+s3] =	stream.linear.scatter [tilespmem:s2], [sflag:$0x5], $0x6000, $0x38;
	[tilespmem:$0x19000] =	vst v63  }
0x42f: {  	_ =	swait.ge [sflag:s26], $0x6000  }
0x430: {  	[sflag:s26] =	ssyncset.done $0x0  }
0x431: {  	[sflag:s26] =	ssyncadd.s32 $0xFFFFA000  }
0x432: {  	v3 =	vld [tilespmem:$0xD80];
	_ =	sdelay $0x4  }
0x433: {  	v46 =	vshrl.u32 v3, $0x3  }
0x434: {  	v4 =	vmul.u32 $0x30, v46  }
0x435: {  	v3 =	vand.u32 $0x7, v3  }
0x436: {  	v3 =	vor.u32 v3, v4  }
0x437: {  	v4 =	vperm.xlane v3, v0;
	_ =	sdelay $0x1  }
0x438: {  	v4 =	vadd.s32 v1, v4;
	_ =	sdelay $0x3  }
0x439: {  	v3 =	vperm.xlane v3, v2  }
0x43a: {  	[tilespmem:s18], [sflag:$0x4] =	stream.indirect_vreg.gather [hbm4b:s1+s3], $0x80, v4, vm0, $0xb8;
	[tilespmem:$0x19000] =	vst v63  }
0x43b: {  	v3 =	vadd.s32 v1, v3  }
0x43c: {  	[tilespmem:s31], [sflag:$0x4] =	stream.indirect_vreg.gather [hbm4b:s8+s3], $0x80, v4, vm0, $0xb8;
	[tilespmem:$0x19000] =	vst v63  }
0x43d: {  	s18 =	simm.s32 $0x14000  }
0x43e: {  	[tilespmem:s18], [sflag:$0x4] =	stream.indirect_vreg.gather [hbm4b:s9+s3], $0x80, v4, vm0, $0xb8;
	[tilespmem:$0x19000] =	vst v63  }
0x43f: {  	s30 =	simm.s32 $0x14800  }
0x440: {  	[tilespmem:s30], [sflag:$0x4] =	stream.indirect_vreg.gather [hbm4b:s1+s3], $0x80, v3, vm0, $0xb8;
	[tilespmem:$0x19000] =	vst v63  }
0x441: {  	s31 =	simm.s32 $0x15000  }
0x442: {  	[tilespmem:s31], [sflag:$0x4] =	stream.indirect_vreg.gather [hbm4b:s8+s3], $0x80, v3, vm0, $0xb8;
	[tilespmem:$0x19000] =	vst v63  }
0x443: {  	s14 =	simm.s32 $0x15800  }
0x444: {  	[tilespmem:s14], [sflag:$0x4] =	stream.indirect_vreg.gather [hbm4b:s9+s3], $0x80, v3, vm0, $0xb8;
	[tilespmem:$0x19000] =	vst v63  }
0x445: {  	v3 =	vld [tilespmem:$0xD90];
	_ =	sdelay $0x4  }
0x446: {  	v47 =	vshrl.u32 v3, $0x3  }
0x447: {  	v4 =	vmul.u32 $0x30, v47  }
0x448: {  	v3 =	vand.u32 $0x7, v3  }
0x449: {  	v3 =	vor.u32 v3, v4  }
0x44a: {  	v4 =	vperm.xlane v3, v0;
	_ =	sdelay $0x1  }
0x44b: {  	v4 =	vadd.s32 v1, v4;
	_ =	sdelay $0x3  }
0x44c: {  	s15 =	simm.s32 $0x16000;
	v3 =	vperm.xlane v3, v2  }
0x44d: {  	[tilespmem:s15], [sflag:$0x4] =	stream.indirect_vreg.gather [hbm4b:s1+s3], $0x80, v4, vm0, $0xb8;
	[tilespmem:$0x19000] =	vst v63  }
0x44e: {  	s17 =	simm.s32 $0x16800;
	v3 =	vadd.s32 v1, v3  }
0x44f: {  	[tilespmem:s17], [sflag:$0x4] =	stream.indirect_vreg.gather [hbm4b:s8+s3], $0x80, v4, vm0, $0xb8;
	[tilespmem:$0x19000] =	vst v63  }
0x450: {  	s18 =	simm.s32 $0x17000  }
0x451: {  	[tilespmem:s18], [sflag:$0x4] =	stream.indirect_vreg.gather [hbm4b:s9+s3], $0x80, v4, vm0, $0xb8;
	[tilespmem:$0x19000] =	vst v63  }
0x452: {  	s30 =	simm.s32 $0x17800  }
0x453: {  	[tilespmem:s30], [sflag:$0x4] =	stream.indirect_vreg.gather [hbm4b:s1+s3], $0x80, v3, vm0, $0xb8;
	[tilespmem:$0x19000] =	vst v63  }
0x454: {  	s31 =	simm.s32 $0x18000  }
0x455: {  	[tilespmem:s31], [sflag:$0x4] =	stream.indirect_vreg.gather [hbm4b:s8+s3], $0x80, v3, vm0, $0xb8;
	[tilespmem:$0x19000] =	vst v63  }
0x456: {  	s14 =	simm.s32 $0x18800  }
0x457: {  	[tilespmem:s14], [sflag:$0x4] =	stream.indirect_vreg.gather [hbm4b:s9+s3], $0x80, v3, vm0, $0xb8;
	[tilespmem:$0x19000] =	vst v63  }
0x458: {  	_ =	swait.ge [sflag:s19], $0x6000  }
0x459: {  	[sflag:s19] =	ssyncset.done $0x0  }
0x45a: {  	s14 =	simm.s32 $0xD000;
	s15 =	rddreg [dreg:$0x1b];
	[sflag:s19] =	ssyncadd.s32 $0xFFFFA000  }
0x45b: {  	[hbm4b:s15+s3] =	stream.linear.scatter [tilespmem:s14], [sflag:$0x7], $0x6000, $0x38;
	[tilespmem:$0x19000] =	vst v63  }
0x45c: {  	_ =	swait.ge [sflag:s20], $0x6000  }
0x45d: {  	[sflag:s20] =	ssyncset.done $0x0  }
0x45e: {  	[sflag:s20] =	ssyncadd.s32 $0xFFFFA000  }
0x45f: {  	v3 =	vld [tilespmem:$0x600];
	_ =	sdelay $0x4  }
0x460: {  	v48 =	vshrl.u32 v3, $0x3  }
0x461: {  	v4 =	vmul.u32 $0x30, v48  }
0x462: {  	v3 =	vand.u32 $0x7, v3  }
0x463: {  	v3 =	vor.u32 v3, v4  }
0x464: {  	v4 =	vperm.xlane v3, v0;
	_ =	sdelay $0x1  }
0x465: {  	v4 =	vadd.s32 v1, v4;
	_ =	sdelay $0x3  }
0x466: {  	v3 =	vperm.xlane v3, v2  }
0x467: {  	[tilespmem:s2], [sflag:$0x1] =	stream.indirect_vreg.gather [hbm4b:s5+s3], $0x80, v4, vm0, $0xb8;
	[tilespmem:$0x19000] =	vst v63  }
0x468: {  	s17 =	simm.s32 $0x1800;
	v3 =	vadd.s32 v1, v3  }
0x469: {  	[tilespmem:s17], [sflag:$0x1] =	stream.indirect_vreg.gather [hbm4b:s6+s3], $0x80, v4, vm0, $0xb8;
	[tilespmem:$0x19000] =	vst v63  }
0x46a: {  	s18 =	simm.s32 $0x2000  }
0x46b: {  	[tilespmem:s18], [sflag:$0x1] =	stream.indirect_vreg.gather [hbm4b:s7+s3], $0x80, v4, vm0, $0xb8;
	[tilespmem:$0x19000] =	vst v63  }
0x46c: {  	s30 =	simm.s32 $0x2800  }
0x46d: {  	[tilespmem:s30], [sflag:$0x1] =	stream.indirect_vreg.gather [hbm4b:s5+s3], $0x80, v3, vm0, $0xb8;
	[tilespmem:$0x19000] =	vst v63  }
0x46e: {  	s12 =	simm.s32 $0x3000  }
0x46f: {  	[tilespmem:s12], [sflag:$0x1] =	stream.indirect_vreg.gather [hbm4b:s6+s3], $0x80, v3, vm0, $0xb8;
	[tilespmem:$0x19000] =	vst v63  }
0x470: {  	_ = 	snop  }
0x471: {  	[tilespmem:s11], [sflag:$0x1] =	stream.indirect_vreg.gather [hbm4b:s7+s3], $0x80, v3, vm0, $0xb8;
	[tilespmem:$0x19000] =	vst v63  }
0x472: {  	v3 =	vld [tilespmem:$0x610];
	_ =	sdelay $0x4  }
0x473: {  	v49 =	vshrl.u32 v3, $0x3  }
0x474: {  	v4 =	vmul.u32 $0x30, v49  }
0x475: {  	v3 =	vand.u32 $0x7, v3  }
0x476: {  	v3 =	vor.u32 v3, v4  }
0x477: {  	v4 =	vperm.xlane v3, v0;
	_ =	sdelay $0x1  }
0x478: {  	v4 =	vadd.s32 v1, v4;
	_ =	sdelay $0x3  }
0x479: {  	s17 =	simm.s32 $0x4000;
	v3 =	vperm.xlane v3, v2  }
0x47a: {  	[tilespmem:s17], [sflag:$0x1] =	stream.indirect_vreg.gather [hbm4b:s5+s3], $0x80, v4, vm0, $0xb8;
	[tilespmem:$0x19000] =	vst v63  }
0x47b: {  	s15 =	simm.s32 $0x4800;
	v3 =	vadd.s32 v1, v3  }
0x47c: {  	[tilespmem:s15], [sflag:$0x1] =	stream.indirect_vreg.gather [hbm4b:s6+s3], $0x80, v4, vm0, $0xb8;
	[tilespmem:$0x19000] =	vst v63  }
0x47d: {  	_ = 	snop  }
0x47e: {  	[tilespmem:s10], [sflag:$0x1] =	stream.indirect_vreg.gather [hbm4b:s7+s3], $0x80, v4, vm0, $0xb8;
	[tilespmem:$0x19000] =	vst v63  }
0x47f: {  	s31 =	simm.s32 $0x5800  }
0x480: {  	[tilespmem:s31], [sflag:$0x1] =	stream.indirect_vreg.gather [hbm4b:s5+s3], $0x80, v3, vm0, $0xb8;
	[tilespmem:$0x19000] =	vst v63  }
0x481: {  	s11 =	simm.s32 $0x6000  }
0x482: {  	[tilespmem:s11], [sflag:$0x1] =	stream.indirect_vreg.gather [hbm4b:s6+s3], $0x80, v3, vm0, $0xb8;
	[tilespmem:$0x19000] =	vst v63  }
0x483: {  	s18 =	simm.s32 $0x6800  }
0x484: {  	[tilespmem:s18], [sflag:$0x1] =	stream.indirect_vreg.gather [hbm4b:s7+s3], $0x80, v3, vm0, $0xb8;
	[tilespmem:$0x19000] =	vst v63  }
0x485: {  	_ =	swait.ge [sflag:s21], $0x6000  }
0x486: {  	[sflag:s21] =	ssyncset.done $0x0  }
0x487: {  	s28 =	simm.s32 $0x7000;
	s10 =	rddreg [dreg:$0x1c];
	[sflag:s21] =	ssyncadd.s32 $0xFFFFA000  }
0x488: {  	[hbm4b:s10+s3] =	stream.linear.scatter [tilespmem:s28], [sflag:$0x6], $0x6000, $0x38;
	[tilespmem:$0x19000] =	vst v63  }
0x489: {  	_ =	swait.ge [sflag:s22], $0x6000  }
0x48a: {  	[sflag:s22] =	ssyncset.done $0x0  }
0x48b: {  	[sflag:s22] =	ssyncadd.s32 $0xFFFFA000  }
0x48c: {  	v3 =	vld [tilespmem:$0xE00];
	_ =	sdelay $0x4  }
0x48d: {  	v50 =	vshrl.u32 v3, $0x3  }
0x48e: {  	v4 =	vmul.u32 $0x30, v50  }
0x48f: {  	v3 =	vand.u32 $0x7, v3  }
0x490: {  	v3 =	vor.u32 v3, v4  }
0x491: {  	v4 =	vperm.xlane v3, v0;
	_ =	sdelay $0x1  }
0x492: {  	v4 =	vadd.s32 v1, v4;
	_ =	sdelay $0x3  }
0x493: {  	v3 =	vperm.xlane v3, v2  }
0x494: {  	[tilespmem:s14], [sflag:$0x3] =	stream.indirect_vreg.gather [hbm4b:s1+s3], $0x80, v4, vm0, $0xb8;
	[tilespmem:$0x19000] =	vst v63  }
0x495: {  	v3 =	vadd.s32 v1, v3;
	s14 =	simm.s32 $0xD800  }
0x496: {  	[tilespmem:s14], [sflag:$0x3] =	stream.indirect_vreg.gather [hbm4b:s8+s3], $0x80, v4, vm0, $0xb8;
	[tilespmem:$0x19000] =	vst v63  }
0x497: {  	s30 =	simm.s32 $0xE000  }
0x498: {  	[tilespmem:s30], [sflag:$0x3] =	stream.indirect_vreg.gather [hbm4b:s9+s3], $0x80, v4, vm0, $0xb8;
	[tilespmem:$0x19000] =	vst v63  }
0x499: {  	s10 =	simm.s32 $0xE800  }
0x49a: {  	[tilespmem:s10], [sflag:$0x3] =	stream.indirect_vreg.gather [hbm4b:s1+s3], $0x80, v3, vm0, $0xb8;
	[tilespmem:$0x19000] =	vst v63  }
0x49b: {  	s14 =	simm.s32 $0xF000  }
0x49c: {  	[tilespmem:s14], [sflag:$0x3] =	stream.indirect_vreg.gather [hbm4b:s8+s3], $0x80, v3, vm0, $0xb8;
	[tilespmem:$0x19000] =	vst v63  }
0x49d: {  	s30 =	simm.s32 $0xF800  }
0x49e: {  	[tilespmem:s30], [sflag:$0x3] =	stream.indirect_vreg.gather [hbm4b:s9+s3], $0x80, v3, vm0, $0xb8;
	[tilespmem:$0x19000] =	vst v63  }
0x49f: {  	v3 =	vld [tilespmem:$0xE10];
	_ =	sdelay $0x4  }
0x4a0: {  	v51 =	vshrl.u32 v3, $0x3  }
0x4a1: {  	v4 =	vmul.u32 $0x30, v51  }
0x4a2: {  	v3 =	vand.u32 $0x7, v3  }
0x4a3: {  	v3 =	vor.u32 v3, v4  }
0x4a4: {  	v4 =	vperm.xlane v3, v0;
	_ =	sdelay $0x1  }
0x4a5: {  	v4 =	vadd.s32 v1, v4;
	_ =	sdelay $0x3  }
0x4a6: {  	s10 =	simm.s32 $0x10000;
	v3 =	vperm.xlane v3, v2  }
0x4a7: {  	[tilespmem:s10], [sflag:$0x3] =	stream.indirect_vreg.gather [hbm4b:s1+s3], $0x80, v4, vm0, $0xb8;
	[tilespmem:$0x19000] =	vst v63  }
0x4a8: {  	s14 =	simm.s32 $0x10800;
	v3 =	vadd.s32 v1, v3  }
0x4a9: {  	[tilespmem:s14], [sflag:$0x3] =	stream.indirect_vreg.gather [hbm4b:s8+s3], $0x80, v4, vm0, $0xb8;
	[tilespmem:$0x19000] =	vst v63  }
0x4aa: {  	s10 =	simm.s32 $0x11000  }
0x4ab: {  	[tilespmem:s10], [sflag:$0x3] =	stream.indirect_vreg.gather [hbm4b:s9+s3], $0x80, v4, vm0, $0xb8;
	[tilespmem:$0x19000] =	vst v63  }
0x4ac: {  	s14 =	simm.s32 $0x11800  }
0x4ad: {  	[tilespmem:s14], [sflag:$0x3] =	stream.indirect_vreg.gather [hbm4b:s1+s3], $0x80, v3, vm0, $0xb8;
	[tilespmem:$0x19000] =	vst v63  }
0x4ae: {  	s30 =	simm.s32 $0x12000  }
0x4af: {  	[tilespmem:s30], [sflag:$0x3] =	stream.indirect_vreg.gather [hbm4b:s8+s3], $0x80, v3, vm0, $0xb8;
	[tilespmem:$0x19000] =	vst v63  }
0x4b0: {  	_ = 	snop  }
0x4b1: {  	[tilespmem:s0], [sflag:$0x3] =	stream.indirect_vreg.gather [hbm4b:s9+s3], $0x80, v3, vm0, $0xb8;
	[tilespmem:$0x19000] =	vst v63  }
0x4b2: {  	_ =	swait.ge [sflag:s23], $0x6000  }
0x4b3: {  	[sflag:s23] =	ssyncset.done $0x0  }
0x4b4: {  	s24 =	simm.s32 $0x13000;
	s2 =	rddreg [dreg:$0x1d];
	[sflag:s23] =	ssyncadd.s32 $0xFFFFA000  }
0x4b5: {  	[hbm4b:s2+s3] =	stream.linear.scatter [tilespmem:s24], [sflag:$0x8], $0x6000, $0x38;
	[tilespmem:$0x19000] =	vst v63  }
0x4b6: {  	_ =	swait.ge [sflag:s25], $0x6000  }
0x4b7: {  	[sflag:s25] =	ssyncset.done $0x0  }
0x4b8: {  	[sflag:s25] =	ssyncadd.s32 $0xFFFFA000  }
0x4b9: {  	v3 =	vld [tilespmem:$0x680];
	_ =	sdelay $0x4  }
0x4ba: {  	v52 =	vshrl.u32 v3, $0x3  }
0x4bb: {  	v4 =	vmul.u32 $0x30, v52  }
0x4bc: {  	v3 =	vand.u32 $0x7, v3  }
0x4bd: {  	v3 =	vor.u32 v3, v4  }
0x4be: {  	v4 =	vperm.xlane v3, v0;
	_ =	sdelay $0x1  }
0x4bf: {  	v4 =	vadd.s32 v1, v4;
	_ =	sdelay $0x3  }
0x4c0: {  	v3 =	vperm.xlane v3, v2  }
0x4c1: {  	[tilespmem:s28], [sflag:$0x2] =	stream.indirect_vreg.gather [hbm4b:s5+s3], $0x80, v4, vm0, $0xb8;
	[tilespmem:$0x19000] =	vst v63  }
0x4c2: {  	s0 =	simm.s32 $0x7800;
	v3 =	vadd.s32 v1, v3  }
0x4c3: {  	[tilespmem:s0], [sflag:$0x2] =	stream.indirect_vreg.gather [hbm4b:s6+s3], $0x80, v4, vm0, $0xb8;
	[tilespmem:$0x19000] =	vst v63  }
0x4c4: {  	s30 =	simm.s32 $0x8000  }
0x4c5: {  	[tilespmem:s30], [sflag:$0x2] =	stream.indirect_vreg.gather [hbm4b:s7+s3], $0x80, v4, vm0, $0xb8;
	[tilespmem:$0x19000] =	vst v63  }
0x4c6: {  	s0 =	simm.s32 $0x8800  }
0x4c7: {  	[tilespmem:s0], [sflag:$0x2] =	stream.indirect_vreg.gather [hbm4b:s5+s3], $0x80, v3, vm0, $0xb8;
	[tilespmem:$0x19000] =	vst v63  }
0x4c8: {  	s30 =	simm.s32 $0x9000  }
0x4c9: {  	[tilespmem:s30], [sflag:$0x2] =	stream.indirect_vreg.gather [hbm4b:s6+s3], $0x80, v3, vm0, $0xb8;
	[tilespmem:$0x19000] =	vst v63  }
0x4ca: {  	_ = 	snop  }
0x4cb: {  	[tilespmem:s13], [sflag:$0x2] =	stream.indirect_vreg.gather [hbm4b:s7+s3], $0x80, v3, vm0, $0xb8;
	[tilespmem:$0x19000] =	vst v63  }
0x4cc: {  	v3 =	vld [tilespmem:$0x690];
	_ =	sdelay $0x4  }
0x4cd: {  	v53 =	vshrl.u32 v3, $0x3  }
0x4ce: {  	v4 =	vmul.u32 $0x30, v53  }
0x4cf: {  	v3 =	vand.u32 $0x7, v3  }
0x4d0: {  	v3 =	vor.u32 v3, v4  }
0x4d1: {  	v4 =	vperm.xlane v3, v0;
	_ =	sdelay $0x1  }
0x4d2: {  	v4 =	vadd.s32 v1, v4;
	_ =	sdelay $0x3  }
0x4d3: {  	v3 =	vperm.xlane v3, v2  }
0x4d4: {  	[tilespmem:s16], [sflag:$0x2] =	stream.indirect_vreg.gather [hbm4b:s5+s3], $0x80, v4, vm0, $0xb8;
	[tilespmem:$0x19000] =	vst v63  }
0x4d5: {  	s0 =	simm.s32 $0xA800;
	v3 =	vadd.s32 v1, v3  }
0x4d6: {  	[tilespmem:s0], [sflag:$0x2] =	stream.indirect_vreg.gather [hbm4b:s6+s3], $0x80, v4, vm0, $0xb8;
	[tilespmem:$0x19000] =	vst v63  }
0x4d7: {  	s2 =	simm.s32 $0xB000  }
0x4d8: {  	[tilespmem:s2], [sflag:$0x2] =	stream.indirect_vreg.gather [hbm4b:s7+s3], $0x80, v4, vm0, $0xb8;
	[tilespmem:$0x19000] =	vst v63  }
0x4d9: {  	s30 =	simm.s32 $0xB800  }
0x4da: {  	[tilespmem:s30], [sflag:$0x2] =	stream.indirect_vreg.gather [hbm4b:s5+s3], $0x80, v3, vm0, $0xb8;
	[tilespmem:$0x19000] =	vst v63  }
0x4db: {  	s0 =	simm.s32 $0xC000  }
0x4dc: {  	[tilespmem:s0], [sflag:$0x2] =	stream.indirect_vreg.gather [hbm4b:s6+s3], $0x80, v3, vm0, $0xb8;
	[tilespmem:$0x19000] =	vst v63  }
0x4dd: {  	_ = 	snop  }
0x4de: {  	[tilespmem:s4], [sflag:$0x2] =	stream.indirect_vreg.gather [hbm4b:s7+s3], $0x80, v3, vm0, $0xb8;
	[tilespmem:$0x19000] =	vst v63  }
0x4df: {  	_ =	swait.ge [sflag:s29], $0x6000  }
0x4e0: {  	[sflag:s29] =	ssyncset.done $0x0  }
0x4e1: {  	s13 =	simm.s32 $0x1000;
	s2 =	rddreg [dreg:$0x1e];
	[sflag:s29] =	ssyncadd.s32 $0xFFFFA000  }
0x4e2: {  	[hbm4b:s2+s3] =	stream.linear.scatter [tilespmem:s13], [sflag:$0x5], $0x6000, $0x38;
	[tilespmem:$0x19000] =	vst v63  }
0x4e3: {  	_ =	swait.ge [sflag:s26], $0x6000  }
0x4e4: {  	[sflag:s26] =	ssyncset.done $0x0  }
0x4e5: {  	[sflag:s26] =	ssyncadd.s32 $0xFFFFA000  }
0x4e6: {  	v3 =	vld [tilespmem:$0xE80];
	_ =	sdelay $0x4  }
0x4e7: {  	v54 =	vshrl.u32 v3, $0x3  }
0x4e8: {  	v4 =	vmul.u32 $0x30, v54  }
0x4e9: {  	v3 =	vand.u32 $0x7, v3  }
0x4ea: {  	v3 =	vor.u32 v3, v4  }
0x4eb: {  	v4 =	vperm.xlane v3, v0;
	_ =	sdelay $0x1  }
0x4ec: {  	v4 =	vadd.s32 v1, v4;
	_ =	sdelay $0x3  }
0x4ed: {  	v3 =	vperm.xlane v3, v2  }
0x4ee: {  	[tilespmem:s24], [sflag:$0x4] =	stream.indirect_vreg.gather [hbm4b:s1+s3], $0x80, v4, vm0, $0xb8;
	[tilespmem:$0x19000] =	vst v63  }
0x4ef: {  	s0 =	simm.s32 $0x13800;
	v3 =	vadd.s32 v1, v3  }
0x4f0: {  	[tilespmem:s0], [sflag:$0x4] =	stream.indirect_vreg.gather [hbm4b:s8+s3], $0x80, v4, vm0, $0xb8;
	[tilespmem:$0x19000] =	vst v63  }
0x4f1: {  	s2 =	simm.s32 $0x14000  }
0x4f2: {  	[tilespmem:s2], [sflag:$0x4] =	stream.indirect_vreg.gather [hbm4b:s9+s3], $0x80, v4, vm0, $0xb8;
	[tilespmem:$0x19000] =	vst v63  }
0x4f3: {  	s30 =	simm.s32 $0x14800  }
0x4f4: {  	[tilespmem:s30], [sflag:$0x4] =	stream.indirect_vreg.gather [hbm4b:s1+s3], $0x80, v3, vm0, $0xb8;
	[tilespmem:$0x19000] =	vst v63  }
0x4f5: {  	s30 =	simm.s32 $0x15000  }
0x4f6: {  	[tilespmem:s30], [sflag:$0x4] =	stream.indirect_vreg.gather [hbm4b:s8+s3], $0x80, v3, vm0, $0xb8;
	[tilespmem:$0x19000] =	vst v63  }
0x4f7: {  	s30 =	simm.s32 $0x15800  }
0x4f8: {  	[tilespmem:s30], [sflag:$0x4] =	stream.indirect_vreg.gather [hbm4b:s9+s3], $0x80, v3, vm0, $0xb8;
	[tilespmem:$0x19000] =	vst v63  }
0x4f9: {  	v3 =	vld [tilespmem:$0xE90];
	_ =	sdelay $0x4  }
0x4fa: {  	v55 =	vshrl.u32 v3, $0x3  }
0x4fb: {  	v4 =	vmul.u32 $0x30, v55  }
0x4fc: {  	v3 =	vand.u32 $0x7, v3  }
0x4fd: {  	v3 =	vor.u32 v3, v4  }
0x4fe: {  	v4 =	vperm.xlane v3, v0;
	_ =	sdelay $0x1  }
0x4ff: {  	v4 =	vadd.s32 v1, v4;
	_ =	sdelay $0x3  }
0x500: {  	s30 =	simm.s32 $0x16000;
	v3 =	vperm.xlane v3, v2  }
0x501: {  	[tilespmem:s30], [sflag:$0x4] =	stream.indirect_vreg.gather [hbm4b:s1+s3], $0x80, v4, vm0, $0xb8;
	[tilespmem:$0x19000] =	vst v63  }
0x502: {  	v3 =	vadd.s32 v1, v3;
	s30 =	simm.s32 $0x16800  }
0x503: {  	[tilespmem:s30], [sflag:$0x4] =	stream.indirect_vreg.gather [hbm4b:s8+s3], $0x80, v4, vm0, $0xb8;
	[tilespmem:$0x19000] =	vst v63  }
0x504: {  	s30 =	simm.s32 $0x17000  }
0x505: {  	[tilespmem:s30], [sflag:$0x4] =	stream.indirect_vreg.gather [hbm4b:s9+s3], $0x80, v4, vm0, $0xb8;
	[tilespmem:$0x19000] =	vst v63  }
0x506: {  	s30 =	simm.s32 $0x17800  }
0x507: {  	[tilespmem:s30], [sflag:$0x4] =	stream.indirect_vreg.gather [hbm4b:s1+s3], $0x80, v3, vm0, $0xb8;
	[tilespmem:$0x19000] =	vst v63  }
0x508: {  	s30 =	simm.s32 $0x18000  }
0x509: {  	[tilespmem:s30], [sflag:$0x4] =	stream.indirect_vreg.gather [hbm4b:s8+s3], $0x80, v3, vm0, $0xb8;
	[tilespmem:$0x19000] =	vst v63  }
0x50a: {  	s30 =	simm.s32 $0x18800  }
0x50b: {  	[tilespmem:s30], [sflag:$0x4] =	stream.indirect_vreg.gather [hbm4b:s9+s3], $0x80, v3, vm0, $0xb8;
	[tilespmem:$0x19000] =	vst v63  }
0x50c: {  	_ =	swait.ge [sflag:s19], $0x6000  }
0x50d: {  	[sflag:s19] =	ssyncset.done $0x0  }
0x50e: {  	s31 =	simm.s32 $0xD000;
	s30 =	rddreg [dreg:$0x1f];
	[sflag:s19] =	ssyncadd.s32 $0xFFFFA000  }
0x50f: {  	[hbm4b:s30+s3] =	stream.linear.scatter [tilespmem:s31], [sflag:$0x7], $0x6000, $0x38;
	[tilespmem:$0x19000] =	vst v63  }
0x510: {  	_ =	swait.ge [sflag:s20], $0x6000  }
0x511: {  	[sflag:s20] =	ssyncset.done $0x0  }
0x512: {  	[sflag:s20] =	ssyncadd.s32 $0xFFFFA000  }
0x513: {  	v3 =	vld [tilespmem:$0x700];
	_ =	sdelay $0x4  }
0x514: {  	v56 =	vshrl.u32 v3, $0x3  }
0x515: {  	v4 =	vmul.u32 $0x30, v56  }
0x516: {  	v3 =	vand.u32 $0x7, v3  }
0x517: {  	v3 =	vor.u32 v3, v4  }
0x518: {  	v4 =	vperm.xlane v3, v0;
	_ =	sdelay $0x1  }
0x519: {  	v4 =	vadd.s32 v1, v4;
	_ =	sdelay $0x3  }
0x51a: {  	v3 =	vperm.xlane v3, v2  }
0x51b: {  	[tilespmem:s13], [sflag:$0x1] =	stream.indirect_vreg.gather [hbm4b:s5+s3], $0x80, v4, vm0, $0xb8;
	[tilespmem:$0x19000] =	vst v63  }
0x51c: {  	s30 =	simm.s32 $0x1800;
	v3 =	vadd.s32 v1, v3  }
0x51d: {  	[tilespmem:s30], [sflag:$0x1] =	stream.indirect_vreg.gather [hbm4b:s6+s3], $0x80, v4, vm0, $0xb8;
	[tilespmem:$0x19000] =	vst v63  }
0x51e: {  	s30 =	simm.s32 $0x2000  }
0x51f: {  	[tilespmem:s30], [sflag:$0x1] =	stream.indirect_vreg.gather [hbm4b:s7+s3], $0x80, v4, vm0, $0xb8;
	[tilespmem:$0x19000] =	vst v63  }
0x520: {  	s30 =	simm.s32 $0x2800  }
0x521: {  	[tilespmem:s30], [sflag:$0x1] =	stream.indirect_vreg.gather [hbm4b:s5+s3], $0x80, v3, vm0, $0xb8;
	[tilespmem:$0x19000] =	vst v63  }
0x522: {  	_ = 	snop  }
0x523: {  	[tilespmem:s12], [sflag:$0x1] =	stream.indirect_vreg.gather [hbm4b:s6+s3], $0x80, v3, vm0, $0xb8;
	[tilespmem:$0x19000] =	vst v63  }
0x524: {  	s30 =	simm.s32 $0x3800  }
0x525: {  	[tilespmem:s30], [sflag:$0x1] =	stream.indirect_vreg.gather [hbm4b:s7+s3], $0x80, v3, vm0, $0xb8;
	[tilespmem:$0x19000] =	vst v63  }
0x526: {  	v3 =	vld [tilespmem:$0x710];
	_ =	sdelay $0x4  }
0x527: {  	v57 =	vshrl.u32 v3, $0x3  }
0x528: {  	v4 =	vmul.u32 $0x30, v57  }
0x529: {  	v3 =	vand.u32 $0x7, v3  }
0x52a: {  	v3 =	vor.u32 v3, v4  }
0x52b: {  	v4 =	vperm.xlane v3, v0;
	_ =	sdelay $0x1  }
0x52c: {  	v4 =	vadd.s32 v1, v4;
	_ =	sdelay $0x3  }
0x52d: {  	v3 =	vperm.xlane v3, v2  }
0x52e: {  	[tilespmem:s17], [sflag:$0x1] =	stream.indirect_vreg.gather [hbm4b:s5+s3], $0x80, v4, vm0, $0xb8;
	[tilespmem:$0x19000] =	vst v63  }
0x52f: {  	v3 =	vadd.s32 v1, v3  }
0x530: {  	[tilespmem:s15], [sflag:$0x1] =	stream.indirect_vreg.gather [hbm4b:s6+s3], $0x80, v4, vm0, $0xb8;
	[tilespmem:$0x19000] =	vst v63  }
0x531: {  	s30 =	simm.s32 $0x5000  }
0x532: {  	[tilespmem:s30], [sflag:$0x1] =	stream.indirect_vreg.gather [hbm4b:s7+s3], $0x80, v4, vm0, $0xb8;
	[tilespmem:$0x19000] =	vst v63  }
0x533: {  	s15 =	simm.s32 $0x5800  }
0x534: {  	[tilespmem:s15], [sflag:$0x1] =	stream.indirect_vreg.gather [hbm4b:s5+s3], $0x80, v3, vm0, $0xb8;
	[tilespmem:$0x19000] =	vst v63  }
0x535: {  	_ = 	snop  }
0x536: {  	[tilespmem:s11], [sflag:$0x1] =	stream.indirect_vreg.gather [hbm4b:s6+s3], $0x80, v3, vm0, $0xb8;
	[tilespmem:$0x19000] =	vst v63  }
0x537: {  	_ = 	snop  }
0x538: {  	[tilespmem:s18], [sflag:$0x1] =	stream.indirect_vreg.gather [hbm4b:s7+s3], $0x80, v3, vm0, $0xb8;
	[tilespmem:$0x19000] =	vst v63  }
0x539: {  	_ =	swait.ge [sflag:s21], $0x6000  }
0x53a: {  	s17 =	sld [smem:$0x7F7]  }
0x53b: {  	[sflag:s21] =	ssyncset.done $0x0  }
0x53c: {  	[sflag:s21] =	ssyncadd.s32 $0xFFFFA000  }
0x53d: {  	[hbm4b:s17+s3] =	stream.linear.scatter [tilespmem:s28], [sflag:$0x6], $0x6000, $0x38;
	[tilespmem:$0x19000] =	vst v63  }
0x53e: {  	_ =	swait.ge [sflag:s22], $0x6000  }
0x53f: {  	[sflag:s22] =	ssyncset.done $0x0  }
0x540: {  	[sflag:s22] =	ssyncadd.s32 $0xFFFFA000  }
0x541: {  	v3 =	vld [tilespmem:$0xF00];
	_ =	sdelay $0x4  }
0x542: {  	v58 =	vshrl.u32 v3, $0x3  }
0x543: {  	v4 =	vmul.u32 $0x30, v58  }
0x544: {  	v3 =	vand.u32 $0x7, v3  }
0x545: {  	v3 =	vor.u32 v3, v4  }
0x546: {  	v4 =	vperm.xlane v3, v0;
	_ =	sdelay $0x1  }
0x547: {  	v4 =	vadd.s32 v1, v4;
	_ =	sdelay $0x3  }
0x548: {  	v3 =	vperm.xlane v3, v2  }
0x549: {  	[tilespmem:s31], [sflag:$0x3] =	stream.indirect_vreg.gather [hbm4b:s1+s3], $0x80, v4, vm0, $0xb8;
	[tilespmem:$0x19000] =	vst v63  }
0x54a: {  	s18 =	simm.s32 $0xD800;
	v3 =	vadd.s32 v1, v3  }
0x54b: {  	[tilespmem:s18], [sflag:$0x3] =	stream.indirect_vreg.gather [hbm4b:s8+s3], $0x80, v4, vm0, $0xb8;
	[tilespmem:$0x19000] =	vst v63  }
0x54c: {  	s30 =	simm.s32 $0xE000  }
0x54d: {  	[tilespmem:s30], [sflag:$0x3] =	stream.indirect_vreg.gather [hbm4b:s9+s3], $0x80, v4, vm0, $0xb8;
	[tilespmem:$0x19000] =	vst v63  }
0x54e: {  	s12 =	simm.s32 $0xE800  }
0x54f: {  	[tilespmem:s12], [sflag:$0x3] =	stream.indirect_vreg.gather [hbm4b:s1+s3], $0x80, v3, vm0, $0xb8;
	[tilespmem:$0x19000] =	vst v63  }
0x550: {  	s15 =	simm.s32 $0xF000  }
0x551: {  	[tilespmem:s15], [sflag:$0x3] =	stream.indirect_vreg.gather [hbm4b:s8+s3], $0x80, v3, vm0, $0xb8;
	[tilespmem:$0x19000] =	vst v63  }
0x552: {  	s17 =	simm.s32 $0xF800  }
0x553: {  	[tilespmem:s17], [sflag:$0x3] =	stream.indirect_vreg.gather [hbm4b:s9+s3], $0x80, v3, vm0, $0xb8;
	[tilespmem:$0x19000] =	vst v63  }
0x554: {  	v3 =	vld [tilespmem:$0xF10];
	_ =	sdelay $0x4  }
0x555: {  	v59 =	vshrl.u32 v3, $0x3  }
0x556: {  	v4 =	vmul.u32 $0x30, v59  }
0x557: {  	v3 =	vand.u32 $0x7, v3  }
0x558: {  	v3 =	vor.u32 v3, v4  }
0x559: {  	v4 =	vperm.xlane v3, v0;
	_ =	sdelay $0x1  }
0x55a: {  	v4 =	vadd.s32 v1, v4;
	_ =	sdelay $0x3  }
0x55b: {  	s18 =	simm.s32 $0x10000;
	v3 =	vperm.xlane v3, v2  }
0x55c: {  	[tilespmem:s18], [sflag:$0x3] =	stream.indirect_vreg.gather [hbm4b:s1+s3], $0x80, v4, vm0, $0xb8;
	[tilespmem:$0x19000] =	vst v63  }
0x55d: {  	s30 =	simm.s32 $0x10800;
	v3 =	vadd.s32 v1, v3  }
0x55e: {  	[tilespmem:s30], [sflag:$0x3] =	stream.indirect_vreg.gather [hbm4b:s8+s3], $0x80, v4, vm0, $0xb8;
	[tilespmem:$0x19000] =	vst v63  }
0x55f: {  	_ = 	snop  }
0x560: {  	[tilespmem:s10], [sflag:$0x3] =	stream.indirect_vreg.gather [hbm4b:s9+s3], $0x80, v4, vm0, $0xb8;
	[tilespmem:$0x19000] =	vst v63  }
0x561: {  	_ = 	snop  }
0x562: {  	[tilespmem:s14], [sflag:$0x3] =	stream.indirect_vreg.gather [hbm4b:s1+s3], $0x80, v3, vm0, $0xb8;
	[tilespmem:$0x19000] =	vst v63  }
0x563: {  	s12 =	simm.s32 $0x12000  }
0x564: {  	[tilespmem:s12], [sflag:$0x3] =	stream.indirect_vreg.gather [hbm4b:s8+s3], $0x80, v3, vm0, $0xb8;
	[tilespmem:$0x19000] =	vst v63  }
0x565: {  	s14 =	simm.s32 $0x12800  }
0x566: {  	[tilespmem:s14], [sflag:$0x3] =	stream.indirect_vreg.gather [hbm4b:s9+s3], $0x80, v3, vm0, $0xb8;
	[tilespmem:$0x19000] =	vst v63  }
0x567: {  	_ =	swait.ge [sflag:s23], $0x6000  }
0x568: {  	s15 =	sld [smem:$0x7F8]  }
0x569: {  	[sflag:s23] =	ssyncset.done $0x0  }
0x56a: {  	[sflag:s23] =	ssyncadd.s32 $0xFFFFA000  }
0x56b: {  	[hbm4b:s15+s3] =	stream.linear.scatter [tilespmem:s24], [sflag:$0x8], $0x6000, $0x38;
	[tilespmem:$0x19000] =	vst v63  }
0x56c: {  	_ =	swait.ge [sflag:s25], $0x6000  }
0x56d: {  	[sflag:s25] =	ssyncset.done $0x0  }
0x56e: {  	[sflag:s25] =	ssyncadd.s32 $0xFFFFA000  }
0x56f: {  	v3 =	vld [tilespmem:$0x780];
	_ =	sdelay $0x4  }
0x570: {  	v60 =	vshrl.u32 v3, $0x3  }
0x571: {  	v4 =	vmul.u32 $0x30, v60  }
0x572: {  	v3 =	vand.u32 $0x7, v3  }
0x573: {  	v3 =	vor.u32 v3, v4  }
0x574: {  	v4 =	vperm.xlane v3, v0;
	_ =	sdelay $0x1  }
0x575: {  	v4 =	vadd.s32 v1, v4;
	_ =	sdelay $0x3  }
0x576: {  	v3 =	vperm.xlane v3, v2  }
0x577: {  	[tilespmem:s28], [sflag:$0x2] =	stream.indirect_vreg.gather [hbm4b:s5+s3], $0x80, v4, vm0, $0xb8;
	[tilespmem:$0x19000] =	vst v63  }
0x578: {  	s17 =	simm.s32 $0x7800;
	v3 =	vadd.s32 v1, v3  }
0x579: {  	[tilespmem:s17], [sflag:$0x2] =	stream.indirect_vreg.gather [hbm4b:s6+s3], $0x80, v4, vm0, $0xb8;
	[tilespmem:$0x19000] =	vst v63  }
0x57a: {  	s18 =	simm.s32 $0x8000  }
0x57b: {  	[tilespmem:s18], [sflag:$0x2] =	stream.indirect_vreg.gather [hbm4b:s7+s3], $0x80, v4, vm0, $0xb8;
	[tilespmem:$0x19000] =	vst v63  }
0x57c: {  	s30 =	simm.s32 $0x8800  }
0x57d: {  	[tilespmem:s30], [sflag:$0x2] =	stream.indirect_vreg.gather [hbm4b:s5+s3], $0x80, v3, vm0, $0xb8;
	[tilespmem:$0x19000] =	vst v63  }
0x57e: {  	s11 =	simm.s32 $0x9000  }
0x57f: {  	[tilespmem:s11], [sflag:$0x2] =	stream.indirect_vreg.gather [hbm4b:s6+s3], $0x80, v3, vm0, $0xb8;
	[tilespmem:$0x19000] =	vst v63  }
0x580: {  	s12 =	simm.s32 $0x9800  }
0x581: {  	[tilespmem:s12], [sflag:$0x2] =	stream.indirect_vreg.gather [hbm4b:s7+s3], $0x80, v3, vm0, $0xb8;
	[tilespmem:$0x19000] =	vst v63  }
0x582: {  	v3 =	vld [tilespmem:$0x790];
	_ =	sdelay $0x4  }
0x583: {  	v61 =	vshrl.u32 v3, $0x3  }
0x584: {  	v4 =	vmul.u32 $0x30, v61  }
0x585: {  	v3 =	vand.u32 $0x7, v3  }
0x586: {  	v3 =	vor.u32 v3, v4  }
0x587: {  	v4 =	vperm.xlane v3, v0;
	_ =	sdelay $0x1  }
0x588: {  	v4 =	vadd.s32 v1, v4;
	_ =	sdelay $0x3  }
0x589: {  	s16 =	simm.s32 $0xA000;
	v3 =	vperm.xlane v3, v2  }
0x58a: {  	[tilespmem:s16], [sflag:$0x2] =	stream.indirect_vreg.gather [hbm4b:s5+s3], $0x80, v4, vm0, $0xb8;
	[tilespmem:$0x19000] =	vst v63  }
0x58b: {  	s14 =	simm.s32 $0xA800;
	v3 =	vadd.s32 v1, v3  }
0x58c: {  	[tilespmem:s14], [sflag:$0x2] =	stream.indirect_vreg.gather [hbm4b:s6+s3], $0x80, v4, vm0, $0xb8;
	[tilespmem:$0x19000] =	vst v63  }
0x58d: {  	s15 =	simm.s32 $0xB000  }
0x58e: {  	[tilespmem:s15], [sflag:$0x2] =	stream.indirect_vreg.gather [hbm4b:s7+s3], $0x80, v4, vm0, $0xb8;
	[tilespmem:$0x19000] =	vst v63  }
0x58f: {  	s16 =	simm.s32 $0xB800  }
0x590: {  	[tilespmem:s16], [sflag:$0x2] =	stream.indirect_vreg.gather [hbm4b:s5+s3], $0x80, v3, vm0, $0xb8;
	[tilespmem:$0x19000] =	vst v63  }
0x591: {  	s17 =	simm.s32 $0xC000  }
0x592: {  	[tilespmem:s17], [sflag:$0x2] =	stream.indirect_vreg.gather [hbm4b:s6+s3], $0x80, v3, vm0, $0xb8;
	[tilespmem:$0x19000] =	vst v63  }
0x593: {  	s4 =	simm.s32 $0xC800  }
0x594: {  	[tilespmem:s4], [sflag:$0x2] =	stream.indirect_vreg.gather [hbm4b:s7+s3], $0x80, v3, vm0, $0xb8;
	[tilespmem:$0x19000] =	vst v63  }
0x595: {  	_ =	swait.ge [sflag:s29], $0x6000  }
0x596: {  	s18 =	sld [smem:$0x7F9]  }
0x597: {  	[sflag:s29] =	ssyncset.done $0x0  }
0x598: {  	s13 =	simm.s32 $0x1000;
	[sflag:s29] =	ssyncadd.s32 $0xFFFFA000  }
0x599: {  	[hbm4b:s18+s3] =	stream.linear.scatter [tilespmem:s13], [sflag:$0x5], $0x6000, $0x38;
	[tilespmem:$0x19000] =	vst v63  }
0x59a: {  	_ =	swait.ge [sflag:s26], $0x6000  }
0x59b: {  	[sflag:s26] =	ssyncset.done $0x0  }
0x59c: {  	[sflag:s26] =	ssyncadd.s32 $0xFFFFA000  }
0x59d: {  	v3 =	vld [tilespmem:$0xF80];
	_ =	sdelay $0x4  }
0x59e: {  	v62 =	vshrl.u32 v3, $0x3  }
0x59f: {  	v4 =	vmul.u32 $0x30, v62  }
0x5a0: {  	v3 =	vand.u32 $0x7, v3  }
0x5a1: {  	v3 =	vor.u32 v3, v4  }
0x5a2: {  	v4 =	vperm.xlane v3, v0;
	_ =	sdelay $0x1  }
0x5a3: {  	v4 =	vadd.s32 v1, v4;
	_ =	sdelay $0x3  }
0x5a4: {  	v3 =	vperm.xlane v3, v2  }
0x5a5: {  	[tilespmem:s24], [sflag:$0x4] =	stream.indirect_vreg.gather [hbm4b:s1+s3], $0x80, v4, vm0, $0xb8;
	[tilespmem:$0x19000] =	vst v63  }
0x5a6: {  	v3 =	vadd.s32 v1, v3  }
0x5a7: {  	[tilespmem:s0], [sflag:$0x4] =	stream.indirect_vreg.gather [hbm4b:s8+s3], $0x80, v4, vm0, $0xb8;
	[tilespmem:$0x19000] =	vst v63  }
0x5a8: {  	_ = 	snop  }
0x5a9: {  	[tilespmem:s2], [sflag:$0x4] =	stream.indirect_vreg.gather [hbm4b:s9+s3], $0x80, v4, vm0, $0xb8;
	[tilespmem:$0x19000] =	vst v63  }
0x5aa: {  	s2 =	simm.s32 $0x14800  }
0x5ab: {  	[tilespmem:s2], [sflag:$0x4] =	stream.indirect_vreg.gather [hbm4b:s1+s3], $0x80, v3, vm0, $0xb8;
	[tilespmem:$0x19000] =	vst v63  }
0x5ac: {  	s4 =	simm.s32 $0x15000  }
0x5ad: {  	[tilespmem:s4], [sflag:$0x4] =	stream.indirect_vreg.gather [hbm4b:s8+s3], $0x80, v3, vm0, $0xb8;
	[tilespmem:$0x19000] =	vst v63  }
0x5ae: {  	s10 =	simm.s32 $0x15800  }
0x5af: {  	[tilespmem:s10], [sflag:$0x4] =	stream.indirect_vreg.gather [hbm4b:s9+s3], $0x80, v3, vm0, $0xb8;
	[tilespmem:$0x19000] =	vst v63  }
0x5b0: {  	v3 =	vld [tilespmem:$0xF90];
	_ =	sdelay $0x4  }
0x5b1: {  	v63 =	vshrl.u32 v3, $0x3  }
0x5b2: {  	v4 =	vmul.u32 $0x30, v63  }
0x5b3: {  	v3 =	vand.u32 $0x7, v3  }
0x5b4: {  	v3 =	vor.u32 v3, v4  }
0x5b5: {  	v4 =	vperm.xlane v3, v0;
	_ =	sdelay $0x1  }
0x5b6: {  	v4 =	vadd.s32 v1, v4;
	_ =	sdelay $0x3  }
0x5b7: {  	s11 =	simm.s32 $0x16000;
	v3 =	vperm.xlane v3, v2  }
0x5b8: {  	[tilespmem:s11], [sflag:$0x4] =	stream.indirect_vreg.gather [hbm4b:s1+s3], $0x80, v4, vm0, $0xb8;
	[tilespmem:$0x19000] =	vst v63  }
0x5b9: {  	s12 =	simm.s32 $0x16800;
	v3 =	vadd.s32 v1, v3  }
0x5ba: {  	[tilespmem:s12], [sflag:$0x4] =	stream.indirect_vreg.gather [hbm4b:s8+s3], $0x80, v4, vm0, $0xb8;
	[tilespmem:$0x19000] =	vst v63  }
0x5bb: {  	s13 =	simm.s32 $0x17000  }
0x5bc: {  	[tilespmem:s13], [sflag:$0x4] =	stream.indirect_vreg.gather [hbm4b:s9+s3], $0x80, v4, vm0, $0xb8;
	[tilespmem:$0x19000] =	vst v63  }
0x5bd: {  	s14 =	simm.s32 $0x17800  }
0x5be: {  	[tilespmem:s14], [sflag:$0x4] =	stream.indirect_vreg.gather [hbm4b:s1+s3], $0x80, v3, vm0, $0xb8;
	[tilespmem:$0x19000] =	vst v63  }
0x5bf: {  	s15 =	simm.s32 $0x18000  }
0x5c0: {  	[tilespmem:s15], [sflag:$0x4] =	stream.indirect_vreg.gather [hbm4b:s8+s3], $0x80, v3, vm0, $0xb8;
	[tilespmem:$0x19000] =	vst v63  }
0x5c1: {  	s16 =	simm.s32 $0x18800  }
0x5c2: {  	[tilespmem:s16], [sflag:$0x4] =	stream.indirect_vreg.gather [hbm4b:s9+s3], $0x80, v3, vm0, $0xb8;
	[tilespmem:$0x19000] =	vst v63  }
0x5c3: {  	s2 =	sld [smem:$0x7F5];
	_ =	swait.ge [sflag:s19], $0x6000  }
0x5c4: {  	s17 =	sld [smem:$0x7FA]  }
0x5c5: {  	[sflag:s19] =	ssyncset.done $0x0  }
0x5c6: {  	[sflag:s19] =	ssyncadd.s32 $0xFFFFA000  }
0x5c7: {  	[hbm4b:s17+s3] =	stream.linear.scatter [tilespmem:s31], [sflag:$0x7], $0x6000, $0x38;
	[tilespmem:$0x19000] =	vst v63  }
0x5c8: {  	_ =	swait.ge [sflag:s20], $0x6000  }
0x5c9: {  	[sflag:s20] =	ssyncset.done $0x0  }
0x5ca: {  	[sflag:s20] =	ssyncadd.s32 $0xFFFFA000  }
0x5cb: {  	_ =	swait.ge [sflag:s21], $0x6000  }
0x5cc: {  	s18 =	sld [smem:$0x7FB]  }
0x5cd: {  	[sflag:s21] =	ssyncset.done $0x0  }
0x5ce: {  	[sflag:s21] =	ssyncadd.s32 $0xFFFFA000  }
0x5cf: {  	[hbm4b:s18+s3] =	stream.linear.scatter [tilespmem:s28], [sflag:$0x6], $0x6000, $0x38;
	[tilespmem:$0x19000] =	vst v63  }
0x5d0: {  	_ =	swait.ge [sflag:s22], $0x6000  }
0x5d1: {  	[sflag:s22] =	ssyncset.done $0x0  }
0x5d2: {  	[sflag:s22] =	ssyncadd.s32 $0xFFFFA000  }
0x5d3: {  	_ =	swait.ge [sflag:s23], $0x6000  }
0x5d4: {  	s31 =	sld [smem:$0x7FC]  }
0x5d5: {  	[sflag:s23] =	ssyncset.done $0x0  }
0x5d6: {  	[sflag:s23] =	ssyncadd.s32 $0xFFFFA000  }
0x5d7: {  	[hbm4b:s31+s3] =	stream.linear.scatter [tilespmem:s24], [sflag:$0x8], $0x6000, $0x38;
	[tilespmem:$0x19000] =	vst v63  }
0x5d8: {  	p0 =	sne.s32 s2, $0x1;
	_ =	swait.ge [sflag:s25], $0x6000  }
.Ltmp0:
0x5d9: {  	[sflag:s25] =	ssyncset.done $0x0;
	(pc) =	sbr.rel @p0 .LBB2_1-.Ltmp0, $4  }
0x5da: {  	[sflag:s25] =	ssyncadd.s32 $0xFFFFA000  }
0x5db: {  	_ =	swait.ge [sflag:s26], $0x6000  }
0x5dc: {  	[sflag:s26] =	ssyncset.done $0x0  }
0x5dd: {  	s2 =	sadd.s32 $0xFFFFFFFF, s2;
	[sflag:s26] =	ssyncadd.s32 $0xFFFFA000  }
0x5de: {  	_ =	sfence.sel $0x180000  }
0x5df: {  	[bflag:$0x0] =	sbarrier.arrive $0xFFFF  }
0x5e0: {  	_ =	strace $0x90000047  }
0x5e1: {  	s0 =	stileid.u32;
	[bflag:$0x2] =	sbarrier.arrive $0xFFFF  }
0x5e2: {  	p0 =	sne.s32 s0, $0x0;
	s0 =	rddreg [dreg:$0x4]  }
0x5e3: {  	s0 =	sadd.s32 @!p0 $0x100000, s0  }
0x5e4: {  	[sflag:s0] =	ssyncadd.tile.s32 @!p0 $0x1;
	_ =	shalt  }
.Lfunc_end2:
_tile_overlayer_lowered:
.L_overlay_start_2:
0x5e5: {  	(tag) =	ssettag $0x2  }
0x5e6: {  	s0 =	rddreg [dreg:$0x0];
	s2 =	stileid.u32  }
0x5e7: {  	s1 =	rddreg [dreg:$0x1];
	p0 =	sne.s32 s2, $0x0  }
0x5e8: {  	s3 =	rddreg [dreg:$0x2];
	[bflag:$0x3] =	sbarrier.arrive $0xFFFF;
	s2 =	simm.s32 @!p0 $0x1C09  }
0x5e9: {  	[timem:s3], [sflag:s2] =	dma.local @!p0 [hbm:s0], s1  }
0x5ea: {  	s0 =	simm.s32 @!p0 $0x9  }
0x5eb: {  	_ =	swait.ge @!p0 [sflag:s0], s1  }
0x5ec: {  	s1 =	ssub.s32 @!p0 $0x0, s1;
	[sflag:s0] =	ssyncset.done @!p0 $0x0  }
0x5ed: {  	[sflag:s0] =	ssyncadd.s32 @!p0 s1  }
0x5ee: {  	[bflag:$0x3] =	sbarrier.arrive $0xFFFF  }
0x5ef: {  	_ =	shalt  }

</sc_bundles>
